<compile_context>
chip_gen: v7x
topology: tpu7x:2x2x1
jax: 0.10.2.dev20260603
libtpu: 0.0.44.dev20260713+nightly
codegen_flags: <defaults>
</compile_context>

<pallas_src>
import functools

import jax
import jax.numpy as jnp
from jax import lax
from jax.experimental import pallas as pl
from jax.experimental.pallas import tpu as pltpu
from jax.experimental.pallas import tpu_sc as plsc

_VOCAB = 1000000
_MAXLEN = 200
_DIM = 32
_BATCH = 4096
_NW = 32
_BBLK = _BATCH // _NW
_RING = 4

_mesh = plsc.VectorSubcoreMesh(core_axis_name="c", subcore_axis_name="s")


@functools.partial(
    pl.kernel,
    out_type=jax.ShapeDtypeStruct((_MAXLEN, _DIM // 8, _NW, 8, _BBLK),
                                  jnp.float32),
    mesh=_mesh,
    compiler_params=pltpu.CompilerParams(use_tc_tiling_on_sc=False,
                                         needs_layout_passes=False),
    scratch_types=(
        [pltpu.VMEM((_MAXLEN, _BBLK), jnp.int32),
         pltpu.VMEM((_MAXLEN, _DIM), jnp.float32)]
        + [pltpu.VMEM((_BBLK, _DIM), jnp.float32)] * 4
        + [pltpu.VMEM((_DIM // 8, 8, _BBLK), jnp.float32)] * 2
        + [pltpu.SemaphoreType.DMA, pltpu.SemaphoreType.DMA]
    ),
)
def _embed_kernel(xT_hbm, tok_hbm, pos_hbm, out_hbm,
                  idx_v, pos_v, r0, r1, r2, r3,
                  obuf0, obuf1, sg, sw):
    ring = (r0, r1, r2, r3)
    obufs = (obuf0, obuf1)
    wid = lax.axis_index("s") * 2 + lax.axis_index("c")

    pltpu.sync_copy(xT_hbm.at[:, pl.ds(wid * _BBLK, _BBLK)], idx_v)
    pltpu.sync_copy(pos_hbm, pos_v)

    riota = lax.iota(jnp.int32, 16)
    rvecs = [riota + (16 * bl) for bl in range(_BBLK // 16)]

    def fire(m, rows):
        pltpu.async_copy(tok_hbm.at[idx_v.at[m]], rows, sg)

    def drain_gather(rows):
        pltpu.make_async_copy(tok_hbm.at[pl.ds(0, _BBLK)], rows, sg).wait()

    def drain_write(obuf):
        pltpu.make_async_copy(out_hbm.at[0, :, 0], obuf, sw).wait()

    def transpose_add(m, rows, obuf):
        mvec = jnp.full((16,), m, jnp.int32)

        @plsc.parallel_loop(0, _DIM, step=1, unroll=4)
        def _(d):
            dvec = jnp.full((16,), d, jnp.int32)
            p = plsc.load_gather(pos_v, [mvec, dvec])
            for bl in range(_BBLK // 16):
                v = plsc.load_gather(rows, [rvecs[bl], dvec])
                obuf[d // 8, d % 8, pl.ds(bl * 16, 16)] = v + p

    def write(m, obuf):
        pltpu.async_copy(obuf, out_hbm.at[m, :, wid], sw)

    for ph in range(_RING):
        fire(ph, ring[ph])

    def group(g, carry):
        for ph in range(_RING):
            m = g * _RING + ph
            drain_gather(ring[ph])

            @pl.when(m >= 2)
            def _():
                drain_write(obufs[ph % 2])

            transpose_add(m, ring[ph], obufs[ph % 2])
            write(m, obufs[ph % 2])

            @pl.when(m + _RING < _MAXLEN)
            def _():
                fire(m + _RING, ring[ph])
        return carry

    lax.fori_loop(0, _MAXLEN // _RING, group, 0)
    drain_write(obuf0)
    drain_write(obuf1)


def kernel(x, token_table, pos_table):
    xT = x.astype(jnp.int32).T
    o5 = _embed_kernel(xT, token_table, pos_table)
    out = jnp.transpose(o5, (2, 4, 0, 1, 3))
    return out.reshape(_BATCH, _MAXLEN, _DIM)

# --- scband reference (transcript-rebuilt; emitter-appended) ---
"""Pipeline reference for scband-token-and-position-embedding-40664750358734 (READ-ONLY COPY).

The authoritative reference and input builder live on the scoring server;
editing this copy changes nothing except your own understanding.
"""

import jax, jax.numpy as jnp
import numpy as np

VOCAB = 1000000
MAXLEN = 200
EMBED_DIM = 32
BATCH = 4096

def setup_inputs(seed: int = 0) -> dict:
    key = jax.random.key(seed)
    k1, k2, k3 = jax.random.split(key, 3)
    x = jax.random.randint(k1, (BATCH, MAXLEN), 0, VOCAB, dtype=jnp.int64 if jax.config.jax_enable_x64 else jnp.int32)
    token_table = jax.random.normal(k2, (VOCAB, EMBED_DIM), dtype=jnp.float32) * 0.02
    pos_table = jax.random.normal(k3, (MAXLEN, EMBED_DIM), dtype=jnp.float32) * 0.02
    return {"x": x, "token_table": token_table, "pos_table": pos_table}

def reference(x, token_table, pos_table):
    # maxlen = tf.shape(x)[-1]
    maxlen = x.shape[-1]
    # positions = tf.range(0, maxlen)
    positions = jnp.arange(0, maxlen)
    # positions = self.pos_emb(positions)  -> embedding lookup
    pos = jnp.take(pos_table, positions, axis=0)            # [maxlen, embed_dim]
    # x = self.token_emb(x)                -> embedding lookup (gather)
    tok = jnp.take(token_table, x, axis=0)                  # [batch, maxlen, embed_dim]
    # return x + positions (broadcast over batch)
    return tok + pos

if __name__ == "__main__":
    import jax
    _d = setup_inputs()
    print(jax.jit(kernel)(*tuple(_d.values())))

</pallas_src>

<mosaic_0001>
#map = affine_map<(d0, d1) -> (0, 0)>
#map1 = affine_map<(d0, d1) -> (0, 0, 0, 0, 0)>
module attributes {stable_mosaic.version = 14 : i64} {
  func.func @_embed_kernel(%arg0: i32, %arg1: i32, %arg2: memref<200x4096xi32, #tpu.memory_space<hbm>>, %arg3: memref<1000000x32xf32, #tpu.memory_space<hbm>>, %arg4: memref<200x32xf32, #tpu.memory_space<hbm>>, %arg5: memref<200x4x32x8x128xf32, #tpu.memory_space<hbm>>, %arg6: memref<200x128xi32, #tpu.memory_space<vmem>>, %arg7: memref<200x32xf32, #tpu.memory_space<vmem>>, %arg8: memref<128x32xf32, #tpu.memory_space<vmem>>, %arg9: memref<128x32xf32, #tpu.memory_space<vmem>>, %arg10: memref<128x32xf32, #tpu.memory_space<vmem>>, %arg11: memref<128x32xf32, #tpu.memory_space<vmem>>, %arg12: memref<4x8x128xf32, #tpu.memory_space<vmem>>, %arg13: memref<4x8x128xf32, #tpu.memory_space<vmem>>, %arg14: memref<!tpu.dma_semaphore, #tpu.memory_space<semaphore_mem>>, %arg15: memref<!tpu.dma_semaphore, #tpu.memory_space<semaphore_mem>>) attributes {dimension_semantics = [#tpu.dimension_semantics<core_parallel>, #tpu.dimension_semantics<subcore_parallel>], iteration_bounds = array<i64: 2, 16>, scalar_prefetch = 0 : i64, scratch_operands = 10 : i64, tpu.core_type = #tpu.core_type<sc_vector_subcore>, window_params = [{transform_indices = #map}, {transform_indices = #map}, {transform_indices = #map}, {transform_indices = #map1}]} {
    %mul3A = arith.constant 2 : i32
    %mul3A_0 = arith.muli %arg1, %mul3A : i32
    %add3A = arith.addi %mul3A_0, %arg0 : i32
    %mul3A_1 = arith.constant 128 : i32
    %mul3A_2 = arith.muli %add3A, %mul3A_1 : i32
    "tpu.region"() ({
      %run_scoped3A = tpu.sem_alloc : memref<!tpu.dma_semaphore, #tpu.memory_space<semaphore_mem>>
      %dma_start3A_82 = arith.constant 0 : i32
      %dma_start3A_83 = tpu.memref_slice %arg2[%dma_start3A_82, %mul3A_2] : memref<200x4096xi32, #tpu.memory_space<hbm>> -> memref<200x128xi32, #tpu.memory_space<hbm>>
      %dma_start3A_84 = arith.constant 0 : i32
      %dma_start3A_85 = tpu.memref_slice %arg2[%dma_start3A_84, %mul3A_2] : memref<200x4096xi32, #tpu.memory_space<hbm>> -> memref<200x128xi32, #tpu.memory_space<hbm>>
      tpu.enqueue_dma source(%dma_start3A_85 : memref<200x128xi32, #tpu.memory_space<hbm>>) target(%arg6 : memref<200x128xi32, #tpu.memory_space<vmem>>) target_semaphore(%run_scoped3A : memref<!tpu.dma_semaphore, #tpu.memory_space<semaphore_mem>>)
      %dma_wait3A_86 = arith.constant 0 : i32
      %dma_wait3A_87 = tpu.memref_slice %arg2[%dma_wait3A_86, %mul3A_2] : memref<200x4096xi32, #tpu.memory_space<hbm>> -> memref<200x128xi32, #tpu.memory_space<hbm>>
      %dma_wait3A_88 = arith.constant 0 : i32
      %dma_wait3A_89 = tpu.memref_slice %arg2[%dma_wait3A_88, %mul3A_2] : memref<200x4096xi32, #tpu.memory_space<hbm>> -> memref<200x128xi32, #tpu.memory_space<hbm>>
      tpu.wait_dma2 semaphore(%run_scoped3A : memref<!tpu.dma_semaphore, #tpu.memory_space<semaphore_mem>>) src(%dma_wait3A_89 : memref<200x128xi32, #tpu.memory_space<hbm>>) dst(%arg6 : memref<200x128xi32, #tpu.memory_space<vmem>>)
      tpu.yield
    }) : () -> ()
    "tpu.region"() ({
      %run_scoped3A = tpu.sem_alloc : memref<!tpu.dma_semaphore, #tpu.memory_space<semaphore_mem>>
      tpu.enqueue_dma source(%arg4 : memref<200x32xf32, #tpu.memory_space<hbm>>) target(%arg7 : memref<200x32xf32, #tpu.memory_space<vmem>>) target_semaphore(%run_scoped3A : memref<!tpu.dma_semaphore, #tpu.memory_space<semaphore_mem>>)
      tpu.wait_dma2 semaphore(%run_scoped3A : memref<!tpu.dma_semaphore, #tpu.memory_space<semaphore_mem>>) src(%arg4 : memref<200x32xf32, #tpu.memory_space<hbm>>) dst(%arg7 : memref<200x32xf32, #tpu.memory_space<vmem>>)
      tpu.yield
    }) : () -> ()
    %iota3A = tpu.iota {dimensions = array<i32: 0>} : vector<16xi32>
    %add3A_3 = arith.constant 0 : i32
    %add3A_4 = vector.broadcast %add3A_3 : i32 to vector<16xi32>
    %add3A_5 = arith.addi %iota3A, %add3A_4 : vector<16xi32>
    %add3A_6 = arith.constant 16 : i32
    %add3A_7 = vector.broadcast %add3A_6 : i32 to vector<16xi32>
    %add3A_8 = arith.addi %iota3A, %add3A_7 : vector<16xi32>
    %add3A_9 = arith.constant 32 : i32
    %add3A_10 = vector.broadcast %add3A_9 : i32 to vector<16xi32>
    %add3A_11 = arith.addi %iota3A, %add3A_10 : vector<16xi32>
    %add3A_12 = arith.constant 48 : i32
    %add3A_13 = vector.broadcast %add3A_12 : i32 to vector<16xi32>
    %add3A_14 = arith.addi %iota3A, %add3A_13 : vector<16xi32>
    %add3A_15 = arith.constant 64 : i32
    %add3A_16 = vector.broadcast %add3A_15 : i32 to vector<16xi32>
    %add3A_17 = arith.addi %iota3A, %add3A_16 : vector<16xi32>
    %add3A_18 = arith.constant 80 : i32
    %add3A_19 = vector.broadcast %add3A_18 : i32 to vector<16xi32>
    %add3A_20 = arith.addi %iota3A, %add3A_19 : vector<16xi32>
    %add3A_21 = arith.constant 96 : i32
    %add3A_22 = vector.broadcast %add3A_21 : i32 to vector<16xi32>
    %add3A_23 = arith.addi %iota3A, %add3A_22 : vector<16xi32>
    %add3A_24 = arith.constant 112 : i32
    %add3A_25 = vector.broadcast %add3A_24 : i32 to vector<16xi32>
    %add3A_26 = arith.addi %iota3A, %add3A_25 : vector<16xi32>
    %dma_start3A = arith.constant 0 : i32
    %dma_start3A_27 = arith.constant 0 : i32
    %dma_start3A_28 = tpu.memref_slice %arg6[%dma_start3A, %dma_start3A_27] : memref<200x128xi32, #tpu.memory_space<vmem>> -> memref<1x128xi32, #tpu.memory_space<vmem>>
    %dma_start3A_29 = tpu.memref_squeeze %dma_start3A_28 : memref<1x128xi32, #tpu.memory_space<vmem>> -> memref<128xi32, #tpu.memory_space<vmem>>
    %dma_start3A_30 = arith.constant 0 : i32
    %dma_start3A_31 = arith.constant 0 : i32
    %dma_start3A_32 = tpu.memref_slice %arg3[%dma_start3A_30, %dma_start3A_31] : memref<1000000x32xf32, #tpu.memory_space<hbm>> -> memref<1000000x32xf32, #tpu.memory_space<hbm>>
    tpu.enqueue_indirect_dma source(%dma_start3A_32 : memref<1000000x32xf32, #tpu.memory_space<hbm>>) target(%arg8 : memref<128x32xf32, #tpu.memory_space<vmem>>) offsets(%dma_start3A_29 : memref<128xi32, #tpu.memory_space<vmem>>) semaphore(%arg14 : memref<!tpu.dma_semaphore, #tpu.memory_space<semaphore_mem>>)
    %dma_start3A_33 = arith.constant 1 : i32
    %dma_start3A_34 = arith.constant 0 : i32
    %dma_start3A_35 = tpu.memref_slice %arg6[%dma_start3A_33, %dma_start3A_34] : memref<200x128xi32, #tpu.memory_space<vmem>> -> memref<1x128xi32, #tpu.memory_space<vmem>>
    %dma_start3A_36 = tpu.memref_squeeze %dma_start3A_35 : memref<1x128xi32, #tpu.memory_space<vmem>> -> memref<128xi32, #tpu.memory_space<vmem>>
    %dma_start3A_37 = arith.constant 0 : i32
    %dma_start3A_38 = arith.constant 0 : i32
    %dma_start3A_39 = tpu.memref_slice %arg3[%dma_start3A_37, %dma_start3A_38] : memref<1000000x32xf32, #tpu.memory_space<hbm>> -> memref<1000000x32xf32, #tpu.memory_space<hbm>>
    tpu.enqueue_indirect_dma source(%dma_start3A_39 : memref<1000000x32xf32, #tpu.memory_space<hbm>>) target(%arg9 : memref<128x32xf32, #tpu.memory_space<vmem>>) offsets(%dma_start3A_36 : memref<128xi32, #tpu.memory_space<vmem>>) semaphore(%arg14 : memref<!tpu.dma_semaphore, #tpu.memory_space<semaphore_mem>>)
    %dma_start3A_40 = arith.constant 2 : i32
    %dma_start3A_41 = arith.constant 0 : i32
    %dma_start3A_42 = tpu.memref_slice %arg6[%dma_start3A_40, %dma_start3A_41] : memref<200x128xi32, #tpu.memory_space<vmem>> -> memref<1x128xi32, #tpu.memory_space<vmem>>
    %dma_start3A_43 = tpu.memref_squeeze %dma_start3A_42 : memref<1x128xi32, #tpu.memory_space<vmem>> -> memref<128xi32, #tpu.memory_space<vmem>>
    %dma_start3A_44 = arith.constant 0 : i32
    %dma_start3A_45 = arith.constant 0 : i32
    %dma_start3A_46 = tpu.memref_slice %arg3[%dma_start3A_44, %dma_start3A_45] : memref<1000000x32xf32, #tpu.memory_space<hbm>> -> memref<1000000x32xf32, #tpu.memory_space<hbm>>
    tpu.enqueue_indirect_dma source(%dma_start3A_46 : memref<1000000x32xf32, #tpu.memory_space<hbm>>) target(%arg10 : memref<128x32xf32, #tpu.memory_space<vmem>>) offsets(%dma_start3A_43 : memref<128xi32, #tpu.memory_space<vmem>>) semaphore(%arg14 : memref<!tpu.dma_semaphore, #tpu.memory_space<semaphore_mem>>)
    %dma_start3A_47 = arith.constant 3 : i32
    %dma_start3A_48 = arith.constant 0 : i32
    %dma_start3A_49 = tpu.memref_slice %arg6[%dma_start3A_47, %dma_start3A_48] : memref<200x128xi32, #tpu.memory_space<vmem>> -> memref<1x128xi32, #tpu.memory_space<vmem>>
    %dma_start3A_50 = tpu.memref_squeeze %dma_start3A_49 : memref<1x128xi32, #tpu.memory_space<vmem>> -> memref<128xi32, #tpu.memory_space<vmem>>
    %dma_start3A_51 = arith.constant 0 : i32
    %dma_start3A_52 = arith.constant 0 : i32
    %dma_start3A_53 = tpu.memref_slice %arg3[%dma_start3A_51, %dma_start3A_52] : memref<1000000x32xf32, #tpu.memory_space<hbm>> -> memref<1000000x32xf32, #tpu.memory_space<hbm>>
    tpu.enqueue_indirect_dma source(%dma_start3A_53 : memref<1000000x32xf32, #tpu.memory_space<hbm>>) target(%arg11 : memref<128x32xf32, #tpu.memory_space<vmem>>) offsets(%dma_start3A_50 : memref<128xi32, #tpu.memory_space<vmem>>) semaphore(%arg14 : memref<!tpu.dma_semaphore, #tpu.memory_space<semaphore_mem>>)
    %scan3A = arith.constant 0 : i32
    %scan3A_54 = arith.constant 0 : i32
    %scan3A_55 = arith.constant 50 : i32
    %scan3A_56 = arith.addi %scan3A_54, %scan3A_55 : i32
    %scan3A_57 = arith.constant 1 : i32
    scf.for %scan3A_82 = %scan3A_54 to %scan3A_56 step %scan3A_57  : i32 {
      %mul3A_83 = arith.constant 4 : i32
      %mul3A_84 = arith.muli %scan3A_82, %mul3A_83 : i32
      %add3A_85 = arith.constant 0 : i32
      %add3A_86 = arith.addi %mul3A_84, %add3A_85 : i32
      %dma_wait3A_87 = arith.constant 0 : i32
      %dma_wait3A_88 = arith.constant 0 : i32
      %dma_wait3A_89 = tpu.memref_slice %arg3[%dma_wait3A_87, %dma_wait3A_88] : memref<1000000x32xf32, #tpu.memory_space<hbm>> -> memref<128x32xf32, #tpu.memory_space<hbm>>
      %dma_wait3A_90 = arith.constant 0 : i32
      %dma_wait3A_91 = arith.constant 0 : i32
      %dma_wait3A_92 = tpu.memref_slice %arg3[%dma_wait3A_90, %dma_wait3A_91] : memref<1000000x32xf32, #tpu.memory_space<hbm>> -> memref<128x32xf32, #tpu.memory_space<hbm>>
      tpu.wait_dma2 semaphore(%arg14 : memref<!tpu.dma_semaphore, #tpu.memory_space<semaphore_mem>>) src(%dma_wait3A_92 : memref<128x32xf32, #tpu.memory_space<hbm>>) dst(%arg8 : memref<128x32xf32, #tpu.memory_space<vmem>>)
      %ge3A = arith.constant 2 : i32
      %ge3A_93 = arith.cmpi sge, %add3A_86, %ge3A : i32
      %convert_element_type3A = arith.extui %ge3A_93 : i1 to i32
      %cond3A = arith.constant 0 : i32
      %cond3A_94 = arith.cmpi ne, %convert_element_type3A, %cond3A : i32
      scf.if %cond3A_94 {
        %dma_wait3A_221 = arith.constant 0 : i32
        %dma_wait3A_222 = arith.constant 0 : i32
        %dma_wait3A_223 = arith.constant 0 : i32
        %dma_wait3A_224 = arith.constant 0 : i32
        %dma_wait3A_225 = arith.constant 0 : i32
        %dma_wait3A_226 = tpu.memref_slice %arg5[%dma_wait3A_221, %dma_wait3A_223, %dma_wait3A_222, %dma_wait3A_224, %dma_wait3A_225] : memref<200x4x32x8x128xf32, #tpu.memory_space<hbm>> -> memref<1x4x1x8x128xf32, #tpu.memory_space<hbm>>
        %dma_wait3A_227 = tpu.memref_squeeze %dma_wait3A_226 : memref<1x4x1x8x128xf32, #tpu.memory_space<hbm>> -> memref<4x8x128xf32, #tpu.memory_space<hbm>>
        %dma_wait3A_228 = arith.constant 0 : i32
        %dma_wait3A_229 = arith.constant 0 : i32
        %dma_wait3A_230 = arith.constant 0 : i32
        %dma_wait3A_231 = tpu.memref_slice %arg5[%dma_wait3A_221, %dma_wait3A_228, %dma_wait3A_222, %dma_wait3A_229, %dma_wait3A_230] : memref<200x4x32x8x128xf32, #tpu.memory_space<hbm>> -> memref<1x4x1x8x128xf32, #tpu.memory_space<hbm>>
        %dma_wait3A_232 = tpu.memref_squeeze %dma_wait3A_231 : memref<1x4x1x8x128xf32, #tpu.memory_space<hbm>> -> memref<4x8x128xf32, #tpu.memory_space<hbm>>
        tpu.wait_dma2 semaphore(%arg15 : memref<!tpu.dma_semaphore, #tpu.memory_space<semaphore_mem>>) src(%dma_wait3A_232 : memref<4x8x128xf32, #tpu.memory_space<hbm>>) dst(%arg12 : memref<4x8x128xf32, #tpu.memory_space<vmem>>)
      } else {
      }
      %broadcast_in_dim3A = vector.broadcast %add3A_86 : i32 to vector<16xi32>
      %parallel_loop3A = arith.constant 0 : i32
      %parallel_loop3A_95 = arith.constant 32 : i32
      %parallel_loop3A_96 = arith.constant 1 : i32
      scf.for %parallel_loop3A_221 = %parallel_loop3A to %parallel_loop3A_95 step %parallel_loop3A_96  : i32 {
        %parallel_loop3A_222 = vector.broadcast %parallel_loop3A_221 : i32 to vector<16xi32>
        %parallel_loop3A_223 = tpu.vector_load_idx %arg7[%broadcast_in_dim3A, %parallel_loop3A_222] : memref<200x32xf32, #tpu.memory_space<vmem>>[vector<16xi32>, vector<16xi32>], vector<16xf32>,
        %parallel_loop3A_224 = tpu.vector_load_idx %arg8[%add3A_5, %parallel_loop3A_222] : memref<128x32xf32, #tpu.memory_space<vmem>>[vector<16xi32>, vector<16xi32>], vector<16xf32>,
        %parallel_loop3A_225 = arith.addf %parallel_loop3A_224, %parallel_loop3A_223 : vector<16xf32>
        %parallel_loop3A_226 = arith.constant 8 : i32
        %parallel_loop3A_227 = arith.divsi %parallel_loop3A_221, %parallel_loop3A_226 : i32
        %parallel_loop3A_228 = arith.constant 0 : i32
        %parallel_loop3A_229 = arith.cmpi sgt, %parallel_loop3A_221, %parallel_loop3A_228 : i32
        %parallel_loop3A_230 = arith.extui %parallel_loop3A_229 : i1 to i32
        %parallel_loop3A_231 = arith.constant 0 : i32
        %parallel_loop3A_232 = arith.cmpi slt, %parallel_loop3A_221, %parallel_loop3A_231 : i32
        %parallel_loop3A_233 = arith.extui %parallel_loop3A_232 : i1 to i32
        %parallel_loop3A_234 = arith.subi %parallel_loop3A_230, %parallel_loop3A_233 : i32
        %parallel_loop3A_235 = arith.constant 0 : i32
        %parallel_loop3A_236 = arith.cmpi sgt, %parallel_loop3A_226, %parallel_loop3A_235 : i32
        %parallel_loop3A_237 = arith.extui %parallel_loop3A_236 : i1 to i32
        %parallel_loop3A_238 = arith.constant 0 : i32
        %parallel_loop3A_239 = arith.cmpi slt, %parallel_loop3A_226, %parallel_loop3A_238 : i32
        %parallel_loop3A_240 = arith.extui %parallel_loop3A_239 : i1 to i32
        %parallel_loop3A_241 = arith.subi %parallel_loop3A_237, %parallel_loop3A_240 : i32
        %parallel_loop3A_242 = arith.cmpi ne, %parallel_loop3A_234, %parallel_loop3A_241 : i32
        %parallel_loop3A_243 = arith.remsi %parallel_loop3A_221, %parallel_loop3A_226 : i32
        %parallel_loop3A_244 = arith.constant 0 : i32
        %parallel_loop3A_245 = arith.cmpi ne, %parallel_loop3A_243, %parallel_loop3A_244 : i32
        %parallel_loop3A_246 = arith.andi %parallel_loop3A_242, %parallel_loop3A_245 : i1
        %parallel_loop3A_247 = arith.constant 1 : i32
        %parallel_loop3A_248 = arith.subi %parallel_loop3A_227, %parallel_loop3A_247 : i32
        %parallel_loop3A_249 = arith.select %parallel_loop3A_246, %parallel_loop3A_248, %parallel_loop3A_227 : i32
        %parallel_loop3A_250 = arith.constant 8 : i32
        %parallel_loop3A_251 = arith.constant 0 : i32
        %parallel_loop3A_252 = arith.cmpi eq, %parallel_loop3A_250, %parallel_loop3A_251 : i32
        %parallel_loop3A_253 = arith.constant 1 : i32
        %parallel_loop3A_254 = arith.select %parallel_loop3A_252, %parallel_loop3A_253, %parallel_loop3A_250 : i32
        %parallel_loop3A_255 = arith.remsi %parallel_loop3A_221, %parallel_loop3A_254 : i32
        %parallel_loop3A_256 = arith.constant 0 : i32
        %parallel_loop3A_257 = arith.cmpi ne, %parallel_loop3A_255, %parallel_loop3A_256 : i32
        %parallel_loop3A_258 = arith.constant 0 : i32
        %parallel_loop3A_259 = arith.cmpi slt, %parallel_loop3A_255, %parallel_loop3A_258 : i32
        %parallel_loop3A_260 = arith.constant 0 : i32
        %parallel_loop3A_261 = arith.cmpi slt, %parallel_loop3A_254, %parallel_loop3A_260 : i32
        %parallel_loop3A_262 = arith.xori %parallel_loop3A_259, %parallel_loop3A_261 : i1
        %parallel_loop3A_263 = arith.andi %parallel_loop3A_262, %parallel_loop3A_257 : i1
        %parallel_loop3A_264 = arith.addi %parallel_loop3A_255, %parallel_loop3A_254 : i32
        %parallel_loop3A_265 = arith.select %parallel_loop3A_263, %parallel_loop3A_264, %parallel_loop3A_255 : i32
        %parallel_loop3A_266 = arith.index_cast %parallel_loop3A_249 : i32 to index
        %parallel_loop3A_267 = arith.index_cast %parallel_loop3A_265 : i32 to index
        %parallel_loop3A_268 = arith.constant 0 : index
        %parallel_loop3A_269 = tpu.vector_load %arg12[%parallel_loop3A_266, %parallel_loop3A_267, %parallel_loop3A_268] {strides = array<i32>} : memref<4x8x128xf32, #tpu.memory_space<vmem>>, vector<16xf32>,
        tpu.vector_store %arg12[%parallel_loop3A_266, %parallel_loop3A_267, %parallel_loop3A_268], %parallel_loop3A_225 {strides = array<i32>} : memref<4x8x128xf32, #tpu.memory_space<vmem>>, vector<16xf32>,
        %parallel_loop3A_270 = tpu.vector_load_idx %arg8[%add3A_8, %parallel_loop3A_222] : memref<128x32xf32, #tpu.memory_space<vmem>>[vector<16xi32>, vector<16xi32>], vector<16xf32>,
        %parallel_loop3A_271 = arith.addf %parallel_loop3A_270, %parallel_loop3A_223 : vector<16xf32>
        %parallel_loop3A_272 = arith.constant 8 : i32
        %parallel_loop3A_273 = arith.divsi %parallel_loop3A_221, %parallel_loop3A_272 : i32
        %parallel_loop3A_274 = arith.constant 0 : i32
        %parallel_loop3A_275 = arith.cmpi sgt, %parallel_loop3A_221, %parallel_loop3A_274 : i32
        %parallel_loop3A_276 = arith.extui %parallel_loop3A_275 : i1 to i32
        %parallel_loop3A_277 = arith.constant 0 : i32
        %parallel_loop3A_278 = arith.cmpi slt, %parallel_loop3A_221, %parallel_loop3A_277 : i32
        %parallel_loop3A_279 = arith.extui %parallel_loop3A_278 : i1 to i32
        %parallel_loop3A_280 = arith.subi %parallel_loop3A_276, %parallel_loop3A_279 : i32
        %parallel_loop3A_281 = arith.constant 0 : i32
        %parallel_loop3A_282 = arith.cmpi sgt, %parallel_loop3A_272, %parallel_loop3A_281 : i32
        %parallel_loop3A_283 = arith.extui %parallel_loop3A_282 : i1 to i32
        %parallel_loop3A_284 = arith.constant 0 : i32
        %parallel_loop3A_285 = arith.cmpi slt, %parallel_loop3A_272, %parallel_loop3A_284 : i32
        %parallel_loop3A_286 = arith.extui %parallel_loop3A_285 : i1 to i32
        %parallel_loop3A_287 = arith.subi %parallel_loop3A_283, %parallel_loop3A_286 : i32
        %parallel_loop3A_288 = arith.cmpi ne, %parallel_loop3A_280, %parallel_loop3A_287 : i32
        %parallel_loop3A_289 = arith.remsi %parallel_loop3A_221, %parallel_loop3A_272 : i32
        %parallel_loop3A_290 = arith.constant 0 : i32
        %parallel_loop3A_291 = arith.cmpi ne, %parallel_loop3A_289, %parallel_loop3A_290 : i32
        %parallel_loop3A_292 = arith.andi %parallel_loop3A_288, %parallel_loop3A_291 : i1
        %parallel_loop3A_293 = arith.constant 1 : i32
        %parallel_loop3A_294 = arith.subi %parallel_loop3A_273, %parallel_loop3A_293 : i32
        %parallel_loop3A_295 = arith.select %parallel_loop3A_292, %parallel_loop3A_294, %parallel_loop3A_273 : i32
        %parallel_loop3A_296 = arith.constant 8 : i32
        %parallel_loop3A_297 = arith.constant 0 : i32
        %parallel_loop3A_298 = arith.cmpi eq, %parallel_loop3A_296, %parallel_loop3A_297 : i32
        %parallel_loop3A_299 = arith.constant 1 : i32
        %parallel_loop3A_300 = arith.select %parallel_loop3A_298, %parallel_loop3A_299, %parallel_loop3A_296 : i32
        %parallel_loop3A_301 = arith.remsi %parallel_loop3A_221, %parallel_loop3A_300 : i32
        %parallel_loop3A_302 = arith.constant 0 : i32
        %parallel_loop3A_303 = arith.cmpi ne, %parallel_loop3A_301, %parallel_loop3A_302 : i32
        %parallel_loop3A_304 = arith.constant 0 : i32
        %parallel_loop3A_305 = arith.cmpi slt, %parallel_loop3A_301, %parallel_loop3A_304 : i32
        %parallel_loop3A_306 = arith.constant 0 : i32
        %parallel_loop3A_307 = arith.cmpi slt, %parallel_loop3A_300, %parallel_loop3A_306 : i32
        %parallel_loop3A_308 = arith.xori %parallel_loop3A_305, %parallel_loop3A_307 : i1
        %parallel_loop3A_309 = arith.andi %parallel_loop3A_308, %parallel_loop3A_303 : i1
        %parallel_loop3A_310 = arith.addi %parallel_loop3A_301, %parallel_loop3A_300 : i32
        %parallel_loop3A_311 = arith.select %parallel_loop3A_309, %parallel_loop3A_310, %parallel_loop3A_301 : i32
        %parallel_loop3A_312 = arith.index_cast %parallel_loop3A_295 : i32 to index
        %parallel_loop3A_313 = arith.index_cast %parallel_loop3A_311 : i32 to index
        %parallel_loop3A_314 = arith.constant 16 : index
        %parallel_loop3A_315 = tpu.vector_load %arg12[%parallel_loop3A_312, %parallel_loop3A_313, %parallel_loop3A_314] {strides = array<i32>} : memref<4x8x128xf32, #tpu.memory_space<vmem>>, vector<16xf32>,
        tpu.vector_store %arg12[%parallel_loop3A_312, %parallel_loop3A_313, %parallel_loop3A_314], %parallel_loop3A_271 {strides = array<i32>} : memref<4x8x128xf32, #tpu.memory_space<vmem>>, vector<16xf32>,
        %parallel_loop3A_316 = tpu.vector_load_idx %arg8[%add3A_11, %parallel_loop3A_222] : memref<128x32xf32, #tpu.memory_space<vmem>>[vector<16xi32>, vector<16xi32>], vector<16xf32>,
        %parallel_loop3A_317 = arith.addf %parallel_loop3A_316, %parallel_loop3A_223 : vector<16xf32>
        %parallel_loop3A_318 = arith.constant 8 : i32
        %parallel_loop3A_319 = arith.divsi %parallel_loop3A_221, %parallel_loop3A_318 : i32
        %parallel_loop3A_320 = arith.constant 0 : i32
        %parallel_loop3A_321 = arith.cmpi sgt, %parallel_loop3A_221, %parallel_loop3A_320 : i32
        %parallel_loop3A_322 = arith.extui %parallel_loop3A_321 : i1 to i32
        %parallel_loop3A_323 = arith.constant 0 : i32
        %parallel_loop3A_324 = arith.cmpi slt, %parallel_loop3A_221, %parallel_loop3A_323 : i32
        %parallel_loop3A_325 = arith.extui %parallel_loop3A_324 : i1 to i32
        %parallel_loop3A_326 = arith.subi %parallel_loop3A_322, %parallel_loop3A_325 : i32
        %parallel_loop3A_327 = arith.constant 0 : i32
        %parallel_loop3A_328 = arith.cmpi sgt, %parallel_loop3A_318, %parallel_loop3A_327 : i32
        %parallel_loop3A_329 = arith.extui %parallel_loop3A_328 : i1 to i32
        %parallel_loop3A_330 = arith.constant 0 : i32
        %parallel_loop3A_331 = arith.cmpi slt, %parallel_loop3A_318, %parallel_loop3A_330 : i32
        %parallel_loop3A_332 = arith.extui %parallel_loop3A_331 : i1 to i32
        %parallel_loop3A_333 = arith.subi %parallel_loop3A_329, %parallel_loop3A_332 : i32
        %parallel_loop3A_334 = arith.cmpi ne, %parallel_loop3A_326, %parallel_loop3A_333 : i32
        %parallel_loop3A_335 = arith.remsi %parallel_loop3A_221, %parallel_loop3A_318 : i32
        %parallel_loop3A_336 = arith.constant 0 : i32
        %parallel_loop3A_337 = arith.cmpi ne, %parallel_loop3A_335, %parallel_loop3A_336 : i32
        %parallel_loop3A_338 = arith.andi %parallel_loop3A_334, %parallel_loop3A_337 : i1
        %parallel_loop3A_339 = arith.constant 1 : i32
        %parallel_loop3A_340 = arith.subi %parallel_loop3A_319, %parallel_loop3A_339 : i32
        %parallel_loop3A_341 = arith.select %parallel_loop3A_338, %parallel_loop3A_340, %parallel_loop3A_319 : i32
        %parallel_loop3A_342 = arith.constant 8 : i32
        %parallel_loop3A_343 = arith.constant 0 : i32
        %parallel_loop3A_344 = arith.cmpi eq, %parallel_loop3A_342, %parallel_loop3A_343 : i32
        %parallel_loop3A_345 = arith.constant 1 : i32
        %parallel_loop3A_346 = arith.select %parallel_loop3A_344, %parallel_loop3A_345, %parallel_loop3A_342 : i32
        %parallel_loop3A_347 = arith.remsi %parallel_loop3A_221, %parallel_loop3A_346 : i32
        %parallel_loop3A_348 = arith.constant 0 : i32
        %parallel_loop3A_349 = arith.cmpi ne, %parallel_loop3A_347, %parallel_loop3A_348 : i32
        %parallel_loop3A_350 = arith.constant 0 : i32
        %parallel_loop3A_351 = arith.cmpi slt, %parallel_loop3A_347, %parallel_loop3A_350 : i32
        %parallel_loop3A_352 = arith.constant 0 : i32
        %parallel_loop3A_353 = arith.cmpi slt, %parallel_loop3A_346, %parallel_loop3A_352 : i32
        %parallel_loop3A_354 = arith.xori %parallel_loop3A_351, %parallel_loop3A_353 : i1
        %parallel_loop3A_355 = arith.andi %parallel_loop3A_354, %parallel_loop3A_349 : i1
        %parallel_loop3A_356 = arith.addi %parallel_loop3A_347, %parallel_loop3A_346 : i32
        %parallel_loop3A_357 = arith.select %parallel_loop3A_355, %parallel_loop3A_356, %parallel_loop3A_347 : i32
        %parallel_loop3A_358 = arith.index_cast %parallel_loop3A_341 : i32 to index
        %parallel_loop3A_359 = arith.index_cast %parallel_loop3A_357 : i32 to index
        %parallel_loop3A_360 = arith.constant 32 : index
        %parallel_loop3A_361 = tpu.vector_load %arg12[%parallel_loop3A_358, %parallel_loop3A_359, %parallel_loop3A_360] {strides = array<i32>} : memref<4x8x128xf32, #tpu.memory_space<vmem>>, vector<16xf32>,
        tpu.vector_store %arg12[%parallel_loop3A_358, %parallel_loop3A_359, %parallel_loop3A_360], %parallel_loop3A_317 {strides = array<i32>} : memref<4x8x128xf32, #tpu.memory_space<vmem>>, vector<16xf32>,
        %parallel_loop3A_362 = tpu.vector_load_idx %arg8[%add3A_14, %parallel_loop3A_222] : memref<128x32xf32, #tpu.memory_space<vmem>>[vector<16xi32>, vector<16xi32>], vector<16xf32>,
        %parallel_loop3A_363 = arith.addf %parallel_loop3A_362, %parallel_loop3A_223 : vector<16xf32>
        %parallel_loop3A_364 = arith.constant 8 : i32
        %parallel_loop3A_365 = arith.divsi %parallel_loop3A_221, %parallel_loop3A_364 : i32
        %parallel_loop3A_366 = arith.constant 0 : i32
        %parallel_loop3A_367 = arith.cmpi sgt, %parallel_loop3A_221, %parallel_loop3A_366 : i32
        %parallel_loop3A_368 = arith.extui %parallel_loop3A_367 : i1 to i32
        %parallel_loop3A_369 = arith.constant 0 : i32
        %parallel_loop3A_370 = arith.cmpi slt, %parallel_loop3A_221, %parallel_loop3A_369 : i32
        %parallel_loop3A_371 = arith.extui %parallel_loop3A_370 : i1 to i32
        %parallel_loop3A_372 = arith.subi %parallel_loop3A_368, %parallel_loop3A_371 : i32
        %parallel_loop3A_373 = arith.constant 0 : i32
        %parallel_loop3A_374 = arith.cmpi sgt, %parallel_loop3A_364, %parallel_loop3A_373 : i32
        %parallel_loop3A_375 = arith.extui %parallel_loop3A_374 : i1 to i32
        %parallel_loop3A_376 = arith.constant 0 : i32
        %parallel_loop3A_377 = arith.cmpi slt, %parallel_loop3A_364, %parallel_loop3A_376 : i32
        %parallel_loop3A_378 = arith.extui %parallel_loop3A_377 : i1 to i32
        %parallel_loop3A_379 = arith.subi %parallel_loop3A_375, %parallel_loop3A_378 : i32
        %parallel_loop3A_380 = arith.cmpi ne, %parallel_loop3A_372, %parallel_loop3A_379 : i32
        %parallel_loop3A_381 = arith.remsi %parallel_loop3A_221, %parallel_loop3A_364 : i32
        %parallel_loop3A_382 = arith.constant 0 : i32
        %parallel_loop3A_383 = arith.cmpi ne, %parallel_loop3A_381, %parallel_loop3A_382 : i32
        %parallel_loop3A_384 = arith.andi %parallel_loop3A_380, %parallel_loop3A_383 : i1
        %parallel_loop3A_385 = arith.constant 1 : i32
        %parallel_loop3A_386 = arith.subi %parallel_loop3A_365, %parallel_loop3A_385 : i32
        %parallel_loop3A_387 = arith.select %parallel_loop3A_384, %parallel_loop3A_386, %parallel_loop3A_365 : i32
        %parallel_loop3A_388 = arith.constant 8 : i32
        %parallel_loop3A_389 = arith.constant 0 : i32
        %parallel_loop3A_390 = arith.cmpi eq, %parallel_loop3A_388, %parallel_loop3A_389 : i32
        %parallel_loop3A_391 = arith.constant 1 : i32
        %parallel_loop3A_392 = arith.select %parallel_loop3A_390, %parallel_loop3A_391, %parallel_loop3A_388 : i32
        %parallel_loop3A_393 = arith.remsi %parallel_loop3A_221, %parallel_loop3A_392 : i32
        %parallel_loop3A_394 = arith.constant 0 : i32
        %parallel_loop3A_395 = arith.cmpi ne, %parallel_loop3A_393, %parallel_loop3A_394 : i32
        %parallel_loop3A_396 = arith.constant 0 : i32
        %parallel_loop3A_397 = arith.cmpi slt, %parallel_loop3A_393, %parallel_loop3A_396 : i32
        %parallel_loop3A_398 = arith.constant 0 : i32
        %parallel_loop3A_399 = arith.cmpi slt, %parallel_loop3A_392, %parallel_loop3A_398 : i32
        %parallel_loop3A_400 = arith.xori %parallel_loop3A_397, %parallel_loop3A_399 : i1
        %parallel_loop3A_401 = arith.andi %parallel_loop3A_400, %parallel_loop3A_395 : i1
        %parallel_loop3A_402 = arith.addi %parallel_loop3A_393, %parallel_loop3A_392 : i32
        %parallel_loop3A_403 = arith.select %parallel_loop3A_401, %parallel_loop3A_402, %parallel_loop3A_393 : i32
        %parallel_loop3A_404 = arith.index_cast %parallel_loop3A_387 : i32 to index
        %parallel_loop3A_405 = arith.index_cast %parallel_loop3A_403 : i32 to index
        %parallel_loop3A_406 = arith.constant 48 : index
        %parallel_loop3A_407 = tpu.vector_load %arg12[%parallel_loop3A_404, %parallel_loop3A_405, %parallel_loop3A_406] {strides = array<i32>} : memref<4x8x128xf32, #tpu.memory_space<vmem>>, vector<16xf32>,
        tpu.vector_store %arg12[%parallel_loop3A_404, %parallel_loop3A_405, %parallel_loop3A_406], %parallel_loop3A_363 {strides = array<i32>} : memref<4x8x128xf32, #tpu.memory_space<vmem>>, vector<16xf32>,
        %parallel_loop3A_408 = tpu.vector_load_idx %arg8[%add3A_17, %parallel_loop3A_222] : memref<128x32xf32, #tpu.memory_space<vmem>>[vector<16xi32>, vector<16xi32>], vector<16xf32>,
        %parallel_loop3A_409 = arith.addf %parallel_loop3A_408, %parallel_loop3A_223 : vector<16xf32>
        %parallel_loop3A_410 = arith.constant 8 : i32
        %parallel_loop3A_411 = arith.divsi %parallel_loop3A_221, %parallel_loop3A_410 : i32
        %parallel_loop3A_412 = arith.constant 0 : i32
        %parallel_loop3A_413 = arith.cmpi sgt, %parallel_loop3A_221, %parallel_loop3A_412 : i32
        %parallel_loop3A_414 = arith.extui %parallel_loop3A_413 : i1 to i32
        %parallel_loop3A_415 = arith.constant 0 : i32
        %parallel_loop3A_416 = arith.cmpi slt, %parallel_loop3A_221, %parallel_loop3A_415 : i32
        %parallel_loop3A_417 = arith.extui %parallel_loop3A_416 : i1 to i32
        %parallel_loop3A_418 = arith.subi %parallel_loop3A_414, %parallel_loop3A_417 : i32
        %parallel_loop3A_419 = arith.constant 0 : i32
        %parallel_loop3A_420 = arith.cmpi sgt, %parallel_loop3A_410, %parallel_loop3A_419 : i32
        %parallel_loop3A_421 = arith.extui %parallel_loop3A_420 : i1 to i32
        %parallel_loop3A_422 = arith.constant 0 : i32
        %parallel_loop3A_423 = arith.cmpi slt, %parallel_loop3A_410, %parallel_loop3A_422 : i32
        %parallel_loop3A_424 = arith.extui %parallel_loop3A_423 : i1 to i32
        %parallel_loop3A_425 = arith.subi %parallel_loop3A_421, %parallel_loop3A_424 : i32
        %parallel_loop3A_426 = arith.cmpi ne, %parallel_loop3A_418, %parallel_loop3A_425 : i32
        %parallel_loop3A_427 = arith.remsi %parallel_loop3A_221, %parallel_loop3A_410 : i32
        %parallel_loop3A_428 = arith.constant 0 : i32
        %parallel_loop3A_429 = arith.cmpi ne, %parallel_loop3A_427, %parallel_loop3A_428 : i32
        %parallel_loop3A_430 = arith.andi %parallel_loop3A_426, %parallel_loop3A_429 : i1
        %parallel_loop3A_431 = arith.constant 1 : i32
        %parallel_loop3A_432 = arith.subi %parallel_loop3A_411, %parallel_loop3A_431 : i32
        %parallel_loop3A_433 = arith.select %parallel_loop3A_430, %parallel_loop3A_432, %parallel_loop3A_411 : i32
        %parallel_loop3A_434 = arith.constant 8 : i32
        %parallel_loop3A_435 = arith.constant 0 : i32
        %parallel_loop3A_436 = arith.cmpi eq, %parallel_loop3A_434, %parallel_loop3A_435 : i32
        %parallel_loop3A_437 = arith.constant 1 : i32
        %parallel_loop3A_438 = arith.select %parallel_loop3A_436, %parallel_loop3A_437, %parallel_loop3A_434 : i32
        %parallel_loop3A_439 = arith.remsi %parallel_loop3A_221, %parallel_loop3A_438 : i32
        %parallel_loop3A_440 = arith.constant 0 : i32
        %parallel_loop3A_441 = arith.cmpi ne, %parallel_loop3A_439, %parallel_loop3A_440 : i32
        %parallel_loop3A_442 = arith.constant 0 : i32
        %parallel_loop3A_443 = arith.cmpi slt, %parallel_loop3A_439, %parallel_loop3A_442 : i32
        %parallel_loop3A_444 = arith.constant 0 : i32
        %parallel_loop3A_445 = arith.cmpi slt, %parallel_loop3A_438, %parallel_loop3A_444 : i32
        %parallel_loop3A_446 = arith.xori %parallel_loop3A_443, %parallel_loop3A_445 : i1
        %parallel_loop3A_447 = arith.andi %parallel_loop3A_446, %parallel_loop3A_441 : i1
        %parallel_loop3A_448 = arith.addi %parallel_loop3A_439, %parallel_loop3A_438 : i32
        %parallel_loop3A_449 = arith.select %parallel_loop3A_447, %parallel_loop3A_448, %parallel_loop3A_439 : i32
        %parallel_loop3A_450 = arith.index_cast %parallel_loop3A_433 : i32 to index
        %parallel_loop3A_451 = arith.index_cast %parallel_loop3A_449 : i32 to index
        %parallel_loop3A_452 = arith.constant 64 : index
        %parallel_loop3A_453 = tpu.vector_load %arg12[%parallel_loop3A_450, %parallel_loop3A_451, %parallel_loop3A_452] {strides = array<i32>} : memref<4x8x128xf32, #tpu.memory_space<vmem>>, vector<16xf32>,
        tpu.vector_store %arg12[%parallel_loop3A_450, %parallel_loop3A_451, %parallel_loop3A_452], %parallel_loop3A_409 {strides = array<i32>} : memref<4x8x128xf32, #tpu.memory_space<vmem>>, vector<16xf32>,
        %parallel_loop3A_454 = tpu.vector_load_idx %arg8[%add3A_20, %parallel_loop3A_222] : memref<128x32xf32, #tpu.memory_space<vmem>>[vector<16xi32>, vector<16xi32>], vector<16xf32>,
        %parallel_loop3A_455 = arith.addf %parallel_loop3A_454, %parallel_loop3A_223 : vector<16xf32>
        %parallel_loop3A_456 = arith.constant 8 : i32
        %parallel_loop3A_457 = arith.divsi %parallel_loop3A_221, %parallel_loop3A_456 : i32
        %parallel_loop3A_458 = arith.constant 0 : i32
        %parallel_loop3A_459 = arith.cmpi sgt, %parallel_loop3A_221, %parallel_loop3A_458 : i32
        %parallel_loop3A_460 = arith.extui %parallel_loop3A_459 : i1 to i32
        %parallel_loop3A_461 = arith.constant 0 : i32
        %parallel_loop3A_462 = arith.cmpi slt, %parallel_loop3A_221, %parallel_loop3A_461 : i32
        %parallel_loop3A_463 = arith.extui %parallel_loop3A_462 : i1 to i32
        %parallel_loop3A_464 = arith.subi %parallel_loop3A_460, %parallel_loop3A_463 : i32
        %parallel_loop3A_465 = arith.constant 0 : i32
        %parallel_loop3A_466 = arith.cmpi sgt, %parallel_loop3A_456, %parallel_loop3A_465 : i32
        %parallel_loop3A_467 = arith.extui %parallel_loop3A_466 : i1 to i32
        %parallel_loop3A_468 = arith.constant 0 : i32
        %parallel_loop3A_469 = arith.cmpi slt, %parallel_loop3A_456, %parallel_loop3A_468 : i32
        %parallel_loop3A_470 = arith.extui %parallel_loop3A_469 : i1 to i32
        %parallel_loop3A_471 = arith.subi %parallel_loop3A_467, %parallel_loop3A_470 : i32
        %parallel_loop3A_472 = arith.cmpi ne, %parallel_loop3A_464, %parallel_loop3A_471 : i32
        %parallel_loop3A_473 = arith.remsi %parallel_loop3A_221, %parallel_loop3A_456 : i32
        %parallel_loop3A_474 = arith.constant 0 : i32
        %parallel_loop3A_475 = arith.cmpi ne, %parallel_loop3A_473, %parallel_loop3A_474 : i32
        %parallel_loop3A_476 = arith.andi %parallel_loop3A_472, %parallel_loop3A_475 : i1
        %parallel_loop3A_477 = arith.constant 1 : i32
        %parallel_loop3A_478 = arith.subi %parallel_loop3A_457, %parallel_loop3A_477 : i32
        %parallel_loop3A_479 = arith.select %parallel_loop3A_476, %parallel_loop3A_478, %parallel_loop3A_457 : i32
        %parallel_loop3A_480 = arith.constant 8 : i32
        %parallel_loop3A_481 = arith.constant 0 : i32
        %parallel_loop3A_482 = arith.cmpi eq, %parallel_loop3A_480, %parallel_loop3A_481 : i32
        %parallel_loop3A_483 = arith.constant 1 : i32
        %parallel_loop3A_484 = arith.select %parallel_loop3A_482, %parallel_loop3A_483, %parallel_loop3A_480 : i32
        %parallel_loop3A_485 = arith.remsi %parallel_loop3A_221, %parallel_loop3A_484 : i32
        %parallel_loop3A_486 = arith.constant 0 : i32
        %parallel_loop3A_487 = arith.cmpi ne, %parallel_loop3A_485, %parallel_loop3A_486 : i32
        %parallel_loop3A_488 = arith.constant 0 : i32
        %parallel_loop3A_489 = arith.cmpi slt, %parallel_loop3A_485, %parallel_loop3A_488 : i32
        %parallel_loop3A_490 = arith.constant 0 : i32
        %parallel_loop3A_491 = arith.cmpi slt, %parallel_loop3A_484, %parallel_loop3A_490 : i32
        %parallel_loop3A_492 = arith.xori %parallel_loop3A_489, %parallel_loop3A_491 : i1
        %parallel_loop3A_493 = arith.andi %parallel_loop3A_492, %parallel_loop3A_487 : i1
        %parallel_loop3A_494 = arith.addi %parallel_loop3A_485, %parallel_loop3A_484 : i32
        %parallel_loop3A_495 = arith.select %parallel_loop3A_493, %parallel_loop3A_494, %parallel_loop3A_485 : i32
        %parallel_loop3A_496 = arith.index_cast %parallel_loop3A_479 : i32 to index
        %parallel_loop3A_497 = arith.index_cast %parallel_loop3A_495 : i32 to index
        %parallel_loop3A_498 = arith.constant 80 : index
        %parallel_loop3A_499 = tpu.vector_load %arg12[%parallel_loop3A_496, %parallel_loop3A_497, %parallel_loop3A_498] {strides = array<i32>} : memref<4x8x128xf32, #tpu.memory_space<vmem>>, vector<16xf32>,
        tpu.vector_store %arg12[%parallel_loop3A_496, %parallel_loop3A_497, %parallel_loop3A_498], %parallel_loop3A_455 {strides = array<i32>} : memref<4x8x128xf32, #tpu.memory_space<vmem>>, vector<16xf32>,
        %parallel_loop3A_500 = tpu.vector_load_idx %arg8[%add3A_23, %parallel_loop3A_222] : memref<128x32xf32, #tpu.memory_space<vmem>>[vector<16xi32>, vector<16xi32>], vector<16xf32>,
        %parallel_loop3A_501 = arith.addf %parallel_loop3A_500, %parallel_loop3A_223 : vector<16xf32>
        %parallel_loop3A_502 = arith.constant 8 : i32
        %parallel_loop3A_503 = arith.divsi %parallel_loop3A_221, %parallel_loop3A_502 : i32
        %parallel_loop3A_504 = arith.constant 0 : i32
        %parallel_loop3A_505 = arith.cmpi sgt, %parallel_loop3A_221, %parallel_loop3A_504 : i32
        %parallel_loop3A_506 = arith.extui %parallel_loop3A_505 : i1 to i32
        %parallel_loop3A_507 = arith.constant 0 : i32
        %parallel_loop3A_508 = arith.cmpi slt, %parallel_loop3A_221, %parallel_loop3A_507 : i32
        %parallel_loop3A_509 = arith.extui %parallel_loop3A_508 : i1 to i32
        %parallel_loop3A_510 = arith.subi %parallel_loop3A_506, %parallel_loop3A_509 : i32
        %parallel_loop3A_511 = arith.constant 0 : i32
        %parallel_loop3A_512 = arith.cmpi sgt, %parallel_loop3A_502, %parallel_loop3A_511 : i32
        %parallel_loop3A_513 = arith.extui %parallel_loop3A_512 : i1 to i32
        %parallel_loop3A_514 = arith.constant 0 : i32
        %parallel_loop3A_515 = arith.cmpi slt, %parallel_loop3A_502, %parallel_loop3A_514 : i32
        %parallel_loop3A_516 = arith.extui %parallel_loop3A_515 : i1 to i32
        %parallel_loop3A_517 = arith.subi %parallel_loop3A_513, %parallel_loop3A_516 : i32
        %parallel_loop3A_518 = arith.cmpi ne, %parallel_loop3A_510, %parallel_loop3A_517 : i32
        %parallel_loop3A_519 = arith.remsi %parallel_loop3A_221, %parallel_loop3A_502 : i32
        %parallel_loop3A_520 = arith.constant 0 : i32
        %parallel_loop3A_521 = arith.cmpi ne, %parallel_loop3A_519, %parallel_loop3A_520 : i32
        %parallel_loop3A_522 = arith.andi %parallel_loop3A_518, %parallel_loop3A_521 : i1
        %parallel_loop3A_523 = arith.constant 1 : i32
        %parallel_loop3A_524 = arith.subi %parallel_loop3A_503, %parallel_loop3A_523 : i32
        %parallel_loop3A_525 = arith.select %parallel_loop3A_522, %parallel_loop3A_524, %parallel_loop3A_503 : i32
        %parallel_loop3A_526 = arith.constant 8 : i32
        %parallel_loop3A_527 = arith.constant 0 : i32
        %parallel_loop3A_528 = arith.cmpi eq, %parallel_loop3A_526, %parallel_loop3A_527 : i32
        %parallel_loop3A_529 = arith.constant 1 : i32
        %parallel_loop3A_530 = arith.select %parallel_loop3A_528, %parallel_loop3A_529, %parallel_loop3A_526 : i32
        %parallel_loop3A_531 = arith.remsi %parallel_loop3A_221, %parallel_loop3A_530 : i32
        %parallel_loop3A_532 = arith.constant 0 : i32
        %parallel_loop3A_533 = arith.cmpi ne, %parallel_loop3A_531, %parallel_loop3A_532 : i32
        %parallel_loop3A_534 = arith.constant 0 : i32
        %parallel_loop3A_535 = arith.cmpi slt, %parallel_loop3A_531, %parallel_loop3A_534 : i32
        %parallel_loop3A_536 = arith.constant 0 : i32
        %parallel_loop3A_537 = arith.cmpi slt, %parallel_loop3A_530, %parallel_loop3A_536 : i32
        %parallel_loop3A_538 = arith.xori %parallel_loop3A_535, %parallel_loop3A_537 : i1
        %parallel_loop3A_539 = arith.andi %parallel_loop3A_538, %parallel_loop3A_533 : i1
        %parallel_loop3A_540 = arith.addi %parallel_loop3A_531, %parallel_loop3A_530 : i32
        %parallel_loop3A_541 = arith.select %parallel_loop3A_539, %parallel_loop3A_540, %parallel_loop3A_531 : i32
        %parallel_loop3A_542 = arith.index_cast %parallel_loop3A_525 : i32 to index
        %parallel_loop3A_543 = arith.index_cast %parallel_loop3A_541 : i32 to index
        %parallel_loop3A_544 = arith.constant 96 : index
        %parallel_loop3A_545 = tpu.vector_load %arg12[%parallel_loop3A_542, %parallel_loop3A_543, %parallel_loop3A_544] {strides = array<i32>} : memref<4x8x128xf32, #tpu.memory_space<vmem>>, vector<16xf32>,
        tpu.vector_store %arg12[%parallel_loop3A_542, %parallel_loop3A_543, %parallel_loop3A_544], %parallel_loop3A_501 {strides = array<i32>} : memref<4x8x128xf32, #tpu.memory_space<vmem>>, vector<16xf32>,
        %parallel_loop3A_546 = tpu.vector_load_idx %arg8[%add3A_26, %parallel_loop3A_222] : memref<128x32xf32, #tpu.memory_space<vmem>>[vector<16xi32>, vector<16xi32>], vector<16xf32>,
        %parallel_loop3A_547 = arith.addf %parallel_loop3A_546, %parallel_loop3A_223 : vector<16xf32>
        %parallel_loop3A_548 = arith.constant 8 : i32
        %parallel_loop3A_549 = arith.divsi %parallel_loop3A_221, %parallel_loop3A_548 : i32
        %parallel_loop3A_550 = arith.constant 0 : i32
        %parallel_loop3A_551 = arith.cmpi sgt, %parallel_loop3A_221, %parallel_loop3A_550 : i32
        %parallel_loop3A_552 = arith.extui %parallel_loop3A_551 : i1 to i32
        %parallel_loop3A_553 = arith.constant 0 : i32
        %parallel_loop3A_554 = arith.cmpi slt, %parallel_loop3A_221, %parallel_loop3A_553 : i32
        %parallel_loop3A_555 = arith.extui %parallel_loop3A_554 : i1 to i32
        %parallel_loop3A_556 = arith.subi %parallel_loop3A_552, %parallel_loop3A_555 : i32
        %parallel_loop3A_557 = arith.constant 0 : i32
        %parallel_loop3A_558 = arith.cmpi sgt, %parallel_loop3A_548, %parallel_loop3A_557 : i32
        %parallel_loop3A_559 = arith.extui %parallel_loop3A_558 : i1 to i32
        %parallel_loop3A_560 = arith.constant 0 : i32
        %parallel_loop3A_561 = arith.cmpi slt, %parallel_loop3A_548, %parallel_loop3A_560 : i32
        %parallel_loop3A_562 = arith.extui %parallel_loop3A_561 : i1 to i32
        %parallel_loop3A_563 = arith.subi %parallel_loop3A_559, %parallel_loop3A_562 : i32
        %parallel_loop3A_564 = arith.cmpi ne, %parallel_loop3A_556, %parallel_loop3A_563 : i32
        %parallel_loop3A_565 = arith.remsi %parallel_loop3A_221, %parallel_loop3A_548 : i32
        %parallel_loop3A_566 = arith.constant 0 : i32
        %parallel_loop3A_567 = arith.cmpi ne, %parallel_loop3A_565, %parallel_loop3A_566 : i32
        %parallel_loop3A_568 = arith.andi %parallel_loop3A_564, %parallel_loop3A_567 : i1
        %parallel_loop3A_569 = arith.constant 1 : i32
        %parallel_loop3A_570 = arith.subi %parallel_loop3A_549, %parallel_loop3A_569 : i32
        %parallel_loop3A_571 = arith.select %parallel_loop3A_568, %parallel_loop3A_570, %parallel_loop3A_549 : i32
        %parallel_loop3A_572 = arith.constant 8 : i32
        %parallel_loop3A_573 = arith.constant 0 : i32
        %parallel_loop3A_574 = arith.cmpi eq, %parallel_loop3A_572, %parallel_loop3A_573 : i32
        %parallel_loop3A_575 = arith.constant 1 : i32
        %parallel_loop3A_576 = arith.select %parallel_loop3A_574, %parallel_loop3A_575, %parallel_loop3A_572 : i32
        %parallel_loop3A_577 = arith.remsi %parallel_loop3A_221, %parallel_loop3A_576 : i32
        %parallel_loop3A_578 = arith.constant 0 : i32
        %parallel_loop3A_579 = arith.cmpi ne, %parallel_loop3A_577, %parallel_loop3A_578 : i32
        %parallel_loop3A_580 = arith.constant 0 : i32
        %parallel_loop3A_581 = arith.cmpi slt, %parallel_loop3A_577, %parallel_loop3A_580 : i32
        %parallel_loop3A_582 = arith.constant 0 : i32
        %parallel_loop3A_583 = arith.cmpi slt, %parallel_loop3A_576, %parallel_loop3A_582 : i32
        %parallel_loop3A_584 = arith.xori %parallel_loop3A_581, %parallel_loop3A_583 : i1
        %parallel_loop3A_585 = arith.andi %parallel_loop3A_584, %parallel_loop3A_579 : i1
        %parallel_loop3A_586 = arith.addi %parallel_loop3A_577, %parallel_loop3A_576 : i32
        %parallel_loop3A_587 = arith.select %parallel_loop3A_585, %parallel_loop3A_586, %parallel_loop3A_577 : i32
        %parallel_loop3A_588 = arith.index_cast %parallel_loop3A_571 : i32 to index
        %parallel_loop3A_589 = arith.index_cast %parallel_loop3A_587 : i32 to index
        %parallel_loop3A_590 = arith.constant 112 : index
        %parallel_loop3A_591 = tpu.vector_load %arg12[%parallel_loop3A_588, %parallel_loop3A_589, %parallel_loop3A_590] {strides = array<i32>} : memref<4x8x128xf32, #tpu.memory_space<vmem>>, vector<16xf32>,
        tpu.vector_store %arg12[%parallel_loop3A_588, %parallel_loop3A_589, %parallel_loop3A_590], %parallel_loop3A_547 {strides = array<i32>} : memref<4x8x128xf32, #tpu.memory_space<vmem>>, vector<16xf32>,
      } {sc.loop_unroll_factor = 4 : i64, sc.parallel_access}
      %dma_start3A_97 = arith.constant 0 : i32
      %dma_start3A_98 = arith.constant 0 : i32
      %dma_start3A_99 = arith.constant 0 : i32
      %dma_start3A_100 = tpu.memref_slice %arg5[%add3A_86, %dma_start3A_97, %add3A, %dma_start3A_98, %dma_start3A_99] : memref<200x4x32x8x128xf32, #tpu.memory_space<hbm>> -> memref<1x4x1x8x128xf32, #tpu.memory_space<hbm>>
      %dma_start3A_101 = tpu.memref_squeeze %dma_start3A_100 : memref<1x4x1x8x128xf32, #tpu.memory_space<hbm>> -> memref<4x8x128xf32, #tpu.memory_space<hbm>>
      %dma_start3A_102 = arith.constant 0 : i32
      %dma_start3A_103 = arith.constant 0 : i32
      %dma_start3A_104 = arith.constant 0 : i32
      %dma_start3A_105 = tpu.memref_slice %arg5[%add3A_86, %dma_start3A_102, %add3A, %dma_start3A_103, %dma_start3A_104] : memref<200x4x32x8x128xf32, #tpu.memory_space<hbm>> -> memref<1x4x1x8x128xf32, #tpu.memory_space<hbm>>
      %dma_start3A_106 = tpu.memref_squeeze %dma_start3A_105 : memref<1x4x1x8x128xf32, #tpu.memory_space<hbm>> -> memref<4x8x128xf32, #tpu.memory_space<hbm>>
      tpu.enqueue_dma source(%arg12 : memref<4x8x128xf32, #tpu.memory_space<vmem>>) target(%dma_start3A_106 : memref<4x8x128xf32, #tpu.memory_space<hbm>>) target_semaphore(%arg15 : memref<!tpu.dma_semaphore, #tpu.memory_space<semaphore_mem>>)
      %add3A_107 = arith.constant 4 : i32
      %add3A_108 = arith.addi %add3A_86, %add3A_107 : i32
      %lt3A = arith.constant 200 : i32
      %lt3A_109 = arith.cmpi slt, %add3A_108, %lt3A : i32
      %convert_element_type3A_110 = arith.extui %lt3A_109 : i1 to i32
      %cond3A_111 = arith.constant 0 : i32
      %cond3A_112 = arith.cmpi ne, %convert_element_type3A_110, %cond3A_111 : i32
      scf.if %cond3A_112 {
        %add3A_221 = arith.constant 4 : i32
        %add3A_222 = arith.addi %add3A_86, %add3A_221 : i32
        %dma_start3A_223 = arith.constant 0 : i32
        %dma_start3A_224 = tpu.memref_slice %arg6[%add3A_222, %dma_start3A_223] : memref<200x128xi32, #tpu.memory_space<vmem>> -> memref<1x128xi32, #tpu.memory_space<vmem>>
        %dma_start3A_225 = tpu.memref_squeeze %dma_start3A_224 : memref<1x128xi32, #tpu.memory_space<vmem>> -> memref<128xi32, #tpu.memory_space<vmem>>
        %dma_start3A_226 = arith.constant 0 : i32
        %dma_start3A_227 = arith.constant 0 : i32
        %dma_start3A_228 = tpu.memref_slice %arg3[%dma_start3A_226, %dma_start3A_227] : memref<1000000x32xf32, #tpu.memory_space<hbm>> -> memref<1000000x32xf32, #tpu.memory_space<hbm>>
        tpu.enqueue_indirect_dma source(%dma_start3A_228 : memref<1000000x32xf32, #tpu.memory_space<hbm>>) target(%arg8 : memref<128x32xf32, #tpu.memory_space<vmem>>) offsets(%dma_start3A_225 : memref<128xi32, #tpu.memory_space<vmem>>) semaphore(%arg14 : memref<!tpu.dma_semaphore, #tpu.memory_space<semaphore_mem>>)
      } else {
      }
      %mul3A_113 = arith.constant 4 : i32
      %mul3A_114 = arith.muli %scan3A_82, %mul3A_113 : i32
      %add3A_115 = arith.constant 1 : i32
      %add3A_116 = arith.addi %mul3A_114, %add3A_115 : i32
      %dma_wait3A_117 = arith.constant 0 : i32
      %dma_wait3A_118 = arith.constant 0 : i32
      %dma_wait3A_119 = tpu.memref_slice %arg3[%dma_wait3A_117, %dma_wait3A_118] : memref<1000000x32xf32, #tpu.memory_space<hbm>> -> memref<128x32xf32, #tpu.memory_space<hbm>>
      %dma_wait3A_120 = arith.constant 0 : i32
      %dma_wait3A_121 = arith.constant 0 : i32
      %dma_wait3A_122 = tpu.memref_slice %arg3[%dma_wait3A_120, %dma_wait3A_121] : memref<1000000x32xf32, #tpu.memory_space<hbm>> -> memref<128x32xf32, #tpu.memory_space<hbm>>
      tpu.wait_dma2 semaphore(%arg14 : memref<!tpu.dma_semaphore, #tpu.memory_space<semaphore_mem>>) src(%dma_wait3A_122 : memref<128x32xf32, #tpu.memory_space<hbm>>) dst(%arg9 : memref<128x32xf32, #tpu.memory_space<vmem>>)
      %ge3A_123 = arith.constant 2 : i32
      %ge3A_124 = arith.cmpi sge, %add3A_116, %ge3A_123 : i32
      %convert_element_type3A_125 = arith.extui %ge3A_124 : i1 to i32
      %cond3A_126 = arith.constant 0 : i32
      %cond3A_127 = arith.cmpi ne, %convert_element_type3A_125, %cond3A_126 : i32
      scf.if %cond3A_127 {
        %dma_wait3A_221 = arith.constant 0 : i32
        %dma_wait3A_222 = arith.constant 0 : i32
        %dma_wait3A_223 = arith.constant 0 : i32
        %dma_wait3A_224 = arith.constant 0 : i32
        %dma_wait3A_225 = arith.constant 0 : i32
        %dma_wait3A_226 = tpu.memref_slice %arg5[%dma_wait3A_221, %dma_wait3A_223, %dma_wait3A_222, %dma_wait3A_224, %dma_wait3A_225] : memref<200x4x32x8x128xf32, #tpu.memory_space<hbm>> -> memref<1x4x1x8x128xf32, #tpu.memory_space<hbm>>
        %dma_wait3A_227 = tpu.memref_squeeze %dma_wait3A_226 : memref<1x4x1x8x128xf32, #tpu.memory_space<hbm>> -> memref<4x8x128xf32, #tpu.memory_space<hbm>>
        %dma_wait3A_228 = arith.constant 0 : i32
        %dma_wait3A_229 = arith.constant 0 : i32
        %dma_wait3A_230 = arith.constant 0 : i32
        %dma_wait3A_231 = tpu.memref_slice %arg5[%dma_wait3A_221, %dma_wait3A_228, %dma_wait3A_222, %dma_wait3A_229, %dma_wait3A_230] : memref<200x4x32x8x128xf32, #tpu.memory_space<hbm>> -> memref<1x4x1x8x128xf32, #tpu.memory_space<hbm>>
        %dma_wait3A_232 = tpu.memref_squeeze %dma_wait3A_231 : memref<1x4x1x8x128xf32, #tpu.memory_space<hbm>> -> memref<4x8x128xf32, #tpu.memory_space<hbm>>
        tpu.wait_dma2 semaphore(%arg15 : memref<!tpu.dma_semaphore, #tpu.memory_space<semaphore_mem>>) src(%dma_wait3A_232 : memref<4x8x128xf32, #tpu.memory_space<hbm>>) dst(%arg13 : memref<4x8x128xf32, #tpu.memory_space<vmem>>)
      } else {
      }
      %broadcast_in_dim3A_128 = vector.broadcast %add3A_116 : i32 to vector<16xi32>
      %parallel_loop3A_129 = arith.constant 0 : i32
      %parallel_loop3A_130 = arith.constant 32 : i32
      %parallel_loop3A_131 = arith.constant 1 : i32
      scf.for %parallel_loop3A_221 = %parallel_loop3A_129 to %parallel_loop3A_130 step %parallel_loop3A_131  : i32 {
        %parallel_loop3A_222 = vector.broadcast %parallel_loop3A_221 : i32 to vector<16xi32>
        %parallel_loop3A_223 = tpu.vector_load_idx %arg7[%broadcast_in_dim3A_128, %parallel_loop3A_222] : memref<200x32xf32, #tpu.memory_space<vmem>>[vector<16xi32>, vector<16xi32>], vector<16xf32>,
        %parallel_loop3A_224 = tpu.vector_load_idx %arg9[%add3A_5, %parallel_loop3A_222] : memref<128x32xf32, #tpu.memory_space<vmem>>[vector<16xi32>, vector<16xi32>], vector<16xf32>,
        %parallel_loop3A_225 = arith.addf %parallel_loop3A_224, %parallel_loop3A_223 : vector<16xf32>
        %parallel_loop3A_226 = arith.constant 8 : i32
        %parallel_loop3A_227 = arith.divsi %parallel_loop3A_221, %parallel_loop3A_226 : i32
        %parallel_loop3A_228 = arith.constant 0 : i32
        %parallel_loop3A_229 = arith.cmpi sgt, %parallel_loop3A_221, %parallel_loop3A_228 : i32
        %parallel_loop3A_230 = arith.extui %parallel_loop3A_229 : i1 to i32
        %parallel_loop3A_231 = arith.constant 0 : i32
        %parallel_loop3A_232 = arith.cmpi slt, %parallel_loop3A_221, %parallel_loop3A_231 : i32
        %parallel_loop3A_233 = arith.extui %parallel_loop3A_232 : i1 to i32
        %parallel_loop3A_234 = arith.subi %parallel_loop3A_230, %parallel_loop3A_233 : i32
        %parallel_loop3A_235 = arith.constant 0 : i32
        %parallel_loop3A_236 = arith.cmpi sgt, %parallel_loop3A_226, %parallel_loop3A_235 : i32
        %parallel_loop3A_237 = arith.extui %parallel_loop3A_236 : i1 to i32
        %parallel_loop3A_238 = arith.constant 0 : i32
        %parallel_loop3A_239 = arith.cmpi slt, %parallel_loop3A_226, %parallel_loop3A_238 : i32
        %parallel_loop3A_240 = arith.extui %parallel_loop3A_239 : i1 to i32
        %parallel_loop3A_241 = arith.subi %parallel_loop3A_237, %parallel_loop3A_240 : i32
        %parallel_loop3A_242 = arith.cmpi ne, %parallel_loop3A_234, %parallel_loop3A_241 : i32
        %parallel_loop3A_243 = arith.remsi %parallel_loop3A_221, %parallel_loop3A_226 : i32
        %parallel_loop3A_244 = arith.constant 0 : i32
        %parallel_loop3A_245 = arith.cmpi ne, %parallel_loop3A_243, %parallel_loop3A_244 : i32
        %parallel_loop3A_246 = arith.andi %parallel_loop3A_242, %parallel_loop3A_245 : i1
        %parallel_loop3A_247 = arith.constant 1 : i32
        %parallel_loop3A_248 = arith.subi %parallel_loop3A_227, %parallel_loop3A_247 : i32
        %parallel_loop3A_249 = arith.select %parallel_loop3A_246, %parallel_loop3A_248, %parallel_loop3A_227 : i32
        %parallel_loop3A_250 = arith.constant 8 : i32
        %parallel_loop3A_251 = arith.constant 0 : i32
        %parallel_loop3A_252 = arith.cmpi eq, %parallel_loop3A_250, %parallel_loop3A_251 : i32
        %parallel_loop3A_253 = arith.constant 1 : i32
        %parallel_loop3A_254 = arith.select %parallel_loop3A_252, %parallel_loop3A_253, %parallel_loop3A_250 : i32
        %parallel_loop3A_255 = arith.remsi %parallel_loop3A_221, %parallel_loop3A_254 : i32
        %parallel_loop3A_256 = arith.constant 0 : i32
        %parallel_loop3A_257 = arith.cmpi ne, %parallel_loop3A_255, %parallel_loop3A_256 : i32
        %parallel_loop3A_258 = arith.constant 0 : i32
        %parallel_loop3A_259 = arith.cmpi slt, %parallel_loop3A_255, %parallel_loop3A_258 : i32
        %parallel_loop3A_260 = arith.constant 0 : i32
        %parallel_loop3A_261 = arith.cmpi slt, %parallel_loop3A_254, %parallel_loop3A_260 : i32
        %parallel_loop3A_262 = arith.xori %parallel_loop3A_259, %parallel_loop3A_261 : i1
        %parallel_loop3A_263 = arith.andi %parallel_loop3A_262, %parallel_loop3A_257 : i1
        %parallel_loop3A_264 = arith.addi %parallel_loop3A_255, %parallel_loop3A_254 : i32
        %parallel_loop3A_265 = arith.select %parallel_loop3A_263, %parallel_loop3A_264, %parallel_loop3A_255 : i32
        %parallel_loop3A_266 = arith.index_cast %parallel_loop3A_249 : i32 to index
        %parallel_loop3A_267 = arith.index_cast %parallel_loop3A_265 : i32 to index
        %parallel_loop3A_268 = arith.constant 0 : index
        %parallel_loop3A_269 = tpu.vector_load %arg13[%parallel_loop3A_266, %parallel_loop3A_267, %parallel_loop3A_268] {strides = array<i32>} : memref<4x8x128xf32, #tpu.memory_space<vmem>>, vector<16xf32>,
        tpu.vector_store %arg13[%parallel_loop3A_266, %parallel_loop3A_267, %parallel_loop3A_268], %parallel_loop3A_225 {strides = array<i32>} : memref<4x8x128xf32, #tpu.memory_space<vmem>>, vector<16xf32>,
        %parallel_loop3A_270 = tpu.vector_load_idx %arg9[%add3A_8, %parallel_loop3A_222] : memref<128x32xf32, #tpu.memory_space<vmem>>[vector<16xi32>, vector<16xi32>], vector<16xf32>,
        %parallel_loop3A_271 = arith.addf %parallel_loop3A_270, %parallel_loop3A_223 : vector<16xf32>
        %parallel_loop3A_272 = arith.constant 8 : i32
        %parallel_loop3A_273 = arith.divsi %parallel_loop3A_221, %parallel_loop3A_272 : i32
        %parallel_loop3A_274 = arith.constant 0 : i32
        %parallel_loop3A_275 = arith.cmpi sgt, %parallel_loop3A_221, %parallel_loop3A_274 : i32
        %parallel_loop3A_276 = arith.extui %parallel_loop3A_275 : i1 to i32
        %parallel_loop3A_277 = arith.constant 0 : i32
        %parallel_loop3A_278 = arith.cmpi slt, %parallel_loop3A_221, %parallel_loop3A_277 : i32
        %parallel_loop3A_279 = arith.extui %parallel_loop3A_278 : i1 to i32
        %parallel_loop3A_280 = arith.subi %parallel_loop3A_276, %parallel_loop3A_279 : i32
        %parallel_loop3A_281 = arith.constant 0 : i32
        %parallel_loop3A_282 = arith.cmpi sgt, %parallel_loop3A_272, %parallel_loop3A_281 : i32
        %parallel_loop3A_283 = arith.extui %parallel_loop3A_282 : i1 to i32
        %parallel_loop3A_284 = arith.constant 0 : i32
        %parallel_loop3A_285 = arith.cmpi slt, %parallel_loop3A_272, %parallel_loop3A_284 : i32
        %parallel_loop3A_286 = arith.extui %parallel_loop3A_285 : i1 to i32
        %parallel_loop3A_287 = arith.subi %parallel_loop3A_283, %parallel_loop3A_286 : i32
        %parallel_loop3A_288 = arith.cmpi ne, %parallel_loop3A_280, %parallel_loop3A_287 : i32
        %parallel_loop3A_289 = arith.remsi %parallel_loop3A_221, %parallel_loop3A_272 : i32
        %parallel_loop3A_290 = arith.constant 0 : i32
        %parallel_loop3A_291 = arith.cmpi ne, %parallel_loop3A_289, %parallel_loop3A_290 : i32
        %parallel_loop3A_292 = arith.andi %parallel_loop3A_288, %parallel_loop3A_291 : i1
        %parallel_loop3A_293 = arith.constant 1 : i32
        %parallel_loop3A_294 = arith.subi %parallel_loop3A_273, %parallel_loop3A_293 : i32
        %parallel_loop3A_295 = arith.select %parallel_loop3A_292, %parallel_loop3A_294, %parallel_loop3A_273 : i32
        %parallel_loop3A_296 = arith.constant 8 : i32
        %parallel_loop3A_297 = arith.constant 0 : i32
        %parallel_loop3A_298 = arith.cmpi eq, %parallel_loop3A_296, %parallel_loop3A_297 : i32
        %parallel_loop3A_299 = arith.constant 1 : i32
        %parallel_loop3A_300 = arith.select %parallel_loop3A_298, %parallel_loop3A_299, %parallel_loop3A_296 : i32
        %parallel_loop3A_301 = arith.remsi %parallel_loop3A_221, %parallel_loop3A_300 : i32
        %parallel_loop3A_302 = arith.constant 0 : i32
        %parallel_loop3A_303 = arith.cmpi ne, %parallel_loop3A_301, %parallel_loop3A_302 : i32
        %parallel_loop3A_304 = arith.constant 0 : i32
        %parallel_loop3A_305 = arith.cmpi slt, %parallel_loop3A_301, %parallel_loop3A_304 : i32
        %parallel_loop3A_306 = arith.constant 0 : i32
        %parallel_loop3A_307 = arith.cmpi slt, %parallel_loop3A_300, %parallel_loop3A_306 : i32
        %parallel_loop3A_308 = arith.xori %parallel_loop3A_305, %parallel_loop3A_307 : i1
        %parallel_loop3A_309 = arith.andi %parallel_loop3A_308, %parallel_loop3A_303 : i1
        %parallel_loop3A_310 = arith.addi %parallel_loop3A_301, %parallel_loop3A_300 : i32
        %parallel_loop3A_311 = arith.select %parallel_loop3A_309, %parallel_loop3A_310, %parallel_loop3A_301 : i32
        %parallel_loop3A_312 = arith.index_cast %parallel_loop3A_295 : i32 to index
        %parallel_loop3A_313 = arith.index_cast %parallel_loop3A_311 : i32 to index
        %parallel_loop3A_314 = arith.constant 16 : index
        %parallel_loop3A_315 = tpu.vector_load %arg13[%parallel_loop3A_312, %parallel_loop3A_313, %parallel_loop3A_314] {strides = array<i32>} : memref<4x8x128xf32, #tpu.memory_space<vmem>>, vector<16xf32>,
        tpu.vector_store %arg13[%parallel_loop3A_312, %parallel_loop3A_313, %parallel_loop3A_314], %parallel_loop3A_271 {strides = array<i32>} : memref<4x8x128xf32, #tpu.memory_space<vmem>>, vector<16xf32>,
        %parallel_loop3A_316 = tpu.vector_load_idx %arg9[%add3A_11, %parallel_loop3A_222] : memref<128x32xf32, #tpu.memory_space<vmem>>[vector<16xi32>, vector<16xi32>], vector<16xf32>,
        %parallel_loop3A_317 = arith.addf %parallel_loop3A_316, %parallel_loop3A_223 : vector<16xf32>
        %parallel_loop3A_318 = arith.constant 8 : i32
        %parallel_loop3A_319 = arith.divsi %parallel_loop3A_221, %parallel_loop3A_318 : i32
        %parallel_loop3A_320 = arith.constant 0 : i32
        %parallel_loop3A_321 = arith.cmpi sgt, %parallel_loop3A_221, %parallel_loop3A_320 : i32
        %parallel_loop3A_322 = arith.extui %parallel_loop3A_321 : i1 to i32
        %parallel_loop3A_323 = arith.constant 0 : i32
        %parallel_loop3A_324 = arith.cmpi slt, %parallel_loop3A_221, %parallel_loop3A_323 : i32
        %parallel_loop3A_325 = arith.extui %parallel_loop3A_324 : i1 to i32
        %parallel_loop3A_326 = arith.subi %parallel_loop3A_322, %parallel_loop3A_325 : i32
        %parallel_loop3A_327 = arith.constant 0 : i32
        %parallel_loop3A_328 = arith.cmpi sgt, %parallel_loop3A_318, %parallel_loop3A_327 : i32
        %parallel_loop3A_329 = arith.extui %parallel_loop3A_328 : i1 to i32
        %parallel_loop3A_330 = arith.constant 0 : i32
        %parallel_loop3A_331 = arith.cmpi slt, %parallel_loop3A_318, %parallel_loop3A_330 : i32
        %parallel_loop3A_332 = arith.extui %parallel_loop3A_331 : i1 to i32
        %parallel_loop3A_333 = arith.subi %parallel_loop3A_329, %parallel_loop3A_332 : i32
        %parallel_loop3A_334 = arith.cmpi ne, %parallel_loop3A_326, %parallel_loop3A_333 : i32
        %parallel_loop3A_335 = arith.remsi %parallel_loop3A_221, %parallel_loop3A_318 : i32
        %parallel_loop3A_336 = arith.constant 0 : i32
        %parallel_loop3A_337 = arith.cmpi ne, %parallel_loop3A_335, %parallel_loop3A_336 : i32
        %parallel_loop3A_338 = arith.andi %parallel_loop3A_334, %parallel_loop3A_337 : i1
        %parallel_loop3A_339 = arith.constant 1 : i32
        %parallel_loop3A_340 = arith.subi %parallel_loop3A_319, %parallel_loop3A_339 : i32
        %parallel_loop3A_341 = arith.select %parallel_loop3A_338, %parallel_loop3A_340, %parallel_loop3A_319 : i32
        %parallel_loop3A_342 = arith.constant 8 : i32
        %parallel_loop3A_343 = arith.constant 0 : i32
        %parallel_loop3A_344 = arith.cmpi eq, %parallel_loop3A_342, %parallel_loop3A_343 : i32
        %parallel_loop3A_345 = arith.constant 1 : i32
        %parallel_loop3A_346 = arith.select %parallel_loop3A_344, %parallel_loop3A_345, %parallel_loop3A_342 : i32
        %parallel_loop3A_347 = arith.remsi %parallel_loop3A_221, %parallel_loop3A_346 : i32
        %parallel_loop3A_348 = arith.constant 0 : i32
        %parallel_loop3A_349 = arith.cmpi ne, %parallel_loop3A_347, %parallel_loop3A_348 : i32
        %parallel_loop3A_350 = arith.constant 0 : i32
        %parallel_loop3A_351 = arith.cmpi slt, %parallel_loop3A_347, %parallel_loop3A_350 : i32
        %parallel_loop3A_352 = arith.constant 0 : i32
        %parallel_loop3A_353 = arith.cmpi slt, %parallel_loop3A_346, %parallel_loop3A_352 : i32
        %parallel_loop3A_354 = arith.xori %parallel_loop3A_351, %parallel_loop3A_353 : i1
        %parallel_loop3A_355 = arith.andi %parallel_loop3A_354, %parallel_loop3A_349 : i1
        %parallel_loop3A_356 = arith.addi %parallel_loop3A_347, %parallel_loop3A_346 : i32
        %parallel_loop3A_357 = arith.select %parallel_loop3A_355, %parallel_loop3A_356, %parallel_loop3A_347 : i32
        %parallel_loop3A_358 = arith.index_cast %parallel_loop3A_341 : i32 to index
        %parallel_loop3A_359 = arith.index_cast %parallel_loop3A_357 : i32 to index
        %parallel_loop3A_360 = arith.constant 32 : index
        %parallel_loop3A_361 = tpu.vector_load %arg13[%parallel_loop3A_358, %parallel_loop3A_359, %parallel_loop3A_360] {strides = array<i32>} : memref<4x8x128xf32, #tpu.memory_space<vmem>>, vector<16xf32>,
        tpu.vector_store %arg13[%parallel_loop3A_358, %parallel_loop3A_359, %parallel_loop3A_360], %parallel_loop3A_317 {strides = array<i32>} : memref<4x8x128xf32, #tpu.memory_space<vmem>>, vector<16xf32>,
        %parallel_loop3A_362 = tpu.vector_load_idx %arg9[%add3A_14, %parallel_loop3A_222] : memref<128x32xf32, #tpu.memory_space<vmem>>[vector<16xi32>, vector<16xi32>], vector<16xf32>,
        %parallel_loop3A_363 = arith.addf %parallel_loop3A_362, %parallel_loop3A_223 : vector<16xf32>
        %parallel_loop3A_364 = arith.constant 8 : i32
        %parallel_loop3A_365 = arith.divsi %parallel_loop3A_221, %parallel_loop3A_364 : i32
        %parallel_loop3A_366 = arith.constant 0 : i32
        %parallel_loop3A_367 = arith.cmpi sgt, %parallel_loop3A_221, %parallel_loop3A_366 : i32
        %parallel_loop3A_368 = arith.extui %parallel_loop3A_367 : i1 to i32
        %parallel_loop3A_369 = arith.constant 0 : i32
        %parallel_loop3A_370 = arith.cmpi slt, %parallel_loop3A_221, %parallel_loop3A_369 : i32
        %parallel_loop3A_371 = arith.extui %parallel_loop3A_370 : i1 to i32
        %parallel_loop3A_372 = arith.subi %parallel_loop3A_368, %parallel_loop3A_371 : i32
        %parallel_loop3A_373 = arith.constant 0 : i32
        %parallel_loop3A_374 = arith.cmpi sgt, %parallel_loop3A_364, %parallel_loop3A_373 : i32
        %parallel_loop3A_375 = arith.extui %parallel_loop3A_374 : i1 to i32
        %parallel_loop3A_376 = arith.constant 0 : i32
        %parallel_loop3A_377 = arith.cmpi slt, %parallel_loop3A_364, %parallel_loop3A_376 : i32
        %parallel_loop3A_378 = arith.extui %parallel_loop3A_377 : i1 to i32
        %parallel_loop3A_379 = arith.subi %parallel_loop3A_375, %parallel_loop3A_378 : i32
        %parallel_loop3A_380 = arith.cmpi ne, %parallel_loop3A_372, %parallel_loop3A_379 : i32
        %parallel_loop3A_381 = arith.remsi %parallel_loop3A_221, %parallel_loop3A_364 : i32
        %parallel_loop3A_382 = arith.constant 0 : i32
        %parallel_loop3A_383 = arith.cmpi ne, %parallel_loop3A_381, %parallel_loop3A_382 : i32
        %parallel_loop3A_384 = arith.andi %parallel_loop3A_380, %parallel_loop3A_383 : i1
        %parallel_loop3A_385 = arith.constant 1 : i32
        %parallel_loop3A_386 = arith.subi %parallel_loop3A_365, %parallel_loop3A_385 : i32
        %parallel_loop3A_387 = arith.select %parallel_loop3A_384, %parallel_loop3A_386, %parallel_loop3A_365 : i32
        %parallel_loop3A_388 = arith.constant 8 : i32
        %parallel_loop3A_389 = arith.constant 0 : i32
        %parallel_loop3A_390 = arith.cmpi eq, %parallel_loop3A_388, %parallel_loop3A_389 : i32
        %parallel_loop3A_391 = arith.constant 1 : i32
        %parallel_loop3A_392 = arith.select %parallel_loop3A_390, %parallel_loop3A_391, %parallel_loop3A_388 : i32
        %parallel_loop3A_393 = arith.remsi %parallel_loop3A_221, %parallel_loop3A_392 : i32
        %parallel_loop3A_394 = arith.constant 0 : i32
        %parallel_loop3A_395 = arith.cmpi ne, %parallel_loop3A_393, %parallel_loop3A_394 : i32
        %parallel_loop3A_396 = arith.constant 0 : i32
        %parallel_loop3A_397 = arith.cmpi slt, %parallel_loop3A_393, %parallel_loop3A_396 : i32
        %parallel_loop3A_398 = arith.constant 0 : i32
        %parallel_loop3A_399 = arith.cmpi slt, %parallel_loop3A_392, %parallel_loop3A_398 : i32
        %parallel_loop3A_400 = arith.xori %parallel_loop3A_397, %parallel_loop3A_399 : i1
        %parallel_loop3A_401 = arith.andi %parallel_loop3A_400, %parallel_loop3A_395 : i1
        %parallel_loop3A_402 = arith.addi %parallel_loop3A_393, %parallel_loop3A_392 : i32
        %parallel_loop3A_403 = arith.select %parallel_loop3A_401, %parallel_loop3A_402, %parallel_loop3A_393 : i32
        %parallel_loop3A_404 = arith.index_cast %parallel_loop3A_387 : i32 to index
        %parallel_loop3A_405 = arith.index_cast %parallel_loop3A_403 : i32 to index
        %parallel_loop3A_406 = arith.constant 48 : index
        %parallel_loop3A_407 = tpu.vector_load %arg13[%parallel_loop3A_404, %parallel_loop3A_405, %parallel_loop3A_406] {strides = array<i32>} : memref<4x8x128xf32, #tpu.memory_space<vmem>>, vector<16xf32>,
        tpu.vector_store %arg13[%parallel_loop3A_404, %parallel_loop3A_405, %parallel_loop3A_406], %parallel_loop3A_363 {strides = array<i32>} : memref<4x8x128xf32, #tpu.memory_space<vmem>>, vector<16xf32>,
        %parallel_loop3A_408 = tpu.vector_load_idx %arg9[%add3A_17, %parallel_loop3A_222] : memref<128x32xf32, #tpu.memory_space<vmem>>[vector<16xi32>, vector<16xi32>], vector<16xf32>,
        %parallel_loop3A_409 = arith.addf %parallel_loop3A_408, %parallel_loop3A_223 : vector<16xf32>
        %parallel_loop3A_410 = arith.constant 8 : i32
        %parallel_loop3A_411 = arith.divsi %parallel_loop3A_221, %parallel_loop3A_410 : i32
        %parallel_loop3A_412 = arith.constant 0 : i32
        %parallel_loop3A_413 = arith.cmpi sgt, %parallel_loop3A_221, %parallel_loop3A_412 : i32
        %parallel_loop3A_414 = arith.extui %parallel_loop3A_413 : i1 to i32
        %parallel_loop3A_415 = arith.constant 0 : i32
        %parallel_loop3A_416 = arith.cmpi slt, %parallel_loop3A_221, %parallel_loop3A_415 : i32
        %parallel_loop3A_417 = arith.extui %parallel_loop3A_416 : i1 to i32
        %parallel_loop3A_418 = arith.subi %parallel_loop3A_414, %parallel_loop3A_417 : i32
        %parallel_loop3A_419 = arith.constant 0 : i32
        %parallel_loop3A_420 = arith.cmpi sgt, %parallel_loop3A_410, %parallel_loop3A_419 : i32
        %parallel_loop3A_421 = arith.extui %parallel_loop3A_420 : i1 to i32
        %parallel_loop3A_422 = arith.constant 0 : i32
        %parallel_loop3A_423 = arith.cmpi slt, %parallel_loop3A_410, %parallel_loop3A_422 : i32
        %parallel_loop3A_424 = arith.extui %parallel_loop3A_423 : i1 to i32
        %parallel_loop3A_425 = arith.subi %parallel_loop3A_421, %parallel_loop3A_424 : i32
        %parallel_loop3A_426 = arith.cmpi ne, %parallel_loop3A_418, %parallel_loop3A_425 : i32
        %parallel_loop3A_427 = arith.remsi %parallel_loop3A_221, %parallel_loop3A_410 : i32
        %parallel_loop3A_428 = arith.constant 0 : i32
        %parallel_loop3A_429 = arith.cmpi ne, %parallel_loop3A_427, %parallel_loop3A_428 : i32
        %parallel_loop3A_430 = arith.andi %parallel_loop3A_426, %parallel_loop3A_429 : i1
        %parallel_loop3A_431 = arith.constant 1 : i32
        %parallel_loop3A_432 = arith.subi %parallel_loop3A_411, %parallel_loop3A_431 : i32
        %parallel_loop3A_433 = arith.select %parallel_loop3A_430, %parallel_loop3A_432, %parallel_loop3A_411 : i32
        %parallel_loop3A_434 = arith.constant 8 : i32
        %parallel_loop3A_435 = arith.constant 0 : i32
        %parallel_loop3A_436 = arith.cmpi eq, %parallel_loop3A_434, %parallel_loop3A_435 : i32
        %parallel_loop3A_437 = arith.constant 1 : i32
        %parallel_loop3A_438 = arith.select %parallel_loop3A_436, %parallel_loop3A_437, %parallel_loop3A_434 : i32
        %parallel_loop3A_439 = arith.remsi %parallel_loop3A_221, %parallel_loop3A_438 : i32
        %parallel_loop3A_440 = arith.constant 0 : i32
        %parallel_loop3A_441 = arith.cmpi ne, %parallel_loop3A_439, %parallel_loop3A_440 : i32
        %parallel_loop3A_442 = arith.constant 0 : i32
        %parallel_loop3A_443 = arith.cmpi slt, %parallel_loop3A_439, %parallel_loop3A_442 : i32
        %parallel_loop3A_444 = arith.constant 0 : i32
        %parallel_loop3A_445 = arith.cmpi slt, %parallel_loop3A_438, %parallel_loop3A_444 : i32
        %parallel_loop3A_446 = arith.xori %parallel_loop3A_443, %parallel_loop3A_445 : i1
        %parallel_loop3A_447 = arith.andi %parallel_loop3A_446, %parallel_loop3A_441 : i1
        %parallel_loop3A_448 = arith.addi %parallel_loop3A_439, %parallel_loop3A_438 : i32
        %parallel_loop3A_449 = arith.select %parallel_loop3A_447, %parallel_loop3A_448, %parallel_loop3A_439 : i32
        %parallel_loop3A_450 = arith.index_cast %parallel_loop3A_433 : i32 to index
        %parallel_loop3A_451 = arith.index_cast %parallel_loop3A_449 : i32 to index
        %parallel_loop3A_452 = arith.constant 64 : index
        %parallel_loop3A_453 = tpu.vector_load %arg13[%parallel_loop3A_450, %parallel_loop3A_451, %parallel_loop3A_452] {strides = array<i32>} : memref<4x8x128xf32, #tpu.memory_space<vmem>>, vector<16xf32>,
        tpu.vector_store %arg13[%parallel_loop3A_450, %parallel_loop3A_451, %parallel_loop3A_452], %parallel_loop3A_409 {strides = array<i32>} : memref<4x8x128xf32, #tpu.memory_space<vmem>>, vector<16xf32>,
        %parallel_loop3A_454 = tpu.vector_load_idx %arg9[%add3A_20, %parallel_loop3A_222] : memref<128x32xf32, #tpu.memory_space<vmem>>[vector<16xi32>, vector<16xi32>], vector<16xf32>,
        %parallel_loop3A_455 = arith.addf %parallel_loop3A_454, %parallel_loop3A_223 : vector<16xf32>
        %parallel_loop3A_456 = arith.constant 8 : i32
        %parallel_loop3A_457 = arith.divsi %parallel_loop3A_221, %parallel_loop3A_456 : i32
        %parallel_loop3A_458 = arith.constant 0 : i32
        %parallel_loop3A_459 = arith.cmpi sgt, %parallel_loop3A_221, %parallel_loop3A_458 : i32
        %parallel_loop3A_460 = arith.extui %parallel_loop3A_459 : i1 to i32
        %parallel_loop3A_461 = arith.constant 0 : i32
        %parallel_loop3A_462 = arith.cmpi slt, %parallel_loop3A_221, %parallel_loop3A_461 : i32
        %parallel_loop3A_463 = arith.extui %parallel_loop3A_462 : i1 to i32
        %parallel_loop3A_464 = arith.subi %parallel_loop3A_460, %parallel_loop3A_463 : i32
        %parallel_loop3A_465 = arith.constant 0 : i32
        %parallel_loop3A_466 = arith.cmpi sgt, %parallel_loop3A_456, %parallel_loop3A_465 : i32
        %parallel_loop3A_467 = arith.extui %parallel_loop3A_466 : i1 to i32
        %parallel_loop3A_468 = arith.constant 0 : i32
        %parallel_loop3A_469 = arith.cmpi slt, %parallel_loop3A_456, %parallel_loop3A_468 : i32
        %parallel_loop3A_470 = arith.extui %parallel_loop3A_469 : i1 to i32
        %parallel_loop3A_471 = arith.subi %parallel_loop3A_467, %parallel_loop3A_470 : i32
        %parallel_loop3A_472 = arith.cmpi ne, %parallel_loop3A_464, %parallel_loop3A_471 : i32
        %parallel_loop3A_473 = arith.remsi %parallel_loop3A_221, %parallel_loop3A_456 : i32
        %parallel_loop3A_474 = arith.constant 0 : i32
        %parallel_loop3A_475 = arith.cmpi ne, %parallel_loop3A_473, %parallel_loop3A_474 : i32
        %parallel_loop3A_476 = arith.andi %parallel_loop3A_472, %parallel_loop3A_475 : i1
        %parallel_loop3A_477 = arith.constant 1 : i32
        %parallel_loop3A_478 = arith.subi %parallel_loop3A_457, %parallel_loop3A_477 : i32
        %parallel_loop3A_479 = arith.select %parallel_loop3A_476, %parallel_loop3A_478, %parallel_loop3A_457 : i32
        %parallel_loop3A_480 = arith.constant 8 : i32
        %parallel_loop3A_481 = arith.constant 0 : i32
        %parallel_loop3A_482 = arith.cmpi eq, %parallel_loop3A_480, %parallel_loop3A_481 : i32
        %parallel_loop3A_483 = arith.constant 1 : i32
        %parallel_loop3A_484 = arith.select %parallel_loop3A_482, %parallel_loop3A_483, %parallel_loop3A_480 : i32
        %parallel_loop3A_485 = arith.remsi %parallel_loop3A_221, %parallel_loop3A_484 : i32
        %parallel_loop3A_486 = arith.constant 0 : i32
        %parallel_loop3A_487 = arith.cmpi ne, %parallel_loop3A_485, %parallel_loop3A_486 : i32
        %parallel_loop3A_488 = arith.constant 0 : i32
        %parallel_loop3A_489 = arith.cmpi slt, %parallel_loop3A_485, %parallel_loop3A_488 : i32
        %parallel_loop3A_490 = arith.constant 0 : i32
        %parallel_loop3A_491 = arith.cmpi slt, %parallel_loop3A_484, %parallel_loop3A_490 : i32
        %parallel_loop3A_492 = arith.xori %parallel_loop3A_489, %parallel_loop3A_491 : i1
        %parallel_loop3A_493 = arith.andi %parallel_loop3A_492, %parallel_loop3A_487 : i1
        %parallel_loop3A_494 = arith.addi %parallel_loop3A_485, %parallel_loop3A_484 : i32
        %parallel_loop3A_495 = arith.select %parallel_loop3A_493, %parallel_loop3A_494, %parallel_loop3A_485 : i32
        %parallel_loop3A_496 = arith.index_cast %parallel_loop3A_479 : i32 to index
        %parallel_loop3A_497 = arith.index_cast %parallel_loop3A_495 : i32 to index
        %parallel_loop3A_498 = arith.constant 80 : index
        %parallel_loop3A_499 = tpu.vector_load %arg13[%parallel_loop3A_496, %parallel_loop3A_497, %parallel_loop3A_498] {strides = array<i32>} : memref<4x8x128xf32, #tpu.memory_space<vmem>>, vector<16xf32>,
        tpu.vector_store %arg13[%parallel_loop3A_496, %parallel_loop3A_497, %parallel_loop3A_498], %parallel_loop3A_455 {strides = array<i32>} : memref<4x8x128xf32, #tpu.memory_space<vmem>>, vector<16xf32>,
        %parallel_loop3A_500 = tpu.vector_load_idx %arg9[%add3A_23, %parallel_loop3A_222] : memref<128x32xf32, #tpu.memory_space<vmem>>[vector<16xi32>, vector<16xi32>], vector<16xf32>,
        %parallel_loop3A_501 = arith.addf %parallel_loop3A_500, %parallel_loop3A_223 : vector<16xf32>
        %parallel_loop3A_502 = arith.constant 8 : i32
        %parallel_loop3A_503 = arith.divsi %parallel_loop3A_221, %parallel_loop3A_502 : i32
        %parallel_loop3A_504 = arith.constant 0 : i32
        %parallel_loop3A_505 = arith.cmpi sgt, %parallel_loop3A_221, %parallel_loop3A_504 : i32
        %parallel_loop3A_506 = arith.extui %parallel_loop3A_505 : i1 to i32
        %parallel_loop3A_507 = arith.constant 0 : i32
        %parallel_loop3A_508 = arith.cmpi slt, %parallel_loop3A_221, %parallel_loop3A_507 : i32
        %parallel_loop3A_509 = arith.extui %parallel_loop3A_508 : i1 to i32
        %parallel_loop3A_510 = arith.subi %parallel_loop3A_506, %parallel_loop3A_509 : i32
        %parallel_loop3A_511 = arith.constant 0 : i32
        %parallel_loop3A_512 = arith.cmpi sgt, %parallel_loop3A_502, %parallel_loop3A_511 : i32
        %parallel_loop3A_513 = arith.extui %parallel_loop3A_512 : i1 to i32
        %parallel_loop3A_514 = arith.constant 0 : i32
        %parallel_loop3A_515 = arith.cmpi slt, %parallel_loop3A_502, %parallel_loop3A_514 : i32
        %parallel_loop3A_516 = arith.extui %parallel_loop3A_515 : i1 to i32
        %parallel_loop3A_517 = arith.subi %parallel_loop3A_513, %parallel_loop3A_516 : i32
        %parallel_loop3A_518 = arith.cmpi ne, %parallel_loop3A_510, %parallel_loop3A_517 : i32
        %parallel_loop3A_519 = arith.remsi %parallel_loop3A_221, %parallel_loop3A_502 : i32
        %parallel_loop3A_520 = arith.constant 0 : i32
        %parallel_loop3A_521 = arith.cmpi ne, %parallel_loop3A_519, %parallel_loop3A_520 : i32
        %parallel_loop3A_522 = arith.andi %parallel_loop3A_518, %parallel_loop3A_521 : i1
        %parallel_loop3A_523 = arith.constant 1 : i32
        %parallel_loop3A_524 = arith.subi %parallel_loop3A_503, %parallel_loop3A_523 : i32
        %parallel_loop3A_525 = arith.select %parallel_loop3A_522, %parallel_loop3A_524, %parallel_loop3A_503 : i32
        %parallel_loop3A_526 = arith.constant 8 : i32
        %parallel_loop3A_527 = arith.constant 0 : i32
        %parallel_loop3A_528 = arith.cmpi eq, %parallel_loop3A_526, %parallel_loop3A_527 : i32
        %parallel_loop3A_529 = arith.constant 1 : i32
        %parallel_loop3A_530 = arith.select %parallel_loop3A_528, %parallel_loop3A_529, %parallel_loop3A_526 : i32
        %parallel_loop3A_531 = arith.remsi %parallel_loop3A_221, %parallel_loop3A_530 : i32
        %parallel_loop3A_532 = arith.constant 0 : i32
        %parallel_loop3A_533 = arith.cmpi ne, %parallel_loop3A_531, %parallel_loop3A_532 : i32
        %parallel_loop3A_534 = arith.constant 0 : i32
        %parallel_loop3A_535 = arith.cmpi slt, %parallel_loop3A_531, %parallel_loop3A_534 : i32
        %parallel_loop3A_536 = arith.constant 0 : i32
        %parallel_loop3A_537 = arith.cmpi slt, %parallel_loop3A_530, %parallel_loop3A_536 : i32
        %parallel_loop3A_538 = arith.xori %parallel_loop3A_535, %parallel_loop3A_537 : i1
        %parallel_loop3A_539 = arith.andi %parallel_loop3A_538, %parallel_loop3A_533 : i1
        %parallel_loop3A_540 = arith.addi %parallel_loop3A_531, %parallel_loop3A_530 : i32
        %parallel_loop3A_541 = arith.select %parallel_loop3A_539, %parallel_loop3A_540, %parallel_loop3A_531 : i32
        %parallel_loop3A_542 = arith.index_cast %parallel_loop3A_525 : i32 to index
        %parallel_loop3A_543 = arith.index_cast %parallel_loop3A_541 : i32 to index
        %parallel_loop3A_544 = arith.constant 96 : index
        %parallel_loop3A_545 = tpu.vector_load %arg13[%parallel_loop3A_542, %parallel_loop3A_543, %parallel_loop3A_544] {strides = array<i32>} : memref<4x8x128xf32, #tpu.memory_space<vmem>>, vector<16xf32>,
        tpu.vector_store %arg13[%parallel_loop3A_542, %parallel_loop3A_543, %parallel_loop3A_544], %parallel_loop3A_501 {strides = array<i32>} : memref<4x8x128xf32, #tpu.memory_space<vmem>>, vector<16xf32>,
        %parallel_loop3A_546 = tpu.vector_load_idx %arg9[%add3A_26, %parallel_loop3A_222] : memref<128x32xf32, #tpu.memory_space<vmem>>[vector<16xi32>, vector<16xi32>], vector<16xf32>,
        %parallel_loop3A_547 = arith.addf %parallel_loop3A_546, %parallel_loop3A_223 : vector<16xf32>
        %parallel_loop3A_548 = arith.constant 8 : i32
        %parallel_loop3A_549 = arith.divsi %parallel_loop3A_221, %parallel_loop3A_548 : i32
        %parallel_loop3A_550 = arith.constant 0 : i32
        %parallel_loop3A_551 = arith.cmpi sgt, %parallel_loop3A_221, %parallel_loop3A_550 : i32
        %parallel_loop3A_552 = arith.extui %parallel_loop3A_551 : i1 to i32
        %parallel_loop3A_553 = arith.constant 0 : i32
        %parallel_loop3A_554 = arith.cmpi slt, %parallel_loop3A_221, %parallel_loop3A_553 : i32
        %parallel_loop3A_555 = arith.extui %parallel_loop3A_554 : i1 to i32
        %parallel_loop3A_556 = arith.subi %parallel_loop3A_552, %parallel_loop3A_555 : i32
        %parallel_loop3A_557 = arith.constant 0 : i32
        %parallel_loop3A_558 = arith.cmpi sgt, %parallel_loop3A_548, %parallel_loop3A_557 : i32
        %parallel_loop3A_559 = arith.extui %parallel_loop3A_558 : i1 to i32
        %parallel_loop3A_560 = arith.constant 0 : i32
        %parallel_loop3A_561 = arith.cmpi slt, %parallel_loop3A_548, %parallel_loop3A_560 : i32
        %parallel_loop3A_562 = arith.extui %parallel_loop3A_561 : i1 to i32
        %parallel_loop3A_563 = arith.subi %parallel_loop3A_559, %parallel_loop3A_562 : i32
        %parallel_loop3A_564 = arith.cmpi ne, %parallel_loop3A_556, %parallel_loop3A_563 : i32
        %parallel_loop3A_565 = arith.remsi %parallel_loop3A_221, %parallel_loop3A_548 : i32
        %parallel_loop3A_566 = arith.constant 0 : i32
        %parallel_loop3A_567 = arith.cmpi ne, %parallel_loop3A_565, %parallel_loop3A_566 : i32
        %parallel_loop3A_568 = arith.andi %parallel_loop3A_564, %parallel_loop3A_567 : i1
        %parallel_loop3A_569 = arith.constant 1 : i32
        %parallel_loop3A_570 = arith.subi %parallel_loop3A_549, %parallel_loop3A_569 : i32
        %parallel_loop3A_571 = arith.select %parallel_loop3A_568, %parallel_loop3A_570, %parallel_loop3A_549 : i32
        %parallel_loop3A_572 = arith.constant 8 : i32
        %parallel_loop3A_573 = arith.constant 0 : i32
        %parallel_loop3A_574 = arith.cmpi eq, %parallel_loop3A_572, %parallel_loop3A_573 : i32
        %parallel_loop3A_575 = arith.constant 1 : i32
        %parallel_loop3A_576 = arith.select %parallel_loop3A_574, %parallel_loop3A_575, %parallel_loop3A_572 : i32
        %parallel_loop3A_577 = arith.remsi %parallel_loop3A_221, %parallel_loop3A_576 : i32
        %parallel_loop3A_578 = arith.constant 0 : i32
        %parallel_loop3A_579 = arith.cmpi ne, %parallel_loop3A_577, %parallel_loop3A_578 : i32
        %parallel_loop3A_580 = arith.constant 0 : i32
        %parallel_loop3A_581 = arith.cmpi slt, %parallel_loop3A_577, %parallel_loop3A_580 : i32
        %parallel_loop3A_582 = arith.constant 0 : i32
        %parallel_loop3A_583 = arith.cmpi slt, %parallel_loop3A_576, %parallel_loop3A_582 : i32
        %parallel_loop3A_584 = arith.xori %parallel_loop3A_581, %parallel_loop3A_583 : i1
        %parallel_loop3A_585 = arith.andi %parallel_loop3A_584, %parallel_loop3A_579 : i1
        %parallel_loop3A_586 = arith.addi %parallel_loop3A_577, %parallel_loop3A_576 : i32
        %parallel_loop3A_587 = arith.select %parallel_loop3A_585, %parallel_loop3A_586, %parallel_loop3A_577 : i32
        %parallel_loop3A_588 = arith.index_cast %parallel_loop3A_571 : i32 to index
        %parallel_loop3A_589 = arith.index_cast %parallel_loop3A_587 : i32 to index
        %parallel_loop3A_590 = arith.constant 112 : index
        %parallel_loop3A_591 = tpu.vector_load %arg13[%parallel_loop3A_588, %parallel_loop3A_589, %parallel_loop3A_590] {strides = array<i32>} : memref<4x8x128xf32, #tpu.memory_space<vmem>>, vector<16xf32>,
        tpu.vector_store %arg13[%parallel_loop3A_588, %parallel_loop3A_589, %parallel_loop3A_590], %parallel_loop3A_547 {strides = array<i32>} : memref<4x8x128xf32, #tpu.memory_space<vmem>>, vector<16xf32>,
      } {sc.loop_unroll_factor = 4 : i64, sc.parallel_access}
      %dma_start3A_132 = arith.constant 0 : i32
      %dma_start3A_133 = arith.constant 0 : i32
      %dma_start3A_134 = arith.constant 0 : i32
      %dma_start3A_135 = tpu.memref_slice %arg5[%add3A_116, %dma_start3A_132, %add3A, %dma_start3A_133, %dma_start3A_134] : memref<200x4x32x8x128xf32, #tpu.memory_space<hbm>> -> memref<1x4x1x8x128xf32, #tpu.memory_space<hbm>>
      %dma_start3A_136 = tpu.memref_squeeze %dma_start3A_135 : memref<1x4x1x8x128xf32, #tpu.memory_space<hbm>> -> memref<4x8x128xf32, #tpu.memory_space<hbm>>
      %dma_start3A_137 = arith.constant 0 : i32
      %dma_start3A_138 = arith.constant 0 : i32
      %dma_start3A_139 = arith.constant 0 : i32
      %dma_start3A_140 = tpu.memref_slice %arg5[%add3A_116, %dma_start3A_137, %add3A, %dma_start3A_138, %dma_start3A_139] : memref<200x4x32x8x128xf32, #tpu.memory_space<hbm>> -> memref<1x4x1x8x128xf32, #tpu.memory_space<hbm>>
      %dma_start3A_141 = tpu.memref_squeeze %dma_start3A_140 : memref<1x4x1x8x128xf32, #tpu.memory_space<hbm>> -> memref<4x8x128xf32, #tpu.memory_space<hbm>>
      tpu.enqueue_dma source(%arg13 : memref<4x8x128xf32, #tpu.memory_space<vmem>>) target(%dma_start3A_141 : memref<4x8x128xf32, #tpu.memory_space<hbm>>) target_semaphore(%arg15 : memref<!tpu.dma_semaphore, #tpu.memory_space<semaphore_mem>>)
      %add3A_142 = arith.constant 4 : i32
      %add3A_143 = arith.addi %add3A_116, %add3A_142 : i32
      %lt3A_144 = arith.constant 200 : i32
      %lt3A_145 = arith.cmpi slt, %add3A_143, %lt3A_144 : i32
      %convert_element_type3A_146 = arith.extui %lt3A_145 : i1 to i32
      %cond3A_147 = arith.constant 0 : i32
      %cond3A_148 = arith.cmpi ne, %convert_element_type3A_146, %cond3A_147 : i32
      scf.if %cond3A_148 {
        %add3A_221 = arith.constant 4 : i32
        %add3A_222 = arith.addi %add3A_116, %add3A_221 : i32
        %dma_start3A_223 = arith.constant 0 : i32
        %dma_start3A_224 = tpu.memref_slice %arg6[%add3A_222, %dma_start3A_223] : memref<200x128xi32, #tpu.memory_space<vmem>> -> memref<1x128xi32, #tpu.memory_space<vmem>>
        %dma_start3A_225 = tpu.memref_squeeze %dma_start3A_224 : memref<1x128xi32, #tpu.memory_space<vmem>> -> memref<128xi32, #tpu.memory_space<vmem>>
        %dma_start3A_226 = arith.constant 0 : i32
        %dma_start3A_227 = arith.constant 0 : i32
        %dma_start3A_228 = tpu.memref_slice %arg3[%dma_start3A_226, %dma_start3A_227] : memref<1000000x32xf32, #tpu.memory_space<hbm>> -> memref<1000000x32xf32, #tpu.memory_space<hbm>>
        tpu.enqueue_indirect_dma source(%dma_start3A_228 : memref<1000000x32xf32, #tpu.memory_space<hbm>>) target(%arg9 : memref<128x32xf32, #tpu.memory_space<vmem>>) offsets(%dma_start3A_225 : memref<128xi32, #tpu.memory_space<vmem>>) semaphore(%arg14 : memref<!tpu.dma_semaphore, #tpu.memory_space<semaphore_mem>>)
      } else {
      }
      %mul3A_149 = arith.constant 4 : i32
      %mul3A_150 = arith.muli %scan3A_82, %mul3A_149 : i32
      %add3A_151 = arith.constant 2 : i32
      %add3A_152 = arith.addi %mul3A_150, %add3A_151 : i32
      %dma_wait3A_153 = arith.constant 0 : i32
      %dma_wait3A_154 = arith.constant 0 : i32
      %dma_wait3A_155 = tpu.memref_slice %arg3[%dma_wait3A_153, %dma_wait3A_154] : memref<1000000x32xf32, #tpu.memory_space<hbm>> -> memref<128x32xf32, #tpu.memory_space<hbm>>
      %dma_wait3A_156 = arith.constant 0 : i32
      %dma_wait3A_157 = arith.constant 0 : i32
      %dma_wait3A_158 = tpu.memref_slice %arg3[%dma_wait3A_156, %dma_wait3A_157] : memref<1000000x32xf32, #tpu.memory_space<hbm>> -> memref<128x32xf32, #tpu.memory_space<hbm>>
      tpu.wait_dma2 semaphore(%arg14 : memref<!tpu.dma_semaphore, #tpu.memory_space<semaphore_mem>>) src(%dma_wait3A_158 : memref<128x32xf32, #tpu.memory_space<hbm>>) dst(%arg10 : memref<128x32xf32, #tpu.memory_space<vmem>>)
      %ge3A_159 = arith.constant 2 : i32
      %ge3A_160 = arith.cmpi sge, %add3A_152, %ge3A_159 : i32
      %convert_element_type3A_161 = arith.extui %ge3A_160 : i1 to i32
      %cond3A_162 = arith.constant 0 : i32
      %cond3A_163 = arith.cmpi ne, %convert_element_type3A_161, %cond3A_162 : i32
      scf.if %cond3A_163 {
        %dma_wait3A_221 = arith.constant 0 : i32
        %dma_wait3A_222 = arith.constant 0 : i32
        %dma_wait3A_223 = arith.constant 0 : i32
        %dma_wait3A_224 = arith.constant 0 : i32
        %dma_wait3A_225 = arith.constant 0 : i32
        %dma_wait3A_226 = tpu.memref_slice %arg5[%dma_wait3A_221, %dma_wait3A_223, %dma_wait3A_222, %dma_wait3A_224, %dma_wait3A_225] : memref<200x4x32x8x128xf32, #tpu.memory_space<hbm>> -> memref<1x4x1x8x128xf32, #tpu.memory_space<hbm>>
        %dma_wait3A_227 = tpu.memref_squeeze %dma_wait3A_226 : memref<1x4x1x8x128xf32, #tpu.memory_space<hbm>> -> memref<4x8x128xf32, #tpu.memory_space<hbm>>
        %dma_wait3A_228 = arith.constant 0 : i32
        %dma_wait3A_229 = arith.constant 0 : i32
        %dma_wait3A_230 = arith.constant 0 : i32
        %dma_wait3A_231 = tpu.memref_slice %arg5[%dma_wait3A_221, %dma_wait3A_228, %dma_wait3A_222, %dma_wait3A_229, %dma_wait3A_230] : memref<200x4x32x8x128xf32, #tpu.memory_space<hbm>> -> memref<1x4x1x8x128xf32, #tpu.memory_space<hbm>>
        %dma_wait3A_232 = tpu.memref_squeeze %dma_wait3A_231 : memref<1x4x1x8x128xf32, #tpu.memory_space<hbm>> -> memref<4x8x128xf32, #tpu.memory_space<hbm>>
        tpu.wait_dma2 semaphore(%arg15 : memref<!tpu.dma_semaphore, #tpu.memory_space<semaphore_mem>>) src(%dma_wait3A_232 : memref<4x8x128xf32, #tpu.memory_space<hbm>>) dst(%arg12 : memref<4x8x128xf32, #tpu.memory_space<vmem>>)
      } else {
      }
      %broadcast_in_dim3A_164 = vector.broadcast %add3A_152 : i32 to vector<16xi32>
      %parallel_loop3A_165 = arith.constant 0 : i32
      %parallel_loop3A_166 = arith.constant 32 : i32
      %parallel_loop3A_167 = arith.constant 1 : i32
      scf.for %parallel_loop3A_221 = %parallel_loop3A_165 to %parallel_loop3A_166 step %parallel_loop3A_167  : i32 {
        %parallel_loop3A_222 = vector.broadcast %parallel_loop3A_221 : i32 to vector<16xi32>
        %parallel_loop3A_223 = tpu.vector_load_idx %arg7[%broadcast_in_dim3A_164, %parallel_loop3A_222] : memref<200x32xf32, #tpu.memory_space<vmem>>[vector<16xi32>, vector<16xi32>], vector<16xf32>,
        %parallel_loop3A_224 = tpu.vector_load_idx %arg10[%add3A_5, %parallel_loop3A_222] : memref<128x32xf32, #tpu.memory_space<vmem>>[vector<16xi32>, vector<16xi32>], vector<16xf32>,
        %parallel_loop3A_225 = arith.addf %parallel_loop3A_224, %parallel_loop3A_223 : vector<16xf32>
        %parallel_loop3A_226 = arith.constant 8 : i32
        %parallel_loop3A_227 = arith.divsi %parallel_loop3A_221, %parallel_loop3A_226 : i32
        %parallel_loop3A_228 = arith.constant 0 : i32
        %parallel_loop3A_229 = arith.cmpi sgt, %parallel_loop3A_221, %parallel_loop3A_228 : i32
        %parallel_loop3A_230 = arith.extui %parallel_loop3A_229 : i1 to i32
        %parallel_loop3A_231 = arith.constant 0 : i32
        %parallel_loop3A_232 = arith.cmpi slt, %parallel_loop3A_221, %parallel_loop3A_231 : i32
        %parallel_loop3A_233 = arith.extui %parallel_loop3A_232 : i1 to i32
        %parallel_loop3A_234 = arith.subi %parallel_loop3A_230, %parallel_loop3A_233 : i32
        %parallel_loop3A_235 = arith.constant 0 : i32
        %parallel_loop3A_236 = arith.cmpi sgt, %parallel_loop3A_226, %parallel_loop3A_235 : i32
        %parallel_loop3A_237 = arith.extui %parallel_loop3A_236 : i1 to i32
        %parallel_loop3A_238 = arith.constant 0 : i32
        %parallel_loop3A_239 = arith.cmpi slt, %parallel_loop3A_226, %parallel_loop3A_238 : i32
        %parallel_loop3A_240 = arith.extui %parallel_loop3A_239 : i1 to i32
        %parallel_loop3A_241 = arith.subi %parallel_loop3A_237, %parallel_loop3A_240 : i32
        %parallel_loop3A_242 = arith.cmpi ne, %parallel_loop3A_234, %parallel_loop3A_241 : i32
        %parallel_loop3A_243 = arith.remsi %parallel_loop3A_221, %parallel_loop3A_226 : i32
        %parallel_loop3A_244 = arith.constant 0 : i32
        %parallel_loop3A_245 = arith.cmpi ne, %parallel_loop3A_243, %parallel_loop3A_244 : i32
        %parallel_loop3A_246 = arith.andi %parallel_loop3A_242, %parallel_loop3A_245 : i1
        %parallel_loop3A_247 = arith.constant 1 : i32
        %parallel_loop3A_248 = arith.subi %parallel_loop3A_227, %parallel_loop3A_247 : i32
        %parallel_loop3A_249 = arith.select %parallel_loop3A_246, %parallel_loop3A_248, %parallel_loop3A_227 : i32
        %parallel_loop3A_250 = arith.constant 8 : i32
        %parallel_loop3A_251 = arith.constant 0 : i32
        %parallel_loop3A_252 = arith.cmpi eq, %parallel_loop3A_250, %parallel_loop3A_251 : i32
        %parallel_loop3A_253 = arith.constant 1 : i32
        %parallel_loop3A_254 = arith.select %parallel_loop3A_252, %parallel_loop3A_253, %parallel_loop3A_250 : i32
        %parallel_loop3A_255 = arith.remsi %parallel_loop3A_221, %parallel_loop3A_254 : i32
        %parallel_loop3A_256 = arith.constant 0 : i32
        %parallel_loop3A_257 = arith.cmpi ne, %parallel_loop3A_255, %parallel_loop3A_256 : i32
        %parallel_loop3A_258 = arith.constant 0 : i32
        %parallel_loop3A_259 = arith.cmpi slt, %parallel_loop3A_255, %parallel_loop3A_258 : i32
        %parallel_loop3A_260 = arith.constant 0 : i32
        %parallel_loop3A_261 = arith.cmpi slt, %parallel_loop3A_254, %parallel_loop3A_260 : i32
        %parallel_loop3A_262 = arith.xori %parallel_loop3A_259, %parallel_loop3A_261 : i1
        %parallel_loop3A_263 = arith.andi %parallel_loop3A_262, %parallel_loop3A_257 : i1
        %parallel_loop3A_264 = arith.addi %parallel_loop3A_255, %parallel_loop3A_254 : i32
        %parallel_loop3A_265 = arith.select %parallel_loop3A_263, %parallel_loop3A_264, %parallel_loop3A_255 : i32
        %parallel_loop3A_266 = arith.index_cast %parallel_loop3A_249 : i32 to index
        %parallel_loop3A_267 = arith.index_cast %parallel_loop3A_265 : i32 to index
        %parallel_loop3A_268 = arith.constant 0 : index
        %parallel_loop3A_269 = tpu.vector_load %arg12[%parallel_loop3A_266, %parallel_loop3A_267, %parallel_loop3A_268] {strides = array<i32>} : memref<4x8x128xf32, #tpu.memory_space<vmem>>, vector<16xf32>,
        tpu.vector_store %arg12[%parallel_loop3A_266, %parallel_loop3A_267, %parallel_loop3A_268], %parallel_loop3A_225 {strides = array<i32>} : memref<4x8x128xf32, #tpu.memory_space<vmem>>, vector<16xf32>,
        %parallel_loop3A_270 = tpu.vector_load_idx %arg10[%add3A_8, %parallel_loop3A_222] : memref<128x32xf32, #tpu.memory_space<vmem>>[vector<16xi32>, vector<16xi32>], vector<16xf32>,
        %parallel_loop3A_271 = arith.addf %parallel_loop3A_270, %parallel_loop3A_223 : vector<16xf32>
        %parallel_loop3A_272 = arith.constant 8 : i32
        %parallel_loop3A_273 = arith.divsi %parallel_loop3A_221, %parallel_loop3A_272 : i32
        %parallel_loop3A_274 = arith.constant 0 : i32
        %parallel_loop3A_275 = arith.cmpi sgt, %parallel_loop3A_221, %parallel_loop3A_274 : i32
        %parallel_loop3A_276 = arith.extui %parallel_loop3A_275 : i1 to i32
        %parallel_loop3A_277 = arith.constant 0 : i32
        %parallel_loop3A_278 = arith.cmpi slt, %parallel_loop3A_221, %parallel_loop3A_277 : i32
        %parallel_loop3A_279 = arith.extui %parallel_loop3A_278 : i1 to i32
        %parallel_loop3A_280 = arith.subi %parallel_loop3A_276, %parallel_loop3A_279 : i32
        %parallel_loop3A_281 = arith.constant 0 : i32
        %parallel_loop3A_282 = arith.cmpi sgt, %parallel_loop3A_272, %parallel_loop3A_281 : i32
        %parallel_loop3A_283 = arith.extui %parallel_loop3A_282 : i1 to i32
        %parallel_loop3A_284 = arith.constant 0 : i32
        %parallel_loop3A_285 = arith.cmpi slt, %parallel_loop3A_272, %parallel_loop3A_284 : i32
        %parallel_loop3A_286 = arith.extui %parallel_loop3A_285 : i1 to i32
        %parallel_loop3A_287 = arith.subi %parallel_loop3A_283, %parallel_loop3A_286 : i32
        %parallel_loop3A_288 = arith.cmpi ne, %parallel_loop3A_280, %parallel_loop3A_287 : i32
        %parallel_loop3A_289 = arith.remsi %parallel_loop3A_221, %parallel_loop3A_272 : i32
        %parallel_loop3A_290 = arith.constant 0 : i32
        %parallel_loop3A_291 = arith.cmpi ne, %parallel_loop3A_289, %parallel_loop3A_290 : i32
        %parallel_loop3A_292 = arith.andi %parallel_loop3A_288, %parallel_loop3A_291 : i1
        %parallel_loop3A_293 = arith.constant 1 : i32
        %parallel_loop3A_294 = arith.subi %parallel_loop3A_273, %parallel_loop3A_293 : i32
        %parallel_loop3A_295 = arith.select %parallel_loop3A_292, %parallel_loop3A_294, %parallel_loop3A_273 : i32
        %parallel_loop3A_296 = arith.constant 8 : i32
        %parallel_loop3A_297 = arith.constant 0 : i32
        %parallel_loop3A_298 = arith.cmpi eq, %parallel_loop3A_296, %parallel_loop3A_297 : i32
        %parallel_loop3A_299 = arith.constant 1 : i32
        %parallel_loop3A_300 = arith.select %parallel_loop3A_298, %parallel_loop3A_299, %parallel_loop3A_296 : i32
        %parallel_loop3A_301 = arith.remsi %parallel_loop3A_221, %parallel_loop3A_300 : i32
        %parallel_loop3A_302 = arith.constant 0 : i32
        %parallel_loop3A_303 = arith.cmpi ne, %parallel_loop3A_301, %parallel_loop3A_302 : i32
        %parallel_loop3A_304 = arith.constant 0 : i32
        %parallel_loop3A_305 = arith.cmpi slt, %parallel_loop3A_301, %parallel_loop3A_304 : i32
        %parallel_loop3A_306 = arith.constant 0 : i32
        %parallel_loop3A_307 = arith.cmpi slt, %parallel_loop3A_300, %parallel_loop3A_306 : i32
        %parallel_loop3A_308 = arith.xori %parallel_loop3A_305, %parallel_loop3A_307 : i1
        %parallel_loop3A_309 = arith.andi %parallel_loop3A_308, %parallel_loop3A_303 : i1
        %parallel_loop3A_310 = arith.addi %parallel_loop3A_301, %parallel_loop3A_300 : i32
        %parallel_loop3A_311 = arith.select %parallel_loop3A_309, %parallel_loop3A_310, %parallel_loop3A_301 : i32
        %parallel_loop3A_312 = arith.index_cast %parallel_loop3A_295 : i32 to index
        %parallel_loop3A_313 = arith.index_cast %parallel_loop3A_311 : i32 to index
        %parallel_loop3A_314 = arith.constant 16 : index
        %parallel_loop3A_315 = tpu.vector_load %arg12[%parallel_loop3A_312, %parallel_loop3A_313, %parallel_loop3A_314] {strides = array<i32>} : memref<4x8x128xf32, #tpu.memory_space<vmem>>, vector<16xf32>,
        tpu.vector_store %arg12[%parallel_loop3A_312, %parallel_loop3A_313, %parallel_loop3A_314], %parallel_loop3A_271 {strides = array<i32>} : memref<4x8x128xf32, #tpu.memory_space<vmem>>, vector<16xf32>,
        %parallel_loop3A_316 = tpu.vector_load_idx %arg10[%add3A_11, %parallel_loop3A_222] : memref<128x32xf32, #tpu.memory_space<vmem>>[vector<16xi32>, vector<16xi32>], vector<16xf32>,
        %parallel_loop3A_317 = arith.addf %parallel_loop3A_316, %parallel_loop3A_223 : vector<16xf32>
        %parallel_loop3A_318 = arith.constant 8 : i32
        %parallel_loop3A_319 = arith.divsi %parallel_loop3A_221, %parallel_loop3A_318 : i32
        %parallel_loop3A_320 = arith.constant 0 : i32
        %parallel_loop3A_321 = arith.cmpi sgt, %parallel_loop3A_221, %parallel_loop3A_320 : i32
        %parallel_loop3A_322 = arith.extui %parallel_loop3A_321 : i1 to i32
        %parallel_loop3A_323 = arith.constant 0 : i32
        %parallel_loop3A_324 = arith.cmpi slt, %parallel_loop3A_221, %parallel_loop3A_323 : i32
        %parallel_loop3A_325 = arith.extui %parallel_loop3A_324 : i1 to i32
        %parallel_loop3A_326 = arith.subi %parallel_loop3A_322, %parallel_loop3A_325 : i32
        %parallel_loop3A_327 = arith.constant 0 : i32
        %parallel_loop3A_328 = arith.cmpi sgt, %parallel_loop3A_318, %parallel_loop3A_327 : i32
        %parallel_loop3A_329 = arith.extui %parallel_loop3A_328 : i1 to i32
        %parallel_loop3A_330 = arith.constant 0 : i32
        %parallel_loop3A_331 = arith.cmpi slt, %parallel_loop3A_318, %parallel_loop3A_330 : i32
        %parallel_loop3A_332 = arith.extui %parallel_loop3A_331 : i1 to i32
        %parallel_loop3A_333 = arith.subi %parallel_loop3A_329, %parallel_loop3A_332 : i32
        %parallel_loop3A_334 = arith.cmpi ne, %parallel_loop3A_326, %parallel_loop3A_333 : i32
        %parallel_loop3A_335 = arith.remsi %parallel_loop3A_221, %parallel_loop3A_318 : i32
        %parallel_loop3A_336 = arith.constant 0 : i32
        %parallel_loop3A_337 = arith.cmpi ne, %parallel_loop3A_335, %parallel_loop3A_336 : i32
        %parallel_loop3A_338 = arith.andi %parallel_loop3A_334, %parallel_loop3A_337 : i1
        %parallel_loop3A_339 = arith.constant 1 : i32
        %parallel_loop3A_340 = arith.subi %parallel_loop3A_319, %parallel_loop3A_339 : i32
        %parallel_loop3A_341 = arith.select %parallel_loop3A_338, %parallel_loop3A_340, %parallel_loop3A_319 : i32
        %parallel_loop3A_342 = arith.constant 8 : i32
        %parallel_loop3A_343 = arith.constant 0 : i32
        %parallel_loop3A_344 = arith.cmpi eq, %parallel_loop3A_342, %parallel_loop3A_343 : i32
        %parallel_loop3A_345 = arith.constant 1 : i32
        %parallel_loop3A_346 = arith.select %parallel_loop3A_344, %parallel_loop3A_345, %parallel_loop3A_342 : i32
        %parallel_loop3A_347 = arith.remsi %parallel_loop3A_221, %parallel_loop3A_346 : i32
        %parallel_loop3A_348 = arith.constant 0 : i32
        %parallel_loop3A_349 = arith.cmpi ne, %parallel_loop3A_347, %parallel_loop3A_348 : i32
        %parallel_loop3A_350 = arith.constant 0 : i32
        %parallel_loop3A_351 = arith.cmpi slt, %parallel_loop3A_347, %parallel_loop3A_350 : i32
        %parallel_loop3A_352 = arith.constant 0 : i32
        %parallel_loop3A_353 = arith.cmpi slt, %parallel_loop3A_346, %parallel_loop3A_352 : i32
        %parallel_loop3A_354 = arith.xori %parallel_loop3A_351, %parallel_loop3A_353 : i1
        %parallel_loop3A_355 = arith.andi %parallel_loop3A_354, %parallel_loop3A_349 : i1
        %parallel_loop3A_356 = arith.addi %parallel_loop3A_347, %parallel_loop3A_346 : i32
        %parallel_loop3A_357 = arith.select %parallel_loop3A_355, %parallel_loop3A_356, %parallel_loop3A_347 : i32
        %parallel_loop3A_358 = arith.index_cast %parallel_loop3A_341 : i32 to index
        %parallel_loop3A_359 = arith.index_cast %parallel_loop3A_357 : i32 to index
        %parallel_loop3A_360 = arith.constant 32 : index
        %parallel_loop3A_361 = tpu.vector_load %arg12[%parallel_loop3A_358, %parallel_loop3A_359, %parallel_loop3A_360] {strides = array<i32>} : memref<4x8x128xf32, #tpu.memory_space<vmem>>, vector<16xf32>,
        tpu.vector_store %arg12[%parallel_loop3A_358, %parallel_loop3A_359, %parallel_loop3A_360], %parallel_loop3A_317 {strides = array<i32>} : memref<4x8x128xf32, #tpu.memory_space<vmem>>, vector<16xf32>,
        %parallel_loop3A_362 = tpu.vector_load_idx %arg10[%add3A_14, %parallel_loop3A_222] : memref<128x32xf32, #tpu.memory_space<vmem>>[vector<16xi32>, vector<16xi32>], vector<16xf32>,
        %parallel_loop3A_363 = arith.addf %parallel_loop3A_362, %parallel_loop3A_223 : vector<16xf32>
        %parallel_loop3A_364 = arith.constant 8 : i32
        %parallel_loop3A_365 = arith.divsi %parallel_loop3A_221, %parallel_loop3A_364 : i32
        %parallel_loop3A_366 = arith.constant 0 : i32
        %parallel_loop3A_367 = arith.cmpi sgt, %parallel_loop3A_221, %parallel_loop3A_366 : i32
        %parallel_loop3A_368 = arith.extui %parallel_loop3A_367 : i1 to i32
        %parallel_loop3A_369 = arith.constant 0 : i32
        %parallel_loop3A_370 = arith.cmpi slt, %parallel_loop3A_221, %parallel_loop3A_369 : i32
        %parallel_loop3A_371 = arith.extui %parallel_loop3A_370 : i1 to i32
        %parallel_loop3A_372 = arith.subi %parallel_loop3A_368, %parallel_loop3A_371 : i32
        %parallel_loop3A_373 = arith.constant 0 : i32
        %parallel_loop3A_374 = arith.cmpi sgt, %parallel_loop3A_364, %parallel_loop3A_373 : i32
        %parallel_loop3A_375 = arith.extui %parallel_loop3A_374 : i1 to i32
        %parallel_loop3A_376 = arith.constant 0 : i32
        %parallel_loop3A_377 = arith.cmpi slt, %parallel_loop3A_364, %parallel_loop3A_376 : i32
        %parallel_loop3A_378 = arith.extui %parallel_loop3A_377 : i1 to i32
        %parallel_loop3A_379 = arith.subi %parallel_loop3A_375, %parallel_loop3A_378 : i32
        %parallel_loop3A_380 = arith.cmpi ne, %parallel_loop3A_372, %parallel_loop3A_379 : i32
        %parallel_loop3A_381 = arith.remsi %parallel_loop3A_221, %parallel_loop3A_364 : i32
        %parallel_loop3A_382 = arith.constant 0 : i32
        %parallel_loop3A_383 = arith.cmpi ne, %parallel_loop3A_381, %parallel_loop3A_382 : i32
        %parallel_loop3A_384 = arith.andi %parallel_loop3A_380, %parallel_loop3A_383 : i1
        %parallel_loop3A_385 = arith.constant 1 : i32
        %parallel_loop3A_386 = arith.subi %parallel_loop3A_365, %parallel_loop3A_385 : i32
        %parallel_loop3A_387 = arith.select %parallel_loop3A_384, %parallel_loop3A_386, %parallel_loop3A_365 : i32
        %parallel_loop3A_388 = arith.constant 8 : i32
        %parallel_loop3A_389 = arith.constant 0 : i32
        %parallel_loop3A_390 = arith.cmpi eq, %parallel_loop3A_388, %parallel_loop3A_389 : i32
        %parallel_loop3A_391 = arith.constant 1 : i32
        %parallel_loop3A_392 = arith.select %parallel_loop3A_390, %parallel_loop3A_391, %parallel_loop3A_388 : i32
        %parallel_loop3A_393 = arith.remsi %parallel_loop3A_221, %parallel_loop3A_392 : i32
        %parallel_loop3A_394 = arith.constant 0 : i32
        %parallel_loop3A_395 = arith.cmpi ne, %parallel_loop3A_393, %parallel_loop3A_394 : i32
        %parallel_loop3A_396 = arith.constant 0 : i32
        %parallel_loop3A_397 = arith.cmpi slt, %parallel_loop3A_393, %parallel_loop3A_396 : i32
        %parallel_loop3A_398 = arith.constant 0 : i32
        %parallel_loop3A_399 = arith.cmpi slt, %parallel_loop3A_392, %parallel_loop3A_398 : i32
        %parallel_loop3A_400 = arith.xori %parallel_loop3A_397, %parallel_loop3A_399 : i1
        %parallel_loop3A_401 = arith.andi %parallel_loop3A_400, %parallel_loop3A_395 : i1
        %parallel_loop3A_402 = arith.addi %parallel_loop3A_393, %parallel_loop3A_392 : i32
        %parallel_loop3A_403 = arith.select %parallel_loop3A_401, %parallel_loop3A_402, %parallel_loop3A_393 : i32
        %parallel_loop3A_404 = arith.index_cast %parallel_loop3A_387 : i32 to index
        %parallel_loop3A_405 = arith.index_cast %parallel_loop3A_403 : i32 to index
        %parallel_loop3A_406 = arith.constant 48 : index
        %parallel_loop3A_407 = tpu.vector_load %arg12[%parallel_loop3A_404, %parallel_loop3A_405, %parallel_loop3A_406] {strides = array<i32>} : memref<4x8x128xf32, #tpu.memory_space<vmem>>, vector<16xf32>,
        tpu.vector_store %arg12[%parallel_loop3A_404, %parallel_loop3A_405, %parallel_loop3A_406], %parallel_loop3A_363 {strides = array<i32>} : memref<4x8x128xf32, #tpu.memory_space<vmem>>, vector<16xf32>,
        %parallel_loop3A_408 = tpu.vector_load_idx %arg10[%add3A_17, %parallel_loop3A_222] : memref<128x32xf32, #tpu.memory_space<vmem>>[vector<16xi32>, vector<16xi32>], vector<16xf32>,
        %parallel_loop3A_409 = arith.addf %parallel_loop3A_408, %parallel_loop3A_223 : vector<16xf32>
        %parallel_loop3A_410 = arith.constant 8 : i32
        %parallel_loop3A_411 = arith.divsi %parallel_loop3A_221, %parallel_loop3A_410 : i32
        %parallel_loop3A_412 = arith.constant 0 : i32
        %parallel_loop3A_413 = arith.cmpi sgt, %parallel_loop3A_221, %parallel_loop3A_412 : i32
        %parallel_loop3A_414 = arith.extui %parallel_loop3A_413 : i1 to i32
        %parallel_loop3A_415 = arith.constant 0 : i32
        %parallel_loop3A_416 = arith.cmpi slt, %parallel_loop3A_221, %parallel_loop3A_415 : i32
        %parallel_loop3A_417 = arith.extui %parallel_loop3A_416 : i1 to i32
        %parallel_loop3A_418 = arith.subi %parallel_loop3A_414, %parallel_loop3A_417 : i32
        %parallel_loop3A_419 = arith.constant 0 : i32
        %parallel_loop3A_420 = arith.cmpi sgt, %parallel_loop3A_410, %parallel_loop3A_419 : i32
        %parallel_loop3A_421 = arith.extui %parallel_loop3A_420 : i1 to i32
        %parallel_loop3A_422 = arith.constant 0 : i32
        %parallel_loop3A_423 = arith.cmpi slt, %parallel_loop3A_410, %parallel_loop3A_422 : i32
        %parallel_loop3A_424 = arith.extui %parallel_loop3A_423 : i1 to i32
        %parallel_loop3A_425 = arith.subi %parallel_loop3A_421, %parallel_loop3A_424 : i32
        %parallel_loop3A_426 = arith.cmpi ne, %parallel_loop3A_418, %parallel_loop3A_425 : i32
        %parallel_loop3A_427 = arith.remsi %parallel_loop3A_221, %parallel_loop3A_410 : i32
        %parallel_loop3A_428 = arith.constant 0 : i32
        %parallel_loop3A_429 = arith.cmpi ne, %parallel_loop3A_427, %parallel_loop3A_428 : i32
        %parallel_loop3A_430 = arith.andi %parallel_loop3A_426, %parallel_loop3A_429 : i1
        %parallel_loop3A_431 = arith.constant 1 : i32
        %parallel_loop3A_432 = arith.subi %parallel_loop3A_411, %parallel_loop3A_431 : i32
        %parallel_loop3A_433 = arith.select %parallel_loop3A_430, %parallel_loop3A_432, %parallel_loop3A_411 : i32
        %parallel_loop3A_434 = arith.constant 8 : i32
        %parallel_loop3A_435 = arith.constant 0 : i32
        %parallel_loop3A_436 = arith.cmpi eq, %parallel_loop3A_434, %parallel_loop3A_435 : i32
        %parallel_loop3A_437 = arith.constant 1 : i32
        %parallel_loop3A_438 = arith.select %parallel_loop3A_436, %parallel_loop3A_437, %parallel_loop3A_434 : i32
        %parallel_loop3A_439 = arith.remsi %parallel_loop3A_221, %parallel_loop3A_438 : i32
        %parallel_loop3A_440 = arith.constant 0 : i32
        %parallel_loop3A_441 = arith.cmpi ne, %parallel_loop3A_439, %parallel_loop3A_440 : i32
        %parallel_loop3A_442 = arith.constant 0 : i32
        %parallel_loop3A_443 = arith.cmpi slt, %parallel_loop3A_439, %parallel_loop3A_442 : i32
        %parallel_loop3A_444 = arith.constant 0 : i32
        %parallel_loop3A_445 = arith.cmpi slt, %parallel_loop3A_438, %parallel_loop3A_444 : i32
        %parallel_loop3A_446 = arith.xori %parallel_loop3A_443, %parallel_loop3A_445 : i1
        %parallel_loop3A_447 = arith.andi %parallel_loop3A_446, %parallel_loop3A_441 : i1
        %parallel_loop3A_448 = arith.addi %parallel_loop3A_439, %parallel_loop3A_438 : i32
        %parallel_loop3A_449 = arith.select %parallel_loop3A_447, %parallel_loop3A_448, %parallel_loop3A_439 : i32
        %parallel_loop3A_450 = arith.index_cast %parallel_loop3A_433 : i32 to index
        %parallel_loop3A_451 = arith.index_cast %parallel_loop3A_449 : i32 to index
        %parallel_loop3A_452 = arith.constant 64 : index
        %parallel_loop3A_453 = tpu.vector_load %arg12[%parallel_loop3A_450, %parallel_loop3A_451, %parallel_loop3A_452] {strides = array<i32>} : memref<4x8x128xf32, #tpu.memory_space<vmem>>, vector<16xf32>,
        tpu.vector_store %arg12[%parallel_loop3A_450, %parallel_loop3A_451, %parallel_loop3A_452], %parallel_loop3A_409 {strides = array<i32>} : memref<4x8x128xf32, #tpu.memory_space<vmem>>, vector<16xf32>,
        %parallel_loop3A_454 = tpu.vector_load_idx %arg10[%add3A_20, %parallel_loop3A_222] : memref<128x32xf32, #tpu.memory_space<vmem>>[vector<16xi32>, vector<16xi32>], vector<16xf32>,
        %parallel_loop3A_455 = arith.addf %parallel_loop3A_454, %parallel_loop3A_223 : vector<16xf32>
        %parallel_loop3A_456 = arith.constant 8 : i32
        %parallel_loop3A_457 = arith.divsi %parallel_loop3A_221, %parallel_loop3A_456 : i32
        %parallel_loop3A_458 = arith.constant 0 : i32
        %parallel_loop3A_459 = arith.cmpi sgt, %parallel_loop3A_221, %parallel_loop3A_458 : i32
        %parallel_loop3A_460 = arith.extui %parallel_loop3A_459 : i1 to i32
        %parallel_loop3A_461 = arith.constant 0 : i32
        %parallel_loop3A_462 = arith.cmpi slt, %parallel_loop3A_221, %parallel_loop3A_461 : i32
        %parallel_loop3A_463 = arith.extui %parallel_loop3A_462 : i1 to i32
        %parallel_loop3A_464 = arith.subi %parallel_loop3A_460, %parallel_loop3A_463 : i32
        %parallel_loop3A_465 = arith.constant 0 : i32
        %parallel_loop3A_466 = arith.cmpi sgt, %parallel_loop3A_456, %parallel_loop3A_465 : i32
        %parallel_loop3A_467 = arith.extui %parallel_loop3A_466 : i1 to i32
        %parallel_loop3A_468 = arith.constant 0 : i32
        %parallel_loop3A_469 = arith.cmpi slt, %parallel_loop3A_456, %parallel_loop3A_468 : i32
        %parallel_loop3A_470 = arith.extui %parallel_loop3A_469 : i1 to i32
        %parallel_loop3A_471 = arith.subi %parallel_loop3A_467, %parallel_loop3A_470 : i32
        %parallel_loop3A_472 = arith.cmpi ne, %parallel_loop3A_464, %parallel_loop3A_471 : i32
        %parallel_loop3A_473 = arith.remsi %parallel_loop3A_221, %parallel_loop3A_456 : i32
        %parallel_loop3A_474 = arith.constant 0 : i32
        %parallel_loop3A_475 = arith.cmpi ne, %parallel_loop3A_473, %parallel_loop3A_474 : i32
        %parallel_loop3A_476 = arith.andi %parallel_loop3A_472, %parallel_loop3A_475 : i1
        %parallel_loop3A_477 = arith.constant 1 : i32
        %parallel_loop3A_478 = arith.subi %parallel_loop3A_457, %parallel_loop3A_477 : i32
        %parallel_loop3A_479 = arith.select %parallel_loop3A_476, %parallel_loop3A_478, %parallel_loop3A_457 : i32
        %parallel_loop3A_480 = arith.constant 8 : i32
        %parallel_loop3A_481 = arith.constant 0 : i32
        %parallel_loop3A_482 = arith.cmpi eq, %parallel_loop3A_480, %parallel_loop3A_481 : i32
        %parallel_loop3A_483 = arith.constant 1 : i32
        %parallel_loop3A_484 = arith.select %parallel_loop3A_482, %parallel_loop3A_483, %parallel_loop3A_480 : i32
        %parallel_loop3A_485 = arith.remsi %parallel_loop3A_221, %parallel_loop3A_484 : i32
        %parallel_loop3A_486 = arith.constant 0 : i32
        %parallel_loop3A_487 = arith.cmpi ne, %parallel_loop3A_485, %parallel_loop3A_486 : i32
        %parallel_loop3A_488 = arith.constant 0 : i32
        %parallel_loop3A_489 = arith.cmpi slt, %parallel_loop3A_485, %parallel_loop3A_488 : i32
        %parallel_loop3A_490 = arith.constant 0 : i32
        %parallel_loop3A_491 = arith.cmpi slt, %parallel_loop3A_484, %parallel_loop3A_490 : i32
        %parallel_loop3A_492 = arith.xori %parallel_loop3A_489, %parallel_loop3A_491 : i1
        %parallel_loop3A_493 = arith.andi %parallel_loop3A_492, %parallel_loop3A_487 : i1
        %parallel_loop3A_494 = arith.addi %parallel_loop3A_485, %parallel_loop3A_484 : i32
        %parallel_loop3A_495 = arith.select %parallel_loop3A_493, %parallel_loop3A_494, %parallel_loop3A_485 : i32
        %parallel_loop3A_496 = arith.index_cast %parallel_loop3A_479 : i32 to index
        %parallel_loop3A_497 = arith.index_cast %parallel_loop3A_495 : i32 to index
        %parallel_loop3A_498 = arith.constant 80 : index
        %parallel_loop3A_499 = tpu.vector_load %arg12[%parallel_loop3A_496, %parallel_loop3A_497, %parallel_loop3A_498] {strides = array<i32>} : memref<4x8x128xf32, #tpu.memory_space<vmem>>, vector<16xf32>,
        tpu.vector_store %arg12[%parallel_loop3A_496, %parallel_loop3A_497, %parallel_loop3A_498], %parallel_loop3A_455 {strides = array<i32>} : memref<4x8x128xf32, #tpu.memory_space<vmem>>, vector<16xf32>,
        %parallel_loop3A_500 = tpu.vector_load_idx %arg10[%add3A_23, %parallel_loop3A_222] : memref<128x32xf32, #tpu.memory_space<vmem>>[vector<16xi32>, vector<16xi32>], vector<16xf32>,
        %parallel_loop3A_501 = arith.addf %parallel_loop3A_500, %parallel_loop3A_223 : vector<16xf32>
        %parallel_loop3A_502 = arith.constant 8 : i32
        %parallel_loop3A_503 = arith.divsi %parallel_loop3A_221, %parallel_loop3A_502 : i32
        %parallel_loop3A_504 = arith.constant 0 : i32
        %parallel_loop3A_505 = arith.cmpi sgt, %parallel_loop3A_221, %parallel_loop3A_504 : i32
        %parallel_loop3A_506 = arith.extui %parallel_loop3A_505 : i1 to i32
        %parallel_loop3A_507 = arith.constant 0 : i32
        %parallel_loop3A_508 = arith.cmpi slt, %parallel_loop3A_221, %parallel_loop3A_507 : i32
        %parallel_loop3A_509 = arith.extui %parallel_loop3A_508 : i1 to i32
        %parallel_loop3A_510 = arith.subi %parallel_loop3A_506, %parallel_loop3A_509 : i32
        %parallel_loop3A_511 = arith.constant 0 : i32
        %parallel_loop3A_512 = arith.cmpi sgt, %parallel_loop3A_502, %parallel_loop3A_511 : i32
        %parallel_loop3A_513 = arith.extui %parallel_loop3A_512 : i1 to i32
        %parallel_loop3A_514 = arith.constant 0 : i32
        %parallel_loop3A_515 = arith.cmpi slt, %parallel_loop3A_502, %parallel_loop3A_514 : i32
        %parallel_loop3A_516 = arith.extui %parallel_loop3A_515 : i1 to i32
        %parallel_loop3A_517 = arith.subi %parallel_loop3A_513, %parallel_loop3A_516 : i32
        %parallel_loop3A_518 = arith.cmpi ne, %parallel_loop3A_510, %parallel_loop3A_517 : i32
        %parallel_loop3A_519 = arith.remsi %parallel_loop3A_221, %parallel_loop3A_502 : i32
        %parallel_loop3A_520 = arith.constant 0 : i32
        %parallel_loop3A_521 = arith.cmpi ne, %parallel_loop3A_519, %parallel_loop3A_520 : i32
        %parallel_loop3A_522 = arith.andi %parallel_loop3A_518, %parallel_loop3A_521 : i1
        %parallel_loop3A_523 = arith.constant 1 : i32
        %parallel_loop3A_524 = arith.subi %parallel_loop3A_503, %parallel_loop3A_523 : i32
        %parallel_loop3A_525 = arith.select %parallel_loop3A_522, %parallel_loop3A_524, %parallel_loop3A_503 : i32
        %parallel_loop3A_526 = arith.constant 8 : i32
        %parallel_loop3A_527 = arith.constant 0 : i32
        %parallel_loop3A_528 = arith.cmpi eq, %parallel_loop3A_526, %parallel_loop3A_527 : i32
        %parallel_loop3A_529 = arith.constant 1 : i32
        %parallel_loop3A_530 = arith.select %parallel_loop3A_528, %parallel_loop3A_529, %parallel_loop3A_526 : i32
        %parallel_loop3A_531 = arith.remsi %parallel_loop3A_221, %parallel_loop3A_530 : i32
        %parallel_loop3A_532 = arith.constant 0 : i32
        %parallel_loop3A_533 = arith.cmpi ne, %parallel_loop3A_531, %parallel_loop3A_532 : i32
        %parallel_loop3A_534 = arith.constant 0 : i32
        %parallel_loop3A_535 = arith.cmpi slt, %parallel_loop3A_531, %parallel_loop3A_534 : i32
        %parallel_loop3A_536 = arith.constant 0 : i32
        %parallel_loop3A_537 = arith.cmpi slt, %parallel_loop3A_530, %parallel_loop3A_536 : i32
        %parallel_loop3A_538 = arith.xori %parallel_loop3A_535, %parallel_loop3A_537 : i1
        %parallel_loop3A_539 = arith.andi %parallel_loop3A_538, %parallel_loop3A_533 : i1
        %parallel_loop3A_540 = arith.addi %parallel_loop3A_531, %parallel_loop3A_530 : i32
        %parallel_loop3A_541 = arith.select %parallel_loop3A_539, %parallel_loop3A_540, %parallel_loop3A_531 : i32
        %parallel_loop3A_542 = arith.index_cast %parallel_loop3A_525 : i32 to index
        %parallel_loop3A_543 = arith.index_cast %parallel_loop3A_541 : i32 to index
        %parallel_loop3A_544 = arith.constant 96 : index
        %parallel_loop3A_545 = tpu.vector_load %arg12[%parallel_loop3A_542, %parallel_loop3A_543, %parallel_loop3A_544] {strides = array<i32>} : memref<4x8x128xf32, #tpu.memory_space<vmem>>, vector<16xf32>,
        tpu.vector_store %arg12[%parallel_loop3A_542, %parallel_loop3A_543, %parallel_loop3A_544], %parallel_loop3A_501 {strides = array<i32>} : memref<4x8x128xf32, #tpu.memory_space<vmem>>, vector<16xf32>,
        %parallel_loop3A_546 = tpu.vector_load_idx %arg10[%add3A_26, %parallel_loop3A_222] : memref<128x32xf32, #tpu.memory_space<vmem>>[vector<16xi32>, vector<16xi32>], vector<16xf32>,
        %parallel_loop3A_547 = arith.addf %parallel_loop3A_546, %parallel_loop3A_223 : vector<16xf32>
        %parallel_loop3A_548 = arith.constant 8 : i32
        %parallel_loop3A_549 = arith.divsi %parallel_loop3A_221, %parallel_loop3A_548 : i32
        %parallel_loop3A_550 = arith.constant 0 : i32
        %parallel_loop3A_551 = arith.cmpi sgt, %parallel_loop3A_221, %parallel_loop3A_550 : i32
        %parallel_loop3A_552 = arith.extui %parallel_loop3A_551 : i1 to i32
        %parallel_loop3A_553 = arith.constant 0 : i32
        %parallel_loop3A_554 = arith.cmpi slt, %parallel_loop3A_221, %parallel_loop3A_553 : i32
        %parallel_loop3A_555 = arith.extui %parallel_loop3A_554 : i1 to i32
        %parallel_loop3A_556 = arith.subi %parallel_loop3A_552, %parallel_loop3A_555 : i32
        %parallel_loop3A_557 = arith.constant 0 : i32
        %parallel_loop3A_558 = arith.cmpi sgt, %parallel_loop3A_548, %parallel_loop3A_557 : i32
        %parallel_loop3A_559 = arith.extui %parallel_loop3A_558 : i1 to i32
        %parallel_loop3A_560 = arith.constant 0 : i32
        %parallel_loop3A_561 = arith.cmpi slt, %parallel_loop3A_548, %parallel_loop3A_560 : i32
        %parallel_loop3A_562 = arith.extui %parallel_loop3A_561 : i1 to i32
        %parallel_loop3A_563 = arith.subi %parallel_loop3A_559, %parallel_loop3A_562 : i32
        %parallel_loop3A_564 = arith.cmpi ne, %parallel_loop3A_556, %parallel_loop3A_563 : i32
        %parallel_loop3A_565 = arith.remsi %parallel_loop3A_221, %parallel_loop3A_548 : i32
        %parallel_loop3A_566 = arith.constant 0 : i32
        %parallel_loop3A_567 = arith.cmpi ne, %parallel_loop3A_565, %parallel_loop3A_566 : i32
        %parallel_loop3A_568 = arith.andi %parallel_loop3A_564, %parallel_loop3A_567 : i1
        %parallel_loop3A_569 = arith.constant 1 : i32
        %parallel_loop3A_570 = arith.subi %parallel_loop3A_549, %parallel_loop3A_569 : i32
        %parallel_loop3A_571 = arith.select %parallel_loop3A_568, %parallel_loop3A_570, %parallel_loop3A_549 : i32
        %parallel_loop3A_572 = arith.constant 8 : i32
        %parallel_loop3A_573 = arith.constant 0 : i32
        %parallel_loop3A_574 = arith.cmpi eq, %parallel_loop3A_572, %parallel_loop3A_573 : i32
        %parallel_loop3A_575 = arith.constant 1 : i32
        %parallel_loop3A_576 = arith.select %parallel_loop3A_574, %parallel_loop3A_575, %parallel_loop3A_572 : i32
        %parallel_loop3A_577 = arith.remsi %parallel_loop3A_221, %parallel_loop3A_576 : i32
        %parallel_loop3A_578 = arith.constant 0 : i32
        %parallel_loop3A_579 = arith.cmpi ne, %parallel_loop3A_577, %parallel_loop3A_578 : i32
        %parallel_loop3A_580 = arith.constant 0 : i32
        %parallel_loop3A_581 = arith.cmpi slt, %parallel_loop3A_577, %parallel_loop3A_580 : i32
        %parallel_loop3A_582 = arith.constant 0 : i32
        %parallel_loop3A_583 = arith.cmpi slt, %parallel_loop3A_576, %parallel_loop3A_582 : i32
        %parallel_loop3A_584 = arith.xori %parallel_loop3A_581, %parallel_loop3A_583 : i1
        %parallel_loop3A_585 = arith.andi %parallel_loop3A_584, %parallel_loop3A_579 : i1
        %parallel_loop3A_586 = arith.addi %parallel_loop3A_577, %parallel_loop3A_576 : i32
        %parallel_loop3A_587 = arith.select %parallel_loop3A_585, %parallel_loop3A_586, %parallel_loop3A_577 : i32
        %parallel_loop3A_588 = arith.index_cast %parallel_loop3A_571 : i32 to index
        %parallel_loop3A_589 = arith.index_cast %parallel_loop3A_587 : i32 to index
        %parallel_loop3A_590 = arith.constant 112 : index
        %parallel_loop3A_591 = tpu.vector_load %arg12[%parallel_loop3A_588, %parallel_loop3A_589, %parallel_loop3A_590] {strides = array<i32>} : memref<4x8x128xf32, #tpu.memory_space<vmem>>, vector<16xf32>,
        tpu.vector_store %arg12[%parallel_loop3A_588, %parallel_loop3A_589, %parallel_loop3A_590], %parallel_loop3A_547 {strides = array<i32>} : memref<4x8x128xf32, #tpu.memory_space<vmem>>, vector<16xf32>,
      } {sc.loop_unroll_factor = 4 : i64, sc.parallel_access}
      %dma_start3A_168 = arith.constant 0 : i32
      %dma_start3A_169 = arith.constant 0 : i32
      %dma_start3A_170 = arith.constant 0 : i32
      %dma_start3A_171 = tpu.memref_slice %arg5[%add3A_152, %dma_start3A_168, %add3A, %dma_start3A_169, %dma_start3A_170] : memref<200x4x32x8x128xf32, #tpu.memory_space<hbm>> -> memref<1x4x1x8x128xf32, #tpu.memory_space<hbm>>
      %dma_start3A_172 = tpu.memref_squeeze %dma_start3A_171 : memref<1x4x1x8x128xf32, #tpu.memory_space<hbm>> -> memref<4x8x128xf32, #tpu.memory_space<hbm>>
      %dma_start3A_173 = arith.constant 0 : i32
      %dma_start3A_174 = arith.constant 0 : i32
      %dma_start3A_175 = arith.constant 0 : i32
      %dma_start3A_176 = tpu.memref_slice %arg5[%add3A_152, %dma_start3A_173, %add3A, %dma_start3A_174, %dma_start3A_175] : memref<200x4x32x8x128xf32, #tpu.memory_space<hbm>> -> memref<1x4x1x8x128xf32, #tpu.memory_space<hbm>>
      %dma_start3A_177 = tpu.memref_squeeze %dma_start3A_176 : memref<1x4x1x8x128xf32, #tpu.memory_space<hbm>> -> memref<4x8x128xf32, #tpu.memory_space<hbm>>
      tpu.enqueue_dma source(%arg12 : memref<4x8x128xf32, #tpu.memory_space<vmem>>) target(%dma_start3A_177 : memref<4x8x128xf32, #tpu.memory_space<hbm>>) target_semaphore(%arg15 : memref<!tpu.dma_semaphore, #tpu.memory_space<semaphore_mem>>)
      %add3A_178 = arith.constant 4 : i32
      %add3A_179 = arith.addi %add3A_152, %add3A_178 : i32
      %lt3A_180 = arith.constant 200 : i32
      %lt3A_181 = arith.cmpi slt, %add3A_179, %lt3A_180 : i32
      %convert_element_type3A_182 = arith.extui %lt3A_181 : i1 to i32
      %cond3A_183 = arith.constant 0 : i32
      %cond3A_184 = arith.cmpi ne, %convert_element_type3A_182, %cond3A_183 : i32
      scf.if %cond3A_184 {
        %add3A_221 = arith.constant 4 : i32
        %add3A_222 = arith.addi %add3A_152, %add3A_221 : i32
        %dma_start3A_223 = arith.constant 0 : i32
        %dma_start3A_224 = tpu.memref_slice %arg6[%add3A_222, %dma_start3A_223] : memref<200x128xi32, #tpu.memory_space<vmem>> -> memref<1x128xi32, #tpu.memory_space<vmem>>
        %dma_start3A_225 = tpu.memref_squeeze %dma_start3A_224 : memref<1x128xi32, #tpu.memory_space<vmem>> -> memref<128xi32, #tpu.memory_space<vmem>>
        %dma_start3A_226 = arith.constant 0 : i32
        %dma_start3A_227 = arith.constant 0 : i32
        %dma_start3A_228 = tpu.memref_slice %arg3[%dma_start3A_226, %dma_start3A_227] : memref<1000000x32xf32, #tpu.memory_space<hbm>> -> memref<1000000x32xf32, #tpu.memory_space<hbm>>
        tpu.enqueue_indirect_dma source(%dma_start3A_228 : memref<1000000x32xf32, #tpu.memory_space<hbm>>) target(%arg10 : memref<128x32xf32, #tpu.memory_space<vmem>>) offsets(%dma_start3A_225 : memref<128xi32, #tpu.memory_space<vmem>>) semaphore(%arg14 : memref<!tpu.dma_semaphore, #tpu.memory_space<semaphore_mem>>)
      } else {
      }
      %mul3A_185 = arith.constant 4 : i32
      %mul3A_186 = arith.muli %scan3A_82, %mul3A_185 : i32
      %add3A_187 = arith.constant 3 : i32
      %add3A_188 = arith.addi %mul3A_186, %add3A_187 : i32
      %dma_wait3A_189 = arith.constant 0 : i32
      %dma_wait3A_190 = arith.constant 0 : i32
      %dma_wait3A_191 = tpu.memref_slice %arg3[%dma_wait3A_189, %dma_wait3A_190] : memref<1000000x32xf32, #tpu.memory_space<hbm>> -> memref<128x32xf32, #tpu.memory_space<hbm>>
      %dma_wait3A_192 = arith.constant 0 : i32
      %dma_wait3A_193 = arith.constant 0 : i32
      %dma_wait3A_194 = tpu.memref_slice %arg3[%dma_wait3A_192, %dma_wait3A_193] : memref<1000000x32xf32, #tpu.memory_space<hbm>> -> memref<128x32xf32, #tpu.memory_space<hbm>>
      tpu.wait_dma2 semaphore(%arg14 : memref<!tpu.dma_semaphore, #tpu.memory_space<semaphore_mem>>) src(%dma_wait3A_194 : memref<128x32xf32, #tpu.memory_space<hbm>>) dst(%arg11 : memref<128x32xf32, #tpu.memory_space<vmem>>)
      %ge3A_195 = arith.constant 2 : i32
      %ge3A_196 = arith.cmpi sge, %add3A_188, %ge3A_195 : i32
      %convert_element_type3A_197 = arith.extui %ge3A_196 : i1 to i32
      %cond3A_198 = arith.constant 0 : i32
      %cond3A_199 = arith.cmpi ne, %convert_element_type3A_197, %cond3A_198 : i32
      scf.if %cond3A_199 {
        %dma_wait3A_221 = arith.constant 0 : i32
        %dma_wait3A_222 = arith.constant 0 : i32
        %dma_wait3A_223 = arith.constant 0 : i32
        %dma_wait3A_224 = arith.constant 0 : i32
        %dma_wait3A_225 = arith.constant 0 : i32
        %dma_wait3A_226 = tpu.memref_slice %arg5[%dma_wait3A_221, %dma_wait3A_223, %dma_wait3A_222, %dma_wait3A_224, %dma_wait3A_225] : memref<200x4x32x8x128xf32, #tpu.memory_space<hbm>> -> memref<1x4x1x8x128xf32, #tpu.memory_space<hbm>>
        %dma_wait3A_227 = tpu.memref_squeeze %dma_wait3A_226 : memref<1x4x1x8x128xf32, #tpu.memory_space<hbm>> -> memref<4x8x128xf32, #tpu.memory_space<hbm>>
        %dma_wait3A_228 = arith.constant 0 : i32
        %dma_wait3A_229 = arith.constant 0 : i32
        %dma_wait3A_230 = arith.constant 0 : i32
        %dma_wait3A_231 = tpu.memref_slice %arg5[%dma_wait3A_221, %dma_wait3A_228, %dma_wait3A_222, %dma_wait3A_229, %dma_wait3A_230] : memref<200x4x32x8x128xf32, #tpu.memory_space<hbm>> -> memref<1x4x1x8x128xf32, #tpu.memory_space<hbm>>
        %dma_wait3A_232 = tpu.memref_squeeze %dma_wait3A_231 : memref<1x4x1x8x128xf32, #tpu.memory_space<hbm>> -> memref<4x8x128xf32, #tpu.memory_space<hbm>>
        tpu.wait_dma2 semaphore(%arg15 : memref<!tpu.dma_semaphore, #tpu.memory_space<semaphore_mem>>) src(%dma_wait3A_232 : memref<4x8x128xf32, #tpu.memory_space<hbm>>) dst(%arg13 : memref<4x8x128xf32, #tpu.memory_space<vmem>>)
      } else {
      }
      %broadcast_in_dim3A_200 = vector.broadcast %add3A_188 : i32 to vector<16xi32>
      %parallel_loop3A_201 = arith.constant 0 : i32
      %parallel_loop3A_202 = arith.constant 32 : i32
      %parallel_loop3A_203 = arith.constant 1 : i32
      scf.for %parallel_loop3A_221 = %parallel_loop3A_201 to %parallel_loop3A_202 step %parallel_loop3A_203  : i32 {
        %parallel_loop3A_222 = vector.broadcast %parallel_loop3A_221 : i32 to vector<16xi32>
        %parallel_loop3A_223 = tpu.vector_load_idx %arg7[%broadcast_in_dim3A_200, %parallel_loop3A_222] : memref<200x32xf32, #tpu.memory_space<vmem>>[vector<16xi32>, vector<16xi32>], vector<16xf32>,
        %parallel_loop3A_224 = tpu.vector_load_idx %arg11[%add3A_5, %parallel_loop3A_222] : memref<128x32xf32, #tpu.memory_space<vmem>>[vector<16xi32>, vector<16xi32>], vector<16xf32>,
        %parallel_loop3A_225 = arith.addf %parallel_loop3A_224, %parallel_loop3A_223 : vector<16xf32>
        %parallel_loop3A_226 = arith.constant 8 : i32
        %parallel_loop3A_227 = arith.divsi %parallel_loop3A_221, %parallel_loop3A_226 : i32
        %parallel_loop3A_228 = arith.constant 0 : i32
        %parallel_loop3A_229 = arith.cmpi sgt, %parallel_loop3A_221, %parallel_loop3A_228 : i32
        %parallel_loop3A_230 = arith.extui %parallel_loop3A_229 : i1 to i32
        %parallel_loop3A_231 = arith.constant 0 : i32
        %parallel_loop3A_232 = arith.cmpi slt, %parallel_loop3A_221, %parallel_loop3A_231 : i32
        %parallel_loop3A_233 = arith.extui %parallel_loop3A_232 : i1 to i32
        %parallel_loop3A_234 = arith.subi %parallel_loop3A_230, %parallel_loop3A_233 : i32
        %parallel_loop3A_235 = arith.constant 0 : i32
        %parallel_loop3A_236 = arith.cmpi sgt, %parallel_loop3A_226, %parallel_loop3A_235 : i32
        %parallel_loop3A_237 = arith.extui %parallel_loop3A_236 : i1 to i32
        %parallel_loop3A_238 = arith.constant 0 : i32
        %parallel_loop3A_239 = arith.cmpi slt, %parallel_loop3A_226, %parallel_loop3A_238 : i32
        %parallel_loop3A_240 = arith.extui %parallel_loop3A_239 : i1 to i32
        %parallel_loop3A_241 = arith.subi %parallel_loop3A_237, %parallel_loop3A_240 : i32
        %parallel_loop3A_242 = arith.cmpi ne, %parallel_loop3A_234, %parallel_loop3A_241 : i32
        %parallel_loop3A_243 = arith.remsi %parallel_loop3A_221, %parallel_loop3A_226 : i32
        %parallel_loop3A_244 = arith.constant 0 : i32
        %parallel_loop3A_245 = arith.cmpi ne, %parallel_loop3A_243, %parallel_loop3A_244 : i32
        %parallel_loop3A_246 = arith.andi %parallel_loop3A_242, %parallel_loop3A_245 : i1
        %parallel_loop3A_247 = arith.constant 1 : i32
        %parallel_loop3A_248 = arith.subi %parallel_loop3A_227, %parallel_loop3A_247 : i32
        %parallel_loop3A_249 = arith.select %parallel_loop3A_246, %parallel_loop3A_248, %parallel_loop3A_227 : i32
        %parallel_loop3A_250 = arith.constant 8 : i32
        %parallel_loop3A_251 = arith.constant 0 : i32
        %parallel_loop3A_252 = arith.cmpi eq, %parallel_loop3A_250, %parallel_loop3A_251 : i32
        %parallel_loop3A_253 = arith.constant 1 : i32
        %parallel_loop3A_254 = arith.select %parallel_loop3A_252, %parallel_loop3A_253, %parallel_loop3A_250 : i32
        %parallel_loop3A_255 = arith.remsi %parallel_loop3A_221, %parallel_loop3A_254 : i32
        %parallel_loop3A_256 = arith.constant 0 : i32
        %parallel_loop3A_257 = arith.cmpi ne, %parallel_loop3A_255, %parallel_loop3A_256 : i32
        %parallel_loop3A_258 = arith.constant 0 : i32
        %parallel_loop3A_259 = arith.cmpi slt, %parallel_loop3A_255, %parallel_loop3A_258 : i32
        %parallel_loop3A_260 = arith.constant 0 : i32
        %parallel_loop3A_261 = arith.cmpi slt, %parallel_loop3A_254, %parallel_loop3A_260 : i32
        %parallel_loop3A_262 = arith.xori %parallel_loop3A_259, %parallel_loop3A_261 : i1
        %parallel_loop3A_263 = arith.andi %parallel_loop3A_262, %parallel_loop3A_257 : i1
        %parallel_loop3A_264 = arith.addi %parallel_loop3A_255, %parallel_loop3A_254 : i32
        %parallel_loop3A_265 = arith.select %parallel_loop3A_263, %parallel_loop3A_264, %parallel_loop3A_255 : i32
        %parallel_loop3A_266 = arith.index_cast %parallel_loop3A_249 : i32 to index
        %parallel_loop3A_267 = arith.index_cast %parallel_loop3A_265 : i32 to index
        %parallel_loop3A_268 = arith.constant 0 : index
        %parallel_loop3A_269 = tpu.vector_load %arg13[%parallel_loop3A_266, %parallel_loop3A_267, %parallel_loop3A_268] {strides = array<i32>} : memref<4x8x128xf32, #tpu.memory_space<vmem>>, vector<16xf32>,
        tpu.vector_store %arg13[%parallel_loop3A_266, %parallel_loop3A_267, %parallel_loop3A_268], %parallel_loop3A_225 {strides = array<i32>} : memref<4x8x128xf32, #tpu.memory_space<vmem>>, vector<16xf32>,
        %parallel_loop3A_270 = tpu.vector_load_idx %arg11[%add3A_8, %parallel_loop3A_222] : memref<128x32xf32, #tpu.memory_space<vmem>>[vector<16xi32>, vector<16xi32>], vector<16xf32>,
        %parallel_loop3A_271 = arith.addf %parallel_loop3A_270, %parallel_loop3A_223 : vector<16xf32>
        %parallel_loop3A_272 = arith.constant 8 : i32
        %parallel_loop3A_273 = arith.divsi %parallel_loop3A_221, %parallel_loop3A_272 : i32
        %parallel_loop3A_274 = arith.constant 0 : i32
        %parallel_loop3A_275 = arith.cmpi sgt, %parallel_loop3A_221, %parallel_loop3A_274 : i32
        %parallel_loop3A_276 = arith.extui %parallel_loop3A_275 : i1 to i32
        %parallel_loop3A_277 = arith.constant 0 : i32
        %parallel_loop3A_278 = arith.cmpi slt, %parallel_loop3A_221, %parallel_loop3A_277 : i32
        %parallel_loop3A_279 = arith.extui %parallel_loop3A_278 : i1 to i32
        %parallel_loop3A_280 = arith.subi %parallel_loop3A_276, %parallel_loop3A_279 : i32
        %parallel_loop3A_281 = arith.constant 0 : i32
        %parallel_loop3A_282 = arith.cmpi sgt, %parallel_loop3A_272, %parallel_loop3A_281 : i32
        %parallel_loop3A_283 = arith.extui %parallel_loop3A_282 : i1 to i32
        %parallel_loop3A_284 = arith.constant 0 : i32
        %parallel_loop3A_285 = arith.cmpi slt, %parallel_loop3A_272, %parallel_loop3A_284 : i32
        %parallel_loop3A_286 = arith.extui %parallel_loop3A_285 : i1 to i32
        %parallel_loop3A_287 = arith.subi %parallel_loop3A_283, %parallel_loop3A_286 : i32
        %parallel_loop3A_288 = arith.cmpi ne, %parallel_loop3A_280, %parallel_loop3A_287 : i32
        %parallel_loop3A_289 = arith.remsi %parallel_loop3A_221, %parallel_loop3A_272 : i32
        %parallel_loop3A_290 = arith.constant 0 : i32
        %parallel_loop3A_291 = arith.cmpi ne, %parallel_loop3A_289, %parallel_loop3A_290 : i32
        %parallel_loop3A_292 = arith.andi %parallel_loop3A_288, %parallel_loop3A_291 : i1
        %parallel_loop3A_293 = arith.constant 1 : i32
        %parallel_loop3A_294 = arith.subi %parallel_loop3A_273, %parallel_loop3A_293 : i32
        %parallel_loop3A_295 = arith.select %parallel_loop3A_292, %parallel_loop3A_294, %parallel_loop3A_273 : i32
        %parallel_loop3A_296 = arith.constant 8 : i32
        %parallel_loop3A_297 = arith.constant 0 : i32
        %parallel_loop3A_298 = arith.cmpi eq, %parallel_loop3A_296, %parallel_loop3A_297 : i32
        %parallel_loop3A_299 = arith.constant 1 : i32
        %parallel_loop3A_300 = arith.select %parallel_loop3A_298, %parallel_loop3A_299, %parallel_loop3A_296 : i32
        %parallel_loop3A_301 = arith.remsi %parallel_loop3A_221, %parallel_loop3A_300 : i32
        %parallel_loop3A_302 = arith.constant 0 : i32
        %parallel_loop3A_303 = arith.cmpi ne, %parallel_loop3A_301, %parallel_loop3A_302 : i32
        %parallel_loop3A_304 = arith.constant 0 : i32
        %parallel_loop3A_305 = arith.cmpi slt, %parallel_loop3A_301, %parallel_loop3A_304 : i32
        %parallel_loop3A_306 = arith.constant 0 : i32
        %parallel_loop3A_307 = arith.cmpi slt, %parallel_loop3A_300, %parallel_loop3A_306 : i32
        %parallel_loop3A_308 = arith.xori %parallel_loop3A_305, %parallel_loop3A_307 : i1
        %parallel_loop3A_309 = arith.andi %parallel_loop3A_308, %parallel_loop3A_303 : i1
        %parallel_loop3A_310 = arith.addi %parallel_loop3A_301, %parallel_loop3A_300 : i32
        %parallel_loop3A_311 = arith.select %parallel_loop3A_309, %parallel_loop3A_310, %parallel_loop3A_301 : i32
        %parallel_loop3A_312 = arith.index_cast %parallel_loop3A_295 : i32 to index
        %parallel_loop3A_313 = arith.index_cast %parallel_loop3A_311 : i32 to index
        %parallel_loop3A_314 = arith.constant 16 : index
        %parallel_loop3A_315 = tpu.vector_load %arg13[%parallel_loop3A_312, %parallel_loop3A_313, %parallel_loop3A_314] {strides = array<i32>} : memref<4x8x128xf32, #tpu.memory_space<vmem>>, vector<16xf32>,
        tpu.vector_store %arg13[%parallel_loop3A_312, %parallel_loop3A_313, %parallel_loop3A_314], %parallel_loop3A_271 {strides = array<i32>} : memref<4x8x128xf32, #tpu.memory_space<vmem>>, vector<16xf32>,
        %parallel_loop3A_316 = tpu.vector_load_idx %arg11[%add3A_11, %parallel_loop3A_222] : memref<128x32xf32, #tpu.memory_space<vmem>>[vector<16xi32>, vector<16xi32>], vector<16xf32>,
        %parallel_loop3A_317 = arith.addf %parallel_loop3A_316, %parallel_loop3A_223 : vector<16xf32>
        %parallel_loop3A_318 = arith.constant 8 : i32
        %parallel_loop3A_319 = arith.divsi %parallel_loop3A_221, %parallel_loop3A_318 : i32
        %parallel_loop3A_320 = arith.constant 0 : i32
        %parallel_loop3A_321 = arith.cmpi sgt, %parallel_loop3A_221, %parallel_loop3A_320 : i32
        %parallel_loop3A_322 = arith.extui %parallel_loop3A_321 : i1 to i32
        %parallel_loop3A_323 = arith.constant 0 : i32
        %parallel_loop3A_324 = arith.cmpi slt, %parallel_loop3A_221, %parallel_loop3A_323 : i32
        %parallel_loop3A_325 = arith.extui %parallel_loop3A_324 : i1 to i32
        %parallel_loop3A_326 = arith.subi %parallel_loop3A_322, %parallel_loop3A_325 : i32
        %parallel_loop3A_327 = arith.constant 0 : i32
        %parallel_loop3A_328 = arith.cmpi sgt, %parallel_loop3A_318, %parallel_loop3A_327 : i32
        %parallel_loop3A_329 = arith.extui %parallel_loop3A_328 : i1 to i32
        %parallel_loop3A_330 = arith.constant 0 : i32
        %parallel_loop3A_331 = arith.cmpi slt, %parallel_loop3A_318, %parallel_loop3A_330 : i32
        %parallel_loop3A_332 = arith.extui %parallel_loop3A_331 : i1 to i32
        %parallel_loop3A_333 = arith.subi %parallel_loop3A_329, %parallel_loop3A_332 : i32
        %parallel_loop3A_334 = arith.cmpi ne, %parallel_loop3A_326, %parallel_loop3A_333 : i32
        %parallel_loop3A_335 = arith.remsi %parallel_loop3A_221, %parallel_loop3A_318 : i32
        %parallel_loop3A_336 = arith.constant 0 : i32
        %parallel_loop3A_337 = arith.cmpi ne, %parallel_loop3A_335, %parallel_loop3A_336 : i32
        %parallel_loop3A_338 = arith.andi %parallel_loop3A_334, %parallel_loop3A_337 : i1
        %parallel_loop3A_339 = arith.constant 1 : i32
        %parallel_loop3A_340 = arith.subi %parallel_loop3A_319, %parallel_loop3A_339 : i32
        %parallel_loop3A_341 = arith.select %parallel_loop3A_338, %parallel_loop3A_340, %parallel_loop3A_319 : i32
        %parallel_loop3A_342 = arith.constant 8 : i32
        %parallel_loop3A_343 = arith.constant 0 : i32
        %parallel_loop3A_344 = arith.cmpi eq, %parallel_loop3A_342, %parallel_loop3A_343 : i32
        %parallel_loop3A_345 = arith.constant 1 : i32
        %parallel_loop3A_346 = arith.select %parallel_loop3A_344, %parallel_loop3A_345, %parallel_loop3A_342 : i32
        %parallel_loop3A_347 = arith.remsi %parallel_loop3A_221, %parallel_loop3A_346 : i32
        %parallel_loop3A_348 = arith.constant 0 : i32
        %parallel_loop3A_349 = arith.cmpi ne, %parallel_loop3A_347, %parallel_loop3A_348 : i32
        %parallel_loop3A_350 = arith.constant 0 : i32
        %parallel_loop3A_351 = arith.cmpi slt, %parallel_loop3A_347, %parallel_loop3A_350 : i32
        %parallel_loop3A_352 = arith.constant 0 : i32
        %parallel_loop3A_353 = arith.cmpi slt, %parallel_loop3A_346, %parallel_loop3A_352 : i32
        %parallel_loop3A_354 = arith.xori %parallel_loop3A_351, %parallel_loop3A_353 : i1
        %parallel_loop3A_355 = arith.andi %parallel_loop3A_354, %parallel_loop3A_349 : i1
        %parallel_loop3A_356 = arith.addi %parallel_loop3A_347, %parallel_loop3A_346 : i32
        %parallel_loop3A_357 = arith.select %parallel_loop3A_355, %parallel_loop3A_356, %parallel_loop3A_347 : i32
        %parallel_loop3A_358 = arith.index_cast %parallel_loop3A_341 : i32 to index
        %parallel_loop3A_359 = arith.index_cast %parallel_loop3A_357 : i32 to index
        %parallel_loop3A_360 = arith.constant 32 : index
        %parallel_loop3A_361 = tpu.vector_load %arg13[%parallel_loop3A_358, %parallel_loop3A_359, %parallel_loop3A_360] {strides = array<i32>} : memref<4x8x128xf32, #tpu.memory_space<vmem>>, vector<16xf32>,
        tpu.vector_store %arg13[%parallel_loop3A_358, %parallel_loop3A_359, %parallel_loop3A_360], %parallel_loop3A_317 {strides = array<i32>} : memref<4x8x128xf32, #tpu.memory_space<vmem>>, vector<16xf32>,
        %parallel_loop3A_362 = tpu.vector_load_idx %arg11[%add3A_14, %parallel_loop3A_222] : memref<128x32xf32, #tpu.memory_space<vmem>>[vector<16xi32>, vector<16xi32>], vector<16xf32>,
        %parallel_loop3A_363 = arith.addf %parallel_loop3A_362, %parallel_loop3A_223 : vector<16xf32>
        %parallel_loop3A_364 = arith.constant 8 : i32
        %parallel_loop3A_365 = arith.divsi %parallel_loop3A_221, %parallel_loop3A_364 : i32
        %parallel_loop3A_366 = arith.constant 0 : i32
        %parallel_loop3A_367 = arith.cmpi sgt, %parallel_loop3A_221, %parallel_loop3A_366 : i32
        %parallel_loop3A_368 = arith.extui %parallel_loop3A_367 : i1 to i32
        %parallel_loop3A_369 = arith.constant 0 : i32
        %parallel_loop3A_370 = arith.cmpi slt, %parallel_loop3A_221, %parallel_loop3A_369 : i32
        %parallel_loop3A_371 = arith.extui %parallel_loop3A_370 : i1 to i32
        %parallel_loop3A_372 = arith.subi %parallel_loop3A_368, %parallel_loop3A_371 : i32
        %parallel_loop3A_373 = arith.constant 0 : i32
        %parallel_loop3A_374 = arith.cmpi sgt, %parallel_loop3A_364, %parallel_loop3A_373 : i32
        %parallel_loop3A_375 = arith.extui %parallel_loop3A_374 : i1 to i32
        %parallel_loop3A_376 = arith.constant 0 : i32
        %parallel_loop3A_377 = arith.cmpi slt, %parallel_loop3A_364, %parallel_loop3A_376 : i32
        %parallel_loop3A_378 = arith.extui %parallel_loop3A_377 : i1 to i32
        %parallel_loop3A_379 = arith.subi %parallel_loop3A_375, %parallel_loop3A_378 : i32
        %parallel_loop3A_380 = arith.cmpi ne, %parallel_loop3A_372, %parallel_loop3A_379 : i32
        %parallel_loop3A_381 = arith.remsi %parallel_loop3A_221, %parallel_loop3A_364 : i32
        %parallel_loop3A_382 = arith.constant 0 : i32
        %parallel_loop3A_383 = arith.cmpi ne, %parallel_loop3A_381, %parallel_loop3A_382 : i32
        %parallel_loop3A_384 = arith.andi %parallel_loop3A_380, %parallel_loop3A_383 : i1
        %parallel_loop3A_385 = arith.constant 1 : i32
        %parallel_loop3A_386 = arith.subi %parallel_loop3A_365, %parallel_loop3A_385 : i32
        %parallel_loop3A_387 = arith.select %parallel_loop3A_384, %parallel_loop3A_386, %parallel_loop3A_365 : i32
        %parallel_loop3A_388 = arith.constant 8 : i32
        %parallel_loop3A_389 = arith.constant 0 : i32
        %parallel_loop3A_390 = arith.cmpi eq, %parallel_loop3A_388, %parallel_loop3A_389 : i32
        %parallel_loop3A_391 = arith.constant 1 : i32
        %parallel_loop3A_392 = arith.select %parallel_loop3A_390, %parallel_loop3A_391, %parallel_loop3A_388 : i32
        %parallel_loop3A_393 = arith.remsi %parallel_loop3A_221, %parallel_loop3A_392 : i32
        %parallel_loop3A_394 = arith.constant 0 : i32
        %parallel_loop3A_395 = arith.cmpi ne, %parallel_loop3A_393, %parallel_loop3A_394 : i32
        %parallel_loop3A_396 = arith.constant 0 : i32
        %parallel_loop3A_397 = arith.cmpi slt, %parallel_loop3A_393, %parallel_loop3A_396 : i32
        %parallel_loop3A_398 = arith.constant 0 : i32
        %parallel_loop3A_399 = arith.cmpi slt, %parallel_loop3A_392, %parallel_loop3A_398 : i32
        %parallel_loop3A_400 = arith.xori %parallel_loop3A_397, %parallel_loop3A_399 : i1
        %parallel_loop3A_401 = arith.andi %parallel_loop3A_400, %parallel_loop3A_395 : i1
        %parallel_loop3A_402 = arith.addi %parallel_loop3A_393, %parallel_loop3A_392 : i32
        %parallel_loop3A_403 = arith.select %parallel_loop3A_401, %parallel_loop3A_402, %parallel_loop3A_393 : i32
        %parallel_loop3A_404 = arith.index_cast %parallel_loop3A_387 : i32 to index
        %parallel_loop3A_405 = arith.index_cast %parallel_loop3A_403 : i32 to index
        %parallel_loop3A_406 = arith.constant 48 : index
        %parallel_loop3A_407 = tpu.vector_load %arg13[%parallel_loop3A_404, %parallel_loop3A_405, %parallel_loop3A_406] {strides = array<i32>} : memref<4x8x128xf32, #tpu.memory_space<vmem>>, vector<16xf32>,
        tpu.vector_store %arg13[%parallel_loop3A_404, %parallel_loop3A_405, %parallel_loop3A_406], %parallel_loop3A_363 {strides = array<i32>} : memref<4x8x128xf32, #tpu.memory_space<vmem>>, vector<16xf32>,
        %parallel_loop3A_408 = tpu.vector_load_idx %arg11[%add3A_17, %parallel_loop3A_222] : memref<128x32xf32, #tpu.memory_space<vmem>>[vector<16xi32>, vector<16xi32>], vector<16xf32>,
        %parallel_loop3A_409 = arith.addf %parallel_loop3A_408, %parallel_loop3A_223 : vector<16xf32>
        %parallel_loop3A_410 = arith.constant 8 : i32
        %parallel_loop3A_411 = arith.divsi %parallel_loop3A_221, %parallel_loop3A_410 : i32
        %parallel_loop3A_412 = arith.constant 0 : i32
        %parallel_loop3A_413 = arith.cmpi sgt, %parallel_loop3A_221, %parallel_loop3A_412 : i32
        %parallel_loop3A_414 = arith.extui %parallel_loop3A_413 : i1 to i32
        %parallel_loop3A_415 = arith.constant 0 : i32
        %parallel_loop3A_416 = arith.cmpi slt, %parallel_loop3A_221, %parallel_loop3A_415 : i32
        %parallel_loop3A_417 = arith.extui %parallel_loop3A_416 : i1 to i32
        %parallel_loop3A_418 = arith.subi %parallel_loop3A_414, %parallel_loop3A_417 : i32
        %parallel_loop3A_419 = arith.constant 0 : i32
        %parallel_loop3A_420 = arith.cmpi sgt, %parallel_loop3A_410, %parallel_loop3A_419 : i32
        %parallel_loop3A_421 = arith.extui %parallel_loop3A_420 : i1 to i32
        %parallel_loop3A_422 = arith.constant 0 : i32
        %parallel_loop3A_423 = arith.cmpi slt, %parallel_loop3A_410, %parallel_loop3A_422 : i32
        %parallel_loop3A_424 = arith.extui %parallel_loop3A_423 : i1 to i32
        %parallel_loop3A_425 = arith.subi %parallel_loop3A_421, %parallel_loop3A_424 : i32
        %parallel_loop3A_426 = arith.cmpi ne, %parallel_loop3A_418, %parallel_loop3A_425 : i32
        %parallel_loop3A_427 = arith.remsi %parallel_loop3A_221, %parallel_loop3A_410 : i32
        %parallel_loop3A_428 = arith.constant 0 : i32
        %parallel_loop3A_429 = arith.cmpi ne, %parallel_loop3A_427, %parallel_loop3A_428 : i32
        %parallel_loop3A_430 = arith.andi %parallel_loop3A_426, %parallel_loop3A_429 : i1
        %parallel_loop3A_431 = arith.constant 1 : i32
        %parallel_loop3A_432 = arith.subi %parallel_loop3A_411, %parallel_loop3A_431 : i32
        %parallel_loop3A_433 = arith.select %parallel_loop3A_430, %parallel_loop3A_432, %parallel_loop3A_411 : i32
        %parallel_loop3A_434 = arith.constant 8 : i32
        %parallel_loop3A_435 = arith.constant 0 : i32
        %parallel_loop3A_436 = arith.cmpi eq, %parallel_loop3A_434, %parallel_loop3A_435 : i32
        %parallel_loop3A_437 = arith.constant 1 : i32
        %parallel_loop3A_438 = arith.select %parallel_loop3A_436, %parallel_loop3A_437, %parallel_loop3A_434 : i32
        %parallel_loop3A_439 = arith.remsi %parallel_loop3A_221, %parallel_loop3A_438 : i32
        %parallel_loop3A_440 = arith.constant 0 : i32
        %parallel_loop3A_441 = arith.cmpi ne, %parallel_loop3A_439, %parallel_loop3A_440 : i32
        %parallel_loop3A_442 = arith.constant 0 : i32
        %parallel_loop3A_443 = arith.cmpi slt, %parallel_loop3A_439, %parallel_loop3A_442 : i32
        %parallel_loop3A_444 = arith.constant 0 : i32
        %parallel_loop3A_445 = arith.cmpi slt, %parallel_loop3A_438, %parallel_loop3A_444 : i32
        %parallel_loop3A_446 = arith.xori %parallel_loop3A_443, %parallel_loop3A_445 : i1
        %parallel_loop3A_447 = arith.andi %parallel_loop3A_446, %parallel_loop3A_441 : i1
        %parallel_loop3A_448 = arith.addi %parallel_loop3A_439, %parallel_loop3A_438 : i32
        %parallel_loop3A_449 = arith.select %parallel_loop3A_447, %parallel_loop3A_448, %parallel_loop3A_439 : i32
        %parallel_loop3A_450 = arith.index_cast %parallel_loop3A_433 : i32 to index
        %parallel_loop3A_451 = arith.index_cast %parallel_loop3A_449 : i32 to index
        %parallel_loop3A_452 = arith.constant 64 : index
        %parallel_loop3A_453 = tpu.vector_load %arg13[%parallel_loop3A_450, %parallel_loop3A_451, %parallel_loop3A_452] {strides = array<i32>} : memref<4x8x128xf32, #tpu.memory_space<vmem>>, vector<16xf32>,
        tpu.vector_store %arg13[%parallel_loop3A_450, %parallel_loop3A_451, %parallel_loop3A_452], %parallel_loop3A_409 {strides = array<i32>} : memref<4x8x128xf32, #tpu.memory_space<vmem>>, vector<16xf32>,
        %parallel_loop3A_454 = tpu.vector_load_idx %arg11[%add3A_20, %parallel_loop3A_222] : memref<128x32xf32, #tpu.memory_space<vmem>>[vector<16xi32>, vector<16xi32>], vector<16xf32>,
        %parallel_loop3A_455 = arith.addf %parallel_loop3A_454, %parallel_loop3A_223 : vector<16xf32>
        %parallel_loop3A_456 = arith.constant 8 : i32
        %parallel_loop3A_457 = arith.divsi %parallel_loop3A_221, %parallel_loop3A_456 : i32
        %parallel_loop3A_458 = arith.constant 0 : i32
        %parallel_loop3A_459 = arith.cmpi sgt, %parallel_loop3A_221, %parallel_loop3A_458 : i32
        %parallel_loop3A_460 = arith.extui %parallel_loop3A_459 : i1 to i32
        %parallel_loop3A_461 = arith.constant 0 : i32
        %parallel_loop3A_462 = arith.cmpi slt, %parallel_loop3A_221, %parallel_loop3A_461 : i32
        %parallel_loop3A_463 = arith.extui %parallel_loop3A_462 : i1 to i32
        %parallel_loop3A_464 = arith.subi %parallel_loop3A_460, %parallel_loop3A_463 : i32
        %parallel_loop3A_465 = arith.constant 0 : i32
        %parallel_loop3A_466 = arith.cmpi sgt, %parallel_loop3A_456, %parallel_loop3A_465 : i32
        %parallel_loop3A_467 = arith.extui %parallel_loop3A_466 : i1 to i32
        %parallel_loop3A_468 = arith.constant 0 : i32
        %parallel_loop3A_469 = arith.cmpi slt, %parallel_loop3A_456, %parallel_loop3A_468 : i32
        %parallel_loop3A_470 = arith.extui %parallel_loop3A_469 : i1 to i32
        %parallel_loop3A_471 = arith.subi %parallel_loop3A_467, %parallel_loop3A_470 : i32
        %parallel_loop3A_472 = arith.cmpi ne, %parallel_loop3A_464, %parallel_loop3A_471 : i32
        %parallel_loop3A_473 = arith.remsi %parallel_loop3A_221, %parallel_loop3A_456 : i32
        %parallel_loop3A_474 = arith.constant 0 : i32
        %parallel_loop3A_475 = arith.cmpi ne, %parallel_loop3A_473, %parallel_loop3A_474 : i32
        %parallel_loop3A_476 = arith.andi %parallel_loop3A_472, %parallel_loop3A_475 : i1
        %parallel_loop3A_477 = arith.constant 1 : i32
        %parallel_loop3A_478 = arith.subi %parallel_loop3A_457, %parallel_loop3A_477 : i32
        %parallel_loop3A_479 = arith.select %parallel_loop3A_476, %parallel_loop3A_478, %parallel_loop3A_457 : i32
        %parallel_loop3A_480 = arith.constant 8 : i32
        %parallel_loop3A_481 = arith.constant 0 : i32
        %parallel_loop3A_482 = arith.cmpi eq, %parallel_loop3A_480, %parallel_loop3A_481 : i32
        %parallel_loop3A_483 = arith.constant 1 : i32
        %parallel_loop3A_484 = arith.select %parallel_loop3A_482, %parallel_loop3A_483, %parallel_loop3A_480 : i32
        %parallel_loop3A_485 = arith.remsi %parallel_loop3A_221, %parallel_loop3A_484 : i32
        %parallel_loop3A_486 = arith.constant 0 : i32
        %parallel_loop3A_487 = arith.cmpi ne, %parallel_loop3A_485, %parallel_loop3A_486 : i32
        %parallel_loop3A_488 = arith.constant 0 : i32
        %parallel_loop3A_489 = arith.cmpi slt, %parallel_loop3A_485, %parallel_loop3A_488 : i32
        %parallel_loop3A_490 = arith.constant 0 : i32
        %parallel_loop3A_491 = arith.cmpi slt, %parallel_loop3A_484, %parallel_loop3A_490 : i32
        %parallel_loop3A_492 = arith.xori %parallel_loop3A_489, %parallel_loop3A_491 : i1
        %parallel_loop3A_493 = arith.andi %parallel_loop3A_492, %parallel_loop3A_487 : i1
        %parallel_loop3A_494 = arith.addi %parallel_loop3A_485, %parallel_loop3A_484 : i32
        %parallel_loop3A_495 = arith.select %parallel_loop3A_493, %parallel_loop3A_494, %parallel_loop3A_485 : i32
        %parallel_loop3A_496 = arith.index_cast %parallel_loop3A_479 : i32 to index
        %parallel_loop3A_497 = arith.index_cast %parallel_loop3A_495 : i32 to index
        %parallel_loop3A_498 = arith.constant 80 : index
        %parallel_loop3A_499 = tpu.vector_load %arg13[%parallel_loop3A_496, %parallel_loop3A_497, %parallel_loop3A_498] {strides = array<i32>} : memref<4x8x128xf32, #tpu.memory_space<vmem>>, vector<16xf32>,
        tpu.vector_store %arg13[%parallel_loop3A_496, %parallel_loop3A_497, %parallel_loop3A_498], %parallel_loop3A_455 {strides = array<i32>} : memref<4x8x128xf32, #tpu.memory_space<vmem>>, vector<16xf32>,
        %parallel_loop3A_500 = tpu.vector_load_idx %arg11[%add3A_23, %parallel_loop3A_222] : memref<128x32xf32, #tpu.memory_space<vmem>>[vector<16xi32>, vector<16xi32>], vector<16xf32>,
        %parallel_loop3A_501 = arith.addf %parallel_loop3A_500, %parallel_loop3A_223 : vector<16xf32>
        %parallel_loop3A_502 = arith.constant 8 : i32
        %parallel_loop3A_503 = arith.divsi %parallel_loop3A_221, %parallel_loop3A_502 : i32
        %parallel_loop3A_504 = arith.constant 0 : i32
        %parallel_loop3A_505 = arith.cmpi sgt, %parallel_loop3A_221, %parallel_loop3A_504 : i32
        %parallel_loop3A_506 = arith.extui %parallel_loop3A_505 : i1 to i32
        %parallel_loop3A_507 = arith.constant 0 : i32
        %parallel_loop3A_508 = arith.cmpi slt, %parallel_loop3A_221, %parallel_loop3A_507 : i32
        %parallel_loop3A_509 = arith.extui %parallel_loop3A_508 : i1 to i32
        %parallel_loop3A_510 = arith.subi %parallel_loop3A_506, %parallel_loop3A_509 : i32
        %parallel_loop3A_511 = arith.constant 0 : i32
        %parallel_loop3A_512 = arith.cmpi sgt, %parallel_loop3A_502, %parallel_loop3A_511 : i32
        %parallel_loop3A_513 = arith.extui %parallel_loop3A_512 : i1 to i32
        %parallel_loop3A_514 = arith.constant 0 : i32
        %parallel_loop3A_515 = arith.cmpi slt, %parallel_loop3A_502, %parallel_loop3A_514 : i32
        %parallel_loop3A_516 = arith.extui %parallel_loop3A_515 : i1 to i32
        %parallel_loop3A_517 = arith.subi %parallel_loop3A_513, %parallel_loop3A_516 : i32
        %parallel_loop3A_518 = arith.cmpi ne, %parallel_loop3A_510, %parallel_loop3A_517 : i32
        %parallel_loop3A_519 = arith.remsi %parallel_loop3A_221, %parallel_loop3A_502 : i32
        %parallel_loop3A_520 = arith.constant 0 : i32
        %parallel_loop3A_521 = arith.cmpi ne, %parallel_loop3A_519, %parallel_loop3A_520 : i32
        %parallel_loop3A_522 = arith.andi %parallel_loop3A_518, %parallel_loop3A_521 : i1
        %parallel_loop3A_523 = arith.constant 1 : i32
        %parallel_loop3A_524 = arith.subi %parallel_loop3A_503, %parallel_loop3A_523 : i32
        %parallel_loop3A_525 = arith.select %parallel_loop3A_522, %parallel_loop3A_524, %parallel_loop3A_503 : i32
        %parallel_loop3A_526 = arith.constant 8 : i32
        %parallel_loop3A_527 = arith.constant 0 : i32
        %parallel_loop3A_528 = arith.cmpi eq, %parallel_loop3A_526, %parallel_loop3A_527 : i32
        %parallel_loop3A_529 = arith.constant 1 : i32
        %parallel_loop3A_530 = arith.select %parallel_loop3A_528, %parallel_loop3A_529, %parallel_loop3A_526 : i32
        %parallel_loop3A_531 = arith.remsi %parallel_loop3A_221, %parallel_loop3A_530 : i32
        %parallel_loop3A_532 = arith.constant 0 : i32
        %parallel_loop3A_533 = arith.cmpi ne, %parallel_loop3A_531, %parallel_loop3A_532 : i32
        %parallel_loop3A_534 = arith.constant 0 : i32
        %parallel_loop3A_535 = arith.cmpi slt, %parallel_loop3A_531, %parallel_loop3A_534 : i32
        %parallel_loop3A_536 = arith.constant 0 : i32
        %parallel_loop3A_537 = arith.cmpi slt, %parallel_loop3A_530, %parallel_loop3A_536 : i32
        %parallel_loop3A_538 = arith.xori %parallel_loop3A_535, %parallel_loop3A_537 : i1
        %parallel_loop3A_539 = arith.andi %parallel_loop3A_538, %parallel_loop3A_533 : i1
        %parallel_loop3A_540 = arith.addi %parallel_loop3A_531, %parallel_loop3A_530 : i32
        %parallel_loop3A_541 = arith.select %parallel_loop3A_539, %parallel_loop3A_540, %parallel_loop3A_531 : i32
        %parallel_loop3A_542 = arith.index_cast %parallel_loop3A_525 : i32 to index
        %parallel_loop3A_543 = arith.index_cast %parallel_loop3A_541 : i32 to index
        %parallel_loop3A_544 = arith.constant 96 : index
        %parallel_loop3A_545 = tpu.vector_load %arg13[%parallel_loop3A_542, %parallel_loop3A_543, %parallel_loop3A_544] {strides = array<i32>} : memref<4x8x128xf32, #tpu.memory_space<vmem>>, vector<16xf32>,
        tpu.vector_store %arg13[%parallel_loop3A_542, %parallel_loop3A_543, %parallel_loop3A_544], %parallel_loop3A_501 {strides = array<i32>} : memref<4x8x128xf32, #tpu.memory_space<vmem>>, vector<16xf32>,
        %parallel_loop3A_546 = tpu.vector_load_idx %arg11[%add3A_26, %parallel_loop3A_222] : memref<128x32xf32, #tpu.memory_space<vmem>>[vector<16xi32>, vector<16xi32>], vector<16xf32>,
        %parallel_loop3A_547 = arith.addf %parallel_loop3A_546, %parallel_loop3A_223 : vector<16xf32>
        %parallel_loop3A_548 = arith.constant 8 : i32
        %parallel_loop3A_549 = arith.divsi %parallel_loop3A_221, %parallel_loop3A_548 : i32
        %parallel_loop3A_550 = arith.constant 0 : i32
        %parallel_loop3A_551 = arith.cmpi sgt, %parallel_loop3A_221, %parallel_loop3A_550 : i32
        %parallel_loop3A_552 = arith.extui %parallel_loop3A_551 : i1 to i32
        %parallel_loop3A_553 = arith.constant 0 : i32
        %parallel_loop3A_554 = arith.cmpi slt, %parallel_loop3A_221, %parallel_loop3A_553 : i32
        %parallel_loop3A_555 = arith.extui %parallel_loop3A_554 : i1 to i32
        %parallel_loop3A_556 = arith.subi %parallel_loop3A_552, %parallel_loop3A_555 : i32
        %parallel_loop3A_557 = arith.constant 0 : i32
        %parallel_loop3A_558 = arith.cmpi sgt, %parallel_loop3A_548, %parallel_loop3A_557 : i32
        %parallel_loop3A_559 = arith.extui %parallel_loop3A_558 : i1 to i32
        %parallel_loop3A_560 = arith.constant 0 : i32
        %parallel_loop3A_561 = arith.cmpi slt, %parallel_loop3A_548, %parallel_loop3A_560 : i32
        %parallel_loop3A_562 = arith.extui %parallel_loop3A_561 : i1 to i32
        %parallel_loop3A_563 = arith.subi %parallel_loop3A_559, %parallel_loop3A_562 : i32
        %parallel_loop3A_564 = arith.cmpi ne, %parallel_loop3A_556, %parallel_loop3A_563 : i32
        %parallel_loop3A_565 = arith.remsi %parallel_loop3A_221, %parallel_loop3A_548 : i32
        %parallel_loop3A_566 = arith.constant 0 : i32
        %parallel_loop3A_567 = arith.cmpi ne, %parallel_loop3A_565, %parallel_loop3A_566 : i32
        %parallel_loop3A_568 = arith.andi %parallel_loop3A_564, %parallel_loop3A_567 : i1
        %parallel_loop3A_569 = arith.constant 1 : i32
        %parallel_loop3A_570 = arith.subi %parallel_loop3A_549, %parallel_loop3A_569 : i32
        %parallel_loop3A_571 = arith.select %parallel_loop3A_568, %parallel_loop3A_570, %parallel_loop3A_549 : i32
        %parallel_loop3A_572 = arith.constant 8 : i32
        %parallel_loop3A_573 = arith.constant 0 : i32
        %parallel_loop3A_574 = arith.cmpi eq, %parallel_loop3A_572, %parallel_loop3A_573 : i32
        %parallel_loop3A_575 = arith.constant 1 : i32
        %parallel_loop3A_576 = arith.select %parallel_loop3A_574, %parallel_loop3A_575, %parallel_loop3A_572 : i32
        %parallel_loop3A_577 = arith.remsi %parallel_loop3A_221, %parallel_loop3A_576 : i32
        %parallel_loop3A_578 = arith.constant 0 : i32
        %parallel_loop3A_579 = arith.cmpi ne, %parallel_loop3A_577, %parallel_loop3A_578 : i32
        %parallel_loop3A_580 = arith.constant 0 : i32
        %parallel_loop3A_581 = arith.cmpi slt, %parallel_loop3A_577, %parallel_loop3A_580 : i32
        %parallel_loop3A_582 = arith.constant 0 : i32
        %parallel_loop3A_583 = arith.cmpi slt, %parallel_loop3A_576, %parallel_loop3A_582 : i32
        %parallel_loop3A_584 = arith.xori %parallel_loop3A_581, %parallel_loop3A_583 : i1
        %parallel_loop3A_585 = arith.andi %parallel_loop3A_584, %parallel_loop3A_579 : i1
        %parallel_loop3A_586 = arith.addi %parallel_loop3A_577, %parallel_loop3A_576 : i32
        %parallel_loop3A_587 = arith.select %parallel_loop3A_585, %parallel_loop3A_586, %parallel_loop3A_577 : i32
        %parallel_loop3A_588 = arith.index_cast %parallel_loop3A_571 : i32 to index
        %parallel_loop3A_589 = arith.index_cast %parallel_loop3A_587 : i32 to index
        %parallel_loop3A_590 = arith.constant 112 : index
        %parallel_loop3A_591 = tpu.vector_load %arg13[%parallel_loop3A_588, %parallel_loop3A_589, %parallel_loop3A_590] {strides = array<i32>} : memref<4x8x128xf32, #tpu.memory_space<vmem>>, vector<16xf32>,
        tpu.vector_store %arg13[%parallel_loop3A_588, %parallel_loop3A_589, %parallel_loop3A_590], %parallel_loop3A_547 {strides = array<i32>} : memref<4x8x128xf32, #tpu.memory_space<vmem>>, vector<16xf32>,
      } {sc.loop_unroll_factor = 4 : i64, sc.parallel_access}
      %dma_start3A_204 = arith.constant 0 : i32
      %dma_start3A_205 = arith.constant 0 : i32
      %dma_start3A_206 = arith.constant 0 : i32
      %dma_start3A_207 = tpu.memref_slice %arg5[%add3A_188, %dma_start3A_204, %add3A, %dma_start3A_205, %dma_start3A_206] : memref<200x4x32x8x128xf32, #tpu.memory_space<hbm>> -> memref<1x4x1x8x128xf32, #tpu.memory_space<hbm>>
      %dma_start3A_208 = tpu.memref_squeeze %dma_start3A_207 : memref<1x4x1x8x128xf32, #tpu.memory_space<hbm>> -> memref<4x8x128xf32, #tpu.memory_space<hbm>>
      %dma_start3A_209 = arith.constant 0 : i32
      %dma_start3A_210 = arith.constant 0 : i32
      %dma_start3A_211 = arith.constant 0 : i32
      %dma_start3A_212 = tpu.memref_slice %arg5[%add3A_188, %dma_start3A_209, %add3A, %dma_start3A_210, %dma_start3A_211] : memref<200x4x32x8x128xf32, #tpu.memory_space<hbm>> -> memref<1x4x1x8x128xf32, #tpu.memory_space<hbm>>
      %dma_start3A_213 = tpu.memref_squeeze %dma_start3A_212 : memref<1x4x1x8x128xf32, #tpu.memory_space<hbm>> -> memref<4x8x128xf32, #tpu.memory_space<hbm>>
      tpu.enqueue_dma source(%arg13 : memref<4x8x128xf32, #tpu.memory_space<vmem>>) target(%dma_start3A_213 : memref<4x8x128xf32, #tpu.memory_space<hbm>>) target_semaphore(%arg15 : memref<!tpu.dma_semaphore, #tpu.memory_space<semaphore_mem>>)
      %add3A_214 = arith.constant 4 : i32
      %add3A_215 = arith.addi %add3A_188, %add3A_214 : i32
      %lt3A_216 = arith.constant 200 : i32
      %lt3A_217 = arith.cmpi slt, %add3A_215, %lt3A_216 : i32
      %convert_element_type3A_218 = arith.extui %lt3A_217 : i1 to i32
      %cond3A_219 = arith.constant 0 : i32
      %cond3A_220 = arith.cmpi ne, %convert_element_type3A_218, %cond3A_219 : i32
      scf.if %cond3A_220 {
        %add3A_221 = arith.constant 4 : i32
        %add3A_222 = arith.addi %add3A_188, %add3A_221 : i32
        %dma_start3A_223 = arith.constant 0 : i32
        %dma_start3A_224 = tpu.memref_slice %arg6[%add3A_222, %dma_start3A_223] : memref<200x128xi32, #tpu.memory_space<vmem>> -> memref<1x128xi32, #tpu.memory_space<vmem>>
        %dma_start3A_225 = tpu.memref_squeeze %dma_start3A_224 : memref<1x128xi32, #tpu.memory_space<vmem>> -> memref<128xi32, #tpu.memory_space<vmem>>
        %dma_start3A_226 = arith.constant 0 : i32
        %dma_start3A_227 = arith.constant 0 : i32
        %dma_start3A_228 = tpu.memref_slice %arg3[%dma_start3A_226, %dma_start3A_227] : memref<1000000x32xf32, #tpu.memory_space<hbm>> -> memref<1000000x32xf32, #tpu.memory_space<hbm>>
        tpu.enqueue_indirect_dma source(%dma_start3A_228 : memref<1000000x32xf32, #tpu.memory_space<hbm>>) target(%arg11 : memref<128x32xf32, #tpu.memory_space<vmem>>) offsets(%dma_start3A_225 : memref<128xi32, #tpu.memory_space<vmem>>) semaphore(%arg14 : memref<!tpu.dma_semaphore, #tpu.memory_space<semaphore_mem>>)
      } else {
      }
    }
    %scan3A_58 = arith.constant 50 : i32
    %dma_wait3A = arith.constant 0 : i32
    %dma_wait3A_59 = arith.constant 0 : i32
    %dma_wait3A_60 = arith.constant 0 : i32
    %dma_wait3A_61 = arith.constant 0 : i32
    %dma_wait3A_62 = arith.constant 0 : i32
    %dma_wait3A_63 = tpu.memref_slice %arg5[%dma_wait3A, %dma_wait3A_60, %dma_wait3A_59, %dma_wait3A_61, %dma_wait3A_62] : memref<200x4x32x8x128xf32, #tpu.memory_space<hbm>> -> memref<1x4x1x8x128xf32, #tpu.memory_space<hbm>>
    %dma_wait3A_64 = tpu.memref_squeeze %dma_wait3A_63 : memref<1x4x1x8x128xf32, #tpu.memory_space<hbm>> -> memref<4x8x128xf32, #tpu.memory_space<hbm>>
    %dma_wait3A_65 = arith.constant 0 : i32
    %dma_wait3A_66 = arith.constant 0 : i32
    %dma_wait3A_67 = arith.constant 0 : i32
    %dma_wait3A_68 = tpu.memref_slice %arg5[%dma_wait3A, %dma_wait3A_65, %dma_wait3A_59, %dma_wait3A_66, %dma_wait3A_67] : memref<200x4x32x8x128xf32, #tpu.memory_space<hbm>> -> memref<1x4x1x8x128xf32, #tpu.memory_space<hbm>>
    %dma_wait3A_69 = tpu.memref_squeeze %dma_wait3A_68 : memref<1x4x1x8x128xf32, #tpu.memory_space<hbm>> -> memref<4x8x128xf32, #tpu.memory_space<hbm>>
    tpu.wait_dma2 semaphore(%arg15 : memref<!tpu.dma_semaphore, #tpu.memory_space<semaphore_mem>>) src(%dma_wait3A_69 : memref<4x8x128xf32, #tpu.memory_space<hbm>>) dst(%arg12 : memref<4x8x128xf32, #tpu.memory_space<vmem>>)
    %dma_wait3A_70 = arith.constant 0 : i32
    %dma_wait3A_71 = arith.constant 0 : i32
    %dma_wait3A_72 = arith.constant 0 : i32
    %dma_wait3A_73 = arith.constant 0 : i32
    %dma_wait3A_74 = arith.constant 0 : i32
    %dma_wait3A_75 = tpu.memref_slice %arg5[%dma_wait3A_70, %dma_wait3A_72, %dma_wait3A_71, %dma_wait3A_73, %dma_wait3A_74] : memref<200x4x32x8x128xf32, #tpu.memory_space<hbm>> -> memref<1x4x1x8x128xf32, #tpu.memory_space<hbm>>
    %dma_wait3A_76 = tpu.memref_squeeze %dma_wait3A_75 : memref<1x4x1x8x128xf32, #tpu.memory_space<hbm>> -> memref<4x8x128xf32, #tpu.memory_space<hbm>>
    %dma_wait3A_77 = arith.constant 0 : i32
    %dma_wait3A_78 = arith.constant 0 : i32
    %dma_wait3A_79 = arith.constant 0 : i32
    %dma_wait3A_80 = tpu.memref_slice %arg5[%dma_wait3A_70, %dma_wait3A_77, %dma_wait3A_71, %dma_wait3A_78, %dma_wait3A_79] : memref<200x4x32x8x128xf32, #tpu.memory_space<hbm>> -> memref<1x4x1x8x128xf32, #tpu.memory_space<hbm>>
    %dma_wait3A_81 = tpu.memref_squeeze %dma_wait3A_80 : memref<1x4x1x8x128xf32, #tpu.memory_space<hbm>> -> memref<4x8x128xf32, #tpu.memory_space<hbm>>
    tpu.wait_dma2 semaphore(%arg15 : memref<!tpu.dma_semaphore, #tpu.memory_space<semaphore_mem>>) src(%dma_wait3A_81 : memref<4x8x128xf32, #tpu.memory_space<hbm>>) dst(%arg13 : memref<4x8x128xf32, #tpu.memory_space<vmem>>)
    return
  }
}

</mosaic_0001>

<sc_bundles>
// kernel: kernel.3.cloned.1.call-start
scs
__scs_entry_jumppad:
0x0: {  	(pc) =	sbr.rel $0x88, $3  }
0x1: {  	(tag) =	ssettag $0x0;
	lr =	simm.s32 $0x1  }
0x2: {  	[smem:$0x3F9E] =	sst lr;
	_ =	strace $0xD0000000  }
0x3: {  	_ = 	snop  }
0x4: {  	_ = 	snop  }
0x5: {  	_ = 	snop  }
0x6: {  	_ = 	snop  }
0x7: {  	_ = 	snop  }
__scs_overlays_trampoline_lowered:
0x8: {  	[smem:$0x3FAD] =	sst s0  }
0x9: {  	[smem:$0x3FAE] =	sst s1  }
0xa: {  	[smem:$0x3FAF] =	sst s2  }
0xb: {  	[smem:$0x3FB0] =	sst s3  }
0xc: {  	[smem:$0x3FB1] =	sst s4  }
0xd: {  	[smem:$0x3FB2] =	sst s5  }
0xe: {  	[smem:$0x3FB3] =	sst s6  }
0xf: {  	[smem:$0x3FB4] =	sst s7  }
0x10: {  	[smem:$0x3FB5] =	sst s8  }
0x11: {  	[smem:$0x3FB6] =	sst s9;
	s0 =	simm.s32 @!p0 $0x0  }
0x12: {  	s1 =	sld [smem:$0x3F9C];
	s0 =	simm.s32 @p0 $0x1  }
0x13: {  	[smem:$0x3FB7] =	sst s0;
	s0 =	simm.s32 @!p1 $0x0  }
0x14: {  	s2 =	sld [smem:$0x3F9B];
	s0 =	simm.s32 @p1 $0x1  }
0x15: {  	[smem:$0x3FB8] =	sst s0;
	s0 =	simm.s32 @!p2 $0x0  }
0x16: {  	s3 =	sld [smem:$0x3FDB];
	s0 =	simm.s32 @p2 $0x1  }
0x17: {  	s4 =	simm.s32 $0x1BF5;
	[smem:$0x3FBA] =	sst s0  }
0x18: {  	s0 =	sld [smem:$0x3F9D];
	_ =	swait.ge [sflag:s4], $0x0  }
0x19: {  	s7 =	sld [smem:$0x3F9E]  }
0x1a: {  	s8 =	sadd.s32 $0xFFFFE003, lr  }
0x1b: {  	s9 =	sadd.s32 $0xFFFFFEF7, lr;
	s5 =	simm.s32 $0xFFFFFFFF;
	p2 =	slt.u32 s8, $0xFFFFF086  }
0x1c: {  	p1 =	slt.u32 s9, $0xF7A;
	s5 =	simm.s32 @!p2 $0x0  }
0x1d: {  	s5 =	simm.s32 @p1 $0x1;
	p0 =	seq.s32 s7, s2  }
0x1e: {  	s7 =	smul.u32 @!p0 $0xF7A, s2;
	p2 =	seq.s32 @!p0 s5, $0x0  }
0x1f: {  	s9 =	smul.u32 $0xF7A, s1;
	s8 =	simm.s32 @!p0 $0x1BF5;
	p2 =	por !p2, p0  }
0x20: {  	[sflag:s8] =	ssyncset.s32 @!p0 $0xFFFFF086;
	s6 =	sadd.s32 @!p0 s3, s7;
	s7 =	simm.s32 @!p0 $0x108  }
0x21: {  	s3 =	sadd.s32 s3, s9;
	s6 =	sadd.s32 @!p0 $0x88, s6;
	s7 =	simm.s32 @p2 $0x1082  }
0x22: {  	[simem:s7], [sflag:s8] =	dma.local @!p0 [hbm:s6], $0xF7A  }
0x23: {  	s9 =	sor.u32 $0xD0000000, s2;
	s6 =	simm.s32 $0x108;
	_ =	swait.ge @!p0 [sflag:s8], $0x0  }
0x24: {  	s3 =	sadd.s32 $0x88, s3;
	s6 =	simm.s32 @!p1 $0x1082;
	[sflag:s4] =	ssyncset.s32 $0xFFFFF086  }
0x25: {  	[simem:s6], [sflag:s4] =	dma.local [hbm:s3], $0xF7A  }
0x26: {  	[smem:$0x3F9E] =	sst s1;
	(tag) =	ssettag s2;
	_ =	strace s9  }
0x27: {  	s1 =	sld [smem:$0x3FAE]  }
0x28: {  	s2 =	sld [smem:$0x3FAF]  }
0x29: {  	s4 =	sld [smem:$0x3FB1]  }
0x2a: {  	p0 =	seq.s32 s5, $0x0;
	s5 =	sld [smem:$0x3FB2]  }
0x2b: {  	s6 =	sld [smem:$0x3FB3]  }
0x2c: {  	s7 =	sld [smem:$0x3FB4]  }
0x2d: {  	s3 =	simm.s32 $0x108;
	s8 =	sld [smem:$0x3FB5]  }
0x2e: {  	s3 =	simm.s32 @!p0 $0x1082;
	s9 =	sld [smem:$0x3FB6]  }
0x2f: {  	lr =	sadd.s32 s0, s3;
	s0 =	sld [smem:$0x3FAD]  }
0x30: {  	s3 =	sld [smem:$0x3FB0]  }
0x31: {  	[smem:$0x3FB9] =	sst s10  }
0x32: {  	s10 =	sld [smem:$0x3FB7];
	_ =	sdelay $0x3  }
0x33: {  	p0 =	seq.s32 s10, $0x1;
	s10 =	sld [smem:$0x3FB9];
	_ =	sdelay $0x3  }
0x34: {  	[smem:$0x3FB9] =	sst s10  }
0x35: {  	s10 =	sld [smem:$0x3FB8];
	_ =	sdelay $0x3  }
0x36: {  	p1 =	seq.s32 s10, $0x1;
	s10 =	sld [smem:$0x3FB9];
	_ =	sdelay $0x3  }
0x37: {  	[smem:$0x3FB9] =	sst s10  }
0x38: {  	s10 =	sld [smem:$0x3FBA]  }
0x39: {  	_ = 	snop;
	(pc) =	sbr.ind lr, $3  }
0x3a: {  	_ = 	snop  }
0x3b: {  	_ = 	snop  }
0x3c: {  	p2 =	seq.s32 s10, $0x1;
	s10 =	sld [smem:$0x3FB9]  }
0x3d: {  	_ =	shalt  }
0x3e: {  	_ =	shalt  }
0x3f: {  	_ =	shalt  }
0x40: {  	_ =	shalt  }
0x41: {  	_ =	shalt  }
0x42: {  	_ =	shalt  }
0x43: {  	_ =	shalt  }
0x44: {  	_ =	shalt  }
0x45: {  	_ =	shalt  }
0x46: {  	_ =	shalt  }
0x47: {  	_ =	shalt  }
0x48: {  	_ =	shalt  }
0x49: {  	_ =	shalt  }
0x4a: {  	_ =	shalt  }
0x4b: {  	_ =	shalt  }
0x4c: {  	_ =	shalt  }
0x4d: {  	_ =	shalt  }
0x4e: {  	_ =	shalt  }
0x4f: {  	_ =	shalt  }
0x50: {  	_ =	shalt  }
0x51: {  	_ =	shalt  }
0x52: {  	_ =	shalt  }
0x53: {  	_ =	shalt  }
0x54: {  	_ =	shalt  }
0x55: {  	_ =	shalt  }
0x56: {  	_ =	shalt  }
0x57: {  	_ =	shalt  }
0x58: {  	_ =	shalt  }
0x59: {  	_ =	shalt  }
0x5a: {  	_ =	shalt  }
0x5b: {  	_ =	shalt  }
0x5c: {  	_ =	shalt  }
0x5d: {  	_ =	shalt  }
0x5e: {  	_ =	shalt  }
0x5f: {  	_ =	shalt  }
0x60: {  	_ =	shalt  }
0x61: {  	_ =	shalt  }
0x62: {  	_ =	shalt  }
0x63: {  	_ =	shalt  }
0x64: {  	_ =	shalt  }
0x65: {  	_ =	shalt  }
0x66: {  	_ =	shalt  }
0x67: {  	_ =	shalt  }
0x68: {  	_ =	shalt  }
0x69: {  	_ =	shalt  }
0x6a: {  	_ =	shalt  }
0x6b: {  	_ =	shalt  }
0x6c: {  	_ =	shalt  }
0x6d: {  	_ =	shalt  }
0x6e: {  	_ =	shalt  }
0x6f: {  	_ =	shalt  }
0x70: {  	_ =	shalt  }
0x71: {  	_ =	shalt  }
0x72: {  	_ =	shalt  }
0x73: {  	_ =	shalt  }
0x74: {  	_ =	shalt  }
0x75: {  	_ =	shalt  }
0x76: {  	_ =	shalt  }
0x77: {  	_ =	shalt  }
0x78: {  	_ =	shalt  }
0x79: {  	_ =	shalt  }
0x7a: {  	_ =	shalt  }
0x7b: {  	_ =	shalt  }
0x7c: {  	_ =	shalt  }
0x7d: {  	_ =	shalt  }
0x7e: {  	_ =	shalt  }
0x7f: {  	_ =	shalt  }
0x80: {  	_ =	shalt  }
0x81: {  	_ =	shalt  }
0x82: {  	_ =	shalt  }
0x83: {  	_ =	shalt  }
0x84: {  	_ =	shalt  }
0x85: {  	_ =	shalt  }
0x86: {  	_ =	shalt  }
0x87: {  	_ =	shalt  }
.Lfunc_end0:
.L_simem_size_0:
called_computation_lowered:
.L_overlay_start_0:
0x88: {  	s2 =	sld [smem:$0x3FD9]  }
0x89: {  	s3 =	sld [smem:$0x3FFE];
	_ =	sdelay $0x1  }
0x8a: {  	s1 =	srdreg.scid  }
0x8b: {  	s0 =	sand.u32 $0x1, s1  }
0x8c: {  	s17 =	sshll.u32 s0, $0xA;
	s2 =	sadd.s32 s3, s2  }
0x8d: {  	s2 =	sadd.s32 s2, s17  }
0x8e: {  	[smem:$0x3FC5] =	sst s2  }
0x8f: {  	_ = 	snop  }
0x90: {  	s2 =	sld [smem:$0x3FD0];
	(tm) =	ssettm $0x1  }
0x91: {  	s18 =	sld [smem:$0x3FFB];
	_ =	sdelay $0x3  }
0x92: {  	_ =	strace s18  }
0x93: {  	s3 =	sld [smem:$0x3FFC];
	_ =	sdelay $0x3  }
0x94: {  	_ =	strace s3  }
0x95: {  	s3 =	sld [smem:$0x3FFD];
	_ =	sdelay $0x3  }
0x96: {  	_ =	strace s3  }
0x97: {  	_ =	strace $0x8FFFFFFF  }
0x98: {  	s19 =	sld [smem:$0x3FDB];
	_ =	sdelay $0x1  }
0x99: {  	s4 =	simm.s32 $_scs_section_size  }
0x9a: {  	s5 =	simm.s32 $_size__tile_overlayer_lowered;
	s6 =	simm.s32 $_tile_overlayer_lowered  }
0x9b: {  	s22 =	simm.s32 $0x1BFF;
	s21 =	sshll.u32 s6, $0x1;
	s3 =	sadd.s32 s4, s19  }
0x9c: {  	s7 =	simm.s32 $0x0;
	s20 =	sshll.u32 s5, $0x1;
	s5 =	sadd.s32 s21, s3  }
0x9d: {  	[timem:s7], [sflag:s22] =	dma.local [hbm:s5], s20  }
0x9e: {  	_ =	swait.ge [sflag:s22], s20  }
0x9f: {  	s4 =	ssub.s32 $0x0, s20;
	[sflag:s22] =	ssyncset.done $0x0  }
0xa0: {  	[sflag:s22] =	ssyncadd.s32 s4;
	_ =	sdelay $0x1  }
0xa1: {  	s23 =	simm.s32 $0x1B8B  }
0xa2: {  	_ =	swait.ge [sflag:s23], $0x1  }
0xa3: {  	[sflag:s23] =	ssyncset.done $0x0  }
0xa4: {  	s25 =	simm.s32 $0x1B8E;
	s24 =	sld [smem:$0x3FFE];
	[sflag:s23] =	ssyncadd.s32 $0xFFFFFFFF  }
0xa5: {  	s26 =	simm.s32 $execute0_lowered;
	[smem:$0x3FD2] =	sst s25  }
0xa6: {  	s5 =	sshll.u32 s26, $0x1;
	_ =	strace $0x80000046;
	[dreg:$0x1] =	wrdreg $0xFFFFFFFF  }
0xa7: {  	s28 =	simm.s32 $_size_execute0_lowered;
	s3 =	sadd.s32 s3, s5;
	[dreg:$0x0] =	wrdreg $0x0  }
0xa8: {  	s5 =	sshll.u32 s28, $0x1;
	[dreg:$0x2] =	wrdreg s3  }
0xa9: {  	[dreg:$0x3] =	wrdreg s5  }
0xaa: {  	[dreg:$0x4] =	wrdreg $0xC0  }
0xab: {  	_ =	task [dreg:s7], $0x5FFFF  }
0xac: {  	[dreg:$0x1] =	wrdreg $0xFFFFFFFF  }
0xad: {  	[dreg:$0x0] =	wrdreg $0x60  }
0xae: {  	[dreg:$0x2] =	wrdreg s24  }
0xaf: {  	[dreg:$0x3] =	wrdreg s2  }
0xb0: {  	[dreg:$0x4] =	wrdreg $0x9  }
0xb1: {  	_ =	task.clear_ibuf [dreg:s7], $0x5FFFF;
	_ =	strace $0x90000046  }
0xb2: {  	s29 =	simm.s32 $0x9;
	_ =	strace $0x80000048  }
0xb3: {  	_ =	swait.ge [sflag:s29], $0x1  }
0xb4: {  	[sflag:s29] =	ssyncadd.s32 $0xFFFFFFFF  }
0xb5: {  	_ =	strace $0x90000048  }
0xb6: {  	_ =	sfence  }
0xb7: {  	s30 =	sld [smem:$0x0];
	_ =	sdelay $0x2  }
0xb8: {  	s31 =	sshll.u32 s1, $0xD;
	s1 =	sshrl.u32 s1, $0x2  }
0xb9: {  	s3 =	sand.u32 $0x4000, s31;
	s1 =	sadd.s32 s1, s30  }
0xba: {  	s0 =	sor.u32 s3, s0;
	s1 =	sshll.u32 s1, $0x11  }
0xbb: {  	s0 =	sor.u32 s1, s0  }
0xbc: {  	s0 =	sadd.s32 $0x8F2B, s0  }
0xbd: {  	[sflag:s0] =	ssyncadd.remote.s32 $0x1  }
0xbe: {  	_ =	sfence.sel $0xFFFF  }
0xbf: {  	[dreg:$0x0] =	wrdreg $0xFFFFFFFF;
	(pc) =	sbr.abs _section_cstart, $3  }
0xc0: {  	[dreg:$0x1] =	wrdreg $0xFFFFFFFF  }
0xc1: {  	_ =	task.clear_ibuf [dreg:s7], $0x2FFFF;
	_ =	strace $0x9FFFFFFF  }
0xc2: {  	(tm) =	ssettm $0x7FFFFFFF  }
0xc3: {  	_ =	shalt  }
tec
execute0_lowered:
.L_overlay_start_1:
0x0: {  	(tag) =	ssettag $0x1  }
0x1: {  	s0 =	rddreg [dreg:$0x0];
	s1 =	srdreg.scid  }
0x2: {  	s2 =	stileid.u32;
	s29 =	simm.s32 $0x0;
	s12 =	simm.s32 $0x6400  }
0x3: {  	s13 =	simm.s32 $0x7D00;
	s14 =	simm.s32 $0x8D00;
	s16 =	simm.s32 $0x9D00  }
0x4: {  	s18 =	simm.s32 $0xAD00;
	s19 =	simm.s32 $0x1;
	s21 =	simm.s32 $0x8000  }
0x5: {  	s1 =	sand.u32 $0x1, s1;
	s3 =	sshll.u32 s2, $0x1;
	[smem:$0x7FF] =	sst s29  }
0x6: {  	v0 =	vlaneseq.u32;
	s3 =	sor.u32 s1, s3;
	_ =	strace $0x80000047;
	s1 =	ssub.s32 $0x2, s1  }
.Ltmp0:
0x7: {  	v0 =	vmul.u32 $0x20, v0;
	s4 =	sshll.u32 s3, $0x4;
	s30 =	sshrl.u32 s1, $0x1;
	(pc) =	sbr.rel .LBB2_1-.Ltmp0, $4  }
0x8: {  	s5 =	sadd.s32 s4, s0;
	s4 =	sadd.s32 $0xF42C00, s0;
	s0 =	sadd.s32 $0x19800, s0  }
0x9: {  	v1 =	vor.u32 $0x200, v0;
	[dreg:$0x3] =	wrdreg s0;
	s0 =	ssub.s32 s1, s30;
	s31 =	sadd.s32 $0x800, s5  }
0xa: {  	s24 =	simm.s32 $0x2;
	v2 =	vor.u32 $0x400, v0;
	v3 =	vor.u32 $0x600, v0;
	v4 =	vor.u32 $0x800, v0;
	[dreg:$0x4] =	wrdreg s31;
	s0 =	smax.u32 s0, $0x1  }
0xb: {  	s7 =	sshll.u32 s3, $0xA;
	v5 =	vor.u32 $0xA00, v0;
	v6 =	vor.u32 $0xC00, v0;
	v7 =	vor.u32 $0xE00, v0;
	s1 =	simm.s32 $0x0;
	[dreg:$0x5] =	wrdreg s0  }
.LBB2_12:
0xc: {  	_ =	swait.ge [sflag:s24], $0x1000  }
0xd: {  	[sflag:s24] =	ssyncset.done $0x0  }
0xe: {  	[sflag:s24] =	ssyncadd.s32 $0xFFFFF000  }
0xf: {  	_ =	swait.ge [sflag:s24], $0x1000  }
0x10: {  	s1 =	rddreg [dreg:$0x6]  }
0x11: {  	s0 =	rddreg [dreg:$0x5];
	s1 =	sadd.s32 $0x1, s1  }
0x12: {  	p0 =	sne.s32 s1, s0  }
.Ltmp1:
0x13: {  	_ = 	snop;
	(pc) =	sbr.rel @!p0 .LBB2_13-.Ltmp1, $3  }
0x14: {  	_ =	sdelay $0x1  }
0x15: {  	[sflag:s24] =	ssyncset.done $0x0  }
0x16: {  	[sflag:s24] =	ssyncadd.s32 $0xFFFFF000  }
.LBB2_1:
0x17: {  	[dreg:$0x6] =	wrdreg s1  }
0x18: {  	s0 =	simm.s32 $0x0;
	s26 =	rddreg [dreg:$0x4]  }
0x19: {  	s2 =	simm.s32 $0x80;
	s3 =	simm.s32 $0x1000;
	s28 =	simm.s32 $0x3  }
0x1a: {  	[tilespmem:s0], [sflag:$0x3] =	stream.strided.gather [hbm4b:s26+s2], $0x6400, s3, s2, $0x38;
	[tilespmem:$0xDD00] =	vst v63  }
0x1b: {  	_ =	swait.ge [sflag:s28], $0x6400  }
0x1c: {  	[sflag:s28] =	ssyncset.done $0x0  }
0x1d: {  	s29 =	rddreg [dreg:$0x3];
	[sflag:s28] =	ssyncadd.s32 $0xFFFF9C00  }
0x1e: {  	[tilespmem:s12], [sflag:$0x3] =	stream.linear.gather [hbm4b:s29+s0], $0x1900, $0x38;
	[tilespmem:$0xDD00] =	vst v63  }
0x1f: {  	_ =	swait.ge [sflag:s28], $0x1900  }
0x20: {  	[sflag:s28] =	ssyncset.done $0x0  }
0x21: {  	[sflag:s28] =	ssyncadd.s32 $0xFFFFE700  }
0x22: {  	[tilespmem:s13], [sflag:$0x1] =	stream.indirect.gather [hbm4b:s4+s2], $0x20, s0, s2, $0xb8;
	[tilespmem:$0xDD00] =	vst v63  }
0x23: {  	_ = 	snop  }
0x24: {  	[tilespmem:s14], [sflag:$0x1] =	stream.indirect.gather [hbm4b:s4+s2], $0x20, s2, s2, $0xb8;
	[tilespmem:$0xDD00] =	vst v63  }
0x25: {  	s30 =	simm.s32 $0x100  }
0x26: {  	[tilespmem:s16], [sflag:$0x1] =	stream.indirect.gather [hbm4b:s4+s2], $0x20, s30, s2, $0xb8;
	[tilespmem:$0xDD00] =	vst v63  }
0x27: {  	s31 =	simm.s32 $0x180;
	s26 =	simm.s32 $0x0  }
0x28: {  	[tilespmem:s18], [sflag:$0x1] =	stream.indirect.gather [hbm4b:s4+s2], $0x20, s31, s2, $0xb8;
	[tilespmem:$0xDD00] =	vst v63  }
.LBB2_2:
0x29: {  	s0 =	simm.s32 $0x0  }
0x2a: {  	s3 =	simm.s32 $0x2;
	v8 =	vmov s0  }
0x2b: {  	v9 =	vmov s3;
	v8 =	vand.u32 $0x1C, v8  }
0x2c: {  	s28 =	sshll.u32 s26, $0x2;
	v9 =	vand.u32 $0x1E, v9;
	v29 =	vbroadcast v8, $0x0  }
0x2d: {  	_ =	swait.ge [sflag:s19], $0x1000;
	s5 =	sshll.u32 s28, $0x5;
	v32 =	vbroadcast v9, $0x0  }
0x2e: {  	p1 =	seq.s32 s26, $0x0;
	s6 =	simm.s32 $0x3;
	[sflag:s19] =	ssyncset.done $0x0;
	v19 =	vmov s5;
	v8 =	vor.u32 v0, v29  }
0x2f: {  	s1 =	simm.s32 @!p1 $0x2;
	[sflag:s19] =	ssyncadd.s32 $0xFFFFF000;
	v9 =	vmov s6;
	v10 =	vor.u32 v19, v32  }
0x30: {  	_ =	swait.ge @!p1 [sflag:s1], $0x1000;
	v9 =	vand.u32 $0x1F, v9;
	v11 =	vor.u32 v0, v32  }
0x31: {  	[sflag:s1] =	ssyncset.done @!p1 $0x0;
	v35 =	vbroadcast v9, $0x0;
	v9 =	vor.u32 v19, v29  }
0x32: {  	[sflag:s1] =	ssyncadd.s32 @!p1 $0xFFFFF000  }
0x33: {  	v12 =	vor.u32 v19, v35;
	v8 =	vld.idx.msk [tilespmem:v8+s13+$0x0], $0xffff  }
0x34: {  	v13 =	vor.u32 v0, v35;
	v10 =	vld.idx.msk [tilespmem:v10+s12+$0x0], $0xffff  }
0x35: {  	s8 =	simm.s32 $0x1;
	v11 =	vld.idx.msk [tilespmem:v11+s13+$0x0], $0xffff  }
0x36: {  	v14 =	vmov s8;
	v16 =	vld.idx.msk [tilespmem:v9+s12+$0x0], $0xffff  }
0x37: {  	v9 =	vand.u32 $0x1D, v14  }
0x38: {  	s9 =	simm.s32 $0x0;
	v36 =	vbroadcast v9, $0x0;
	v9 =	vor.u32 v1, v32;
	v15 =	vld.idx.msk [tilespmem:v12+s12+$0x0], $0xffff  }
0x39: {  	s10 =	simm.s32 $0x100;
	s0 =	sand.u32 $0xC00, s9;
	v12 =	vld.idx.msk [tilespmem:v13+s13+$0x0], $0xffff;
	v13 =	vor.u32 v1, v29  }
0x3a: {  	s0 =	sadd.s32 $0xBD00, s0;
	s1 =	sand.u32 $0x300, s10;
	v14 =	vor.u32 v19, v36;
	v11 =	vadd.f32 v11, v10  }
0x3b: {  	s30 =	sadd.s32 s1, s0;
	v17 =	vor.u32 v0, v36;
	v8 =	vadd.f32 v8, v16  }
0x3c: {  	s15 =	simm.s32 $0xBD40;
	v20 =	vor.u32 v1, v35;
	[tilespmem:s30+$0x0] =	vst v11  }
0x3d: {  	s11 =	simm.s32 $0x180;
	[tilespmem:s15+$0xFFFFFFC0] =	vst v8;
	v9 =	vld.idx.msk [tilespmem:v9+s13+$0x0], $0xffff  }
0x3e: {  	s1 =	sand.u32 $0x380, s11;
	v8 =	vadd.f32 v12, v15;
	v11 =	vld.idx.msk [tilespmem:v13+s13+$0x0], $0xffff  }
0x3f: {  	s10 =	sadd.s32 s1, s0;
	v18 =	vld.idx.msk [tilespmem:v14+s12+$0x0], $0xffff  }
0x40: {  	s17 =	simm.s32 $0x4;
	v12 =	vld.idx.msk [tilespmem:v17+s13+$0x0], $0xffff;
	v14 =	vor.u32 v2, v32;
	[tilespmem:s10+$0x0] =	vst v8  }
0x41: {  	s20 =	simm.s32 $0x6;
	v17 =	vor.u32 v2, v29;
	v13 =	vmov s17;
	v8 =	vor.u32 v1, v36;
	v21 =	vld.idx.msk [tilespmem:v20+s13+$0x0], $0xffff  }
0x42: {  	v13 =	vand.u32 $0x1C, v13;
	v20 =	vmov s20;
	v9 =	vadd.f32 v9, v10  }
0x43: {  	v22 =	vand.u32 $0x1E, v20;
	v20 =	vbroadcast v13, $0x0;
	v11 =	vadd.f32 v11, v16  }
0x44: {  	s22 =	simm.s32 $0x80;
	v13 =	vbroadcast v22, $0x0;
	[tilespmem:s30+$0x10] =	vst v9;
	v9 =	vor.u32 v2, v35  }
0x45: {  	s3 =	simm.s32 $0x7;
	s1 =	sand.u32 $0x280, s22;
	v12 =	vadd.f32 v12, v18;
	v22 =	vor.u32 v0, v20;
	[tilespmem:s15+$0xFFFFFFD0] =	vst v11;
	v14 =	vld.idx.msk [tilespmem:v14+s13+$0x0], $0xffff  }
0x46: {  	s5 =	sor.u32 s1, s0;
	v23 =	vor.u32 v19, v13;
	v11 =	vmov s3;
	v21 =	vadd.f32 v21, v15;
	v17 =	vld.idx.msk [tilespmem:v17+s13+$0x0], $0xffff  }
0x47: {  	[tilespmem:s5+$0x0] =	vst v12;
	v12 =	vor.u32 v0, v13;
	v11 =	vand.u32 $0x1F, v11  }
0x48: {  	v28 =	vor.u32 v19, v20;
	v25 =	vld.idx.msk [tilespmem:v8+s13+$0x0], $0xffff;
	v11 =	vbroadcast v11, $0x0;
	[tilespmem:s10+$0x10] =	vst v21  }
0x49: {  	s23 =	simm.s32 $0x5;
	v21 =	vld.idx.msk [tilespmem:v9+s13+$0x0], $0xffff;
	v9 =	vor.u32 v3, v29  }
0x4a: {  	v8 =	vmov s23;
	v22 =	vld.idx.msk [tilespmem:v22+s13+$0x0], $0xffff;
	v26 =	vor.u32 v19, v11;
	v27 =	vadd.f32 v14, v10  }
0x4b: {  	v14 =	vand.u32 $0x1D, v8;
	v8 =	vld.idx.msk [tilespmem:v23+s12+$0x0], $0xffff;
	v17 =	vadd.f32 v17, v16;
	v23 =	vor.u32 v0, v11  }
0x4c: {  	v24 =	vor.u32 v3, v32;
	v14 =	vbroadcast v14, $0x0;
	[tilespmem:s30+$0x20] =	vst v27;
	v27 =	vld.idx.msk [tilespmem:v12+s13+$0x0], $0xffff  }
0x4d: {  	v30 =	vor.u32 v2, v36;
	[tilespmem:s15+$0xFFFFFFE0] =	vst v17;
	v12 =	vld.idx.msk [tilespmem:v28+s12+$0x0], $0xffff  }
0x4e: {  	v17 =	vor.u32 v19, v14;
	v31 =	vld.idx.msk [tilespmem:v9+s13+$0x0], $0xffff  }
0x4f: {  	s25 =	simm.s32 $0x200;
	v25 =	vadd.f32 v25, v18;
	v9 =	vld.idx.msk [tilespmem:v26+s12+$0x0], $0xffff;
	v26 =	vor.u32 v1, v13  }
0x50: {  	s31 =	simm.s32 $0x300;
	s0 =	sand.u32 $0xC00, s25;
	v33 =	vor.u32 v0, v14;
	v23 =	vld.idx.msk [tilespmem:v23+s13+$0x0], $0xffff  }
0x51: {  	s8 =	sand.u32 $0x300, s31;
	s2 =	sadd.s32 $0xBD00, s0;
	[tilespmem:s5+$0x10] =	vst v25;
	v24 =	vld.idx.msk [tilespmem:v24+s13+$0x0], $0xffff;
	v25 =	vadd.f32 v27, v8;
	v27 =	vor.u32 v4, v29  }
0x52: {  	v34 =	vor.u32 v3, v35;
	s29 =	sadd.s32 s8, s2;
	v30 =	vld.idx.msk [tilespmem:v30+s13+$0x0], $0xffff;
	v21 =	vadd.f32 v21, v15  }
0x53: {  	v37 =	vor.u32 v1, v11;
	v17 =	vld.idx.msk [tilespmem:v17+s12+$0x0], $0xffff;
	[tilespmem:s29+$0x0] =	vst v25;
	v25 =	vadd.f32 v31, v16  }
0x54: {  	s9 =	simm.s32 $0x380;
	[tilespmem:s10+$0x20] =	vst v21;
	v22 =	vadd.f32 v22, v12;
	v31 =	vor.u32 v1, v20;
	v26 =	vld.idx.msk [tilespmem:v26+s13+$0x0], $0xffff  }
0x55: {  	s11 =	sand.u32 $0x380, s9;
	s0 =	simm.s32 $0xBF40;
	v21 =	vor.u32 v3, v36;
	v33 =	vld.idx.msk [tilespmem:v33+s13+$0x0], $0xffff;
	v23 =	vadd.f32 v23, v9;
	[tilespmem:s15+$0xFFFFFFF0] =	vst v25  }
0x56: {  	v38 =	vor.u32 v4, v32;
	s1 =	sadd.s32 s11, s2;
	v24 =	vadd.f32 v24, v10;
	[tilespmem:s0+$0xFFFFFFC0] =	vst v22;
	v25 =	vld.idx.msk [tilespmem:v27+s13+$0x0], $0xffff  }
0x57: {  	s8 =	simm.s32 $0xB;
	v54 =	vor.u32 v2, v13;
	v27 =	vadd.f32 v30, v18;
	v30 =	vld.idx.msk [tilespmem:v34+s13+$0x0], $0xffff;
	[tilespmem:s1+$0x0] =	vst v23  }
0x58: {  	s6 =	simm.s32 $0x8;
	v39 =	vor.u32 v5, v29;
	v40 =	vmov s8;
	v28 =	vor.u32 v1, v14;
	[tilespmem:s30+$0x30] =	vst v24;
	v37 =	vld.idx.msk [tilespmem:v37+s13+$0x0], $0xffff  }
0x59: {  	s17 =	simm.s32 $0x280;
	v55 =	vor.u32 v2, v11;
	v24 =	vmov s6;
	v23 =	vld.idx.msk [tilespmem:v31+s13+$0x0], $0xffff;
	[tilespmem:s5+$0x20] =	vst v27;
	v26 =	vadd.f32 v26, v8  }
0x5a: {  	s6 =	sand.u32 $0x280, s17;
	v24 =	vand.u32 $0x1C, v24;
	v33 =	vadd.f32 v33, v17;
	v31 =	vor.u32 v4, v35;
	v41 =	vld.idx.msk [tilespmem:v21+s13+$0x0], $0xffff  }
0x5b: {  	v22 =	vor.u32 v4, v36;
	v38 =	vld.idx.msk [tilespmem:v38+s13+$0x0], $0xffff;
	s17 =	sor.u32 s6, s2;
	[tilespmem:s29+$0x10] =	vst v26;
	v21 =	vadd.f32 v25, v16;
	v26 =	vbroadcast v24, $0x0  }
0x5c: {  	s9 =	simm.s32 $0xA;
	v56 =	vand.u32 $0x1F, v40;
	v27 =	vor.u32 v2, v20;
	[tilespmem:s17+$0x0] =	vst v33;
	v30 =	vadd.f32 v30, v15;
	v25 =	vld.idx.msk [tilespmem:v54+s13+$0x0], $0xffff  }
0x5d: {  	v57 =	vld.idx.msk [tilespmem:v28+s13+$0x0], $0xffff;
	v24 =	vmov s9;
	v37 =	vadd.f32 v37, v9;
	[tilespmem:s15+$0x0] =	vst v21;
	v28 =	vor.u32 v0, v26  }
0x5e: {  	v23 =	vadd.f32 v23, v12;
	v21 =	vand.u32 $0x1E, v24;
	v24 =	vbroadcast v56, $0x0;
	[tilespmem:s10+$0x30] =	vst v30;
	v34 =	vld.idx.msk [tilespmem:v39+s13+$0x0], $0xffff  }
0x5f: {  	v30 =	vor.u32 v3, v13;
	v58 =	vld.idx.msk [tilespmem:v31+s13+$0x0], $0xffff;
	v41 =	vadd.f32 v41, v18;
	[tilespmem:s1+$0x10] =	vst v37  }
0x60: {  	[tilespmem:s0+$0xFFFFFFD0] =	vst v23;
	v42 =	vor.u32 v19, v24;
	v45 =	vld.idx.msk [tilespmem:v55+s13+$0x0], $0xffff  }
0x61: {  	v21 =	vbroadcast v21, $0x0;
	v46 =	vor.u32 v0, v24;
	v43 =	vld.idx.msk [tilespmem:v27+s13+$0x0], $0xffff;
	[tilespmem:s5+$0x30] =	vst v41;
	v44 =	vadd.f32 v25, v8  }
0x62: {  	s20 =	simm.s32 $0x9;
	v38 =	vadd.f32 v38, v10;
	v40 =	vadd.f32 v57, v17;
	v57 =	vor.u32 v5, v32;
	v61 =	vld.idx.msk [tilespmem:v22+s13+$0x0], $0xffff  }
0x63: {  	v60 =	vor.u32 v5, v35;
	v23 =	vmov s20;
	v59 =	vor.u32 v19, v21;
	v48 =	vld.idx.msk [tilespmem:v28+s13+$0x0], $0xffff;
	[tilespmem:s29+$0x20] =	vst v44  }
0x64: {  	[tilespmem:s30+$0x40] =	vst v38;
	v38 =	vor.u32 v7, v36;
	v23 =	vand.u32 $0x1D, v23;
	v47 =	vor.u32 v0, v21;
	v51 =	vld.idx.msk [tilespmem:v30+s13+$0x0], $0xffff  }
0x65: {  	v62 =	vor.u32 v19, v26;
	v56 =	vor.u32 v5, v36;
	v25 =	vbroadcast v23, $0x0;
	v23 =	vld.idx.msk [tilespmem:v42+s12+$0x0], $0xffff  }
0x66: {  	v31 =	vor.u32 v7, v29;
	v39 =	vadd.f32 v58, v15;
	v58 =	vor.u32 v3, v20;
	v53 =	vld.idx.msk [tilespmem:v46+s13+$0x0], $0xffff  }
0x67: {  	v37 =	vor.u32 v7, v35;
	v27 =	vor.u32 v7, v20;
	v30 =	vor.u32 v2, v14;
	v54 =	vld.idx.msk [tilespmem:v57+s13+$0x0], $0xffff  }
0x68: {  	[tilespmem:s17+$0x10] =	vst v40;
	v28 =	vor.u32 v7, v26;
	v22 =	vld.idx.msk [tilespmem:v59+s12+$0x0], $0xffff;
	v63 =	vadd.f32 v43, v12  }
0x69: {  	v49 =	vor.u32 v19, v25;
	v34 =	vadd.f32 v34, v16;
	[tilespmem:s10+$0x40] =	vst v39;
	v52 =	vld.idx.msk [tilespmem:v47+s13+$0x0], $0xffff  }
0x6a: {  	v50 =	vor.u32 v0, v25;
	v41 =	vld.idx.msk [tilespmem:v60+s13+$0x0], $0xffff;
	v59 =	vadd.f32 v61, v18;
	[tilespmem:s0+$0xFFFFFFE0] =	vst v63  }
0x6b: {  	v33 =	vor.u32 v1, v25;
	v44 =	vor.u32 v3, v14;
	[tilespmem:s15+$0x10] =	vst v34;
	v55 =	vld.idx.msk [tilespmem:v58+s13+$0x0], $0xffff  }
0x6c: {  	v57 =	vor.u32 v4, v20;
	v61 =	vor.u32 v4, v13;
	[tilespmem:s5+$0x40] =	vst v59;
	v40 =	vld.idx.msk [tilespmem:v30+s13+$0x0], $0xffff  }
0x6d: {  	s22 =	simm.s32 $0x400;
	v34 =	vor.u32 v7, v32;
	v60 =	vadd.f32 v45, v9;
	v45 =	vor.u32 v1, v21;
	v43 =	vld.idx.msk [tilespmem:v56+s13+$0x0], $0xffff  }
0x6e: {  	s3 =	sand.u32 $0xC00, s22;
	s23 =	simm.s32 $0x500;
	v47 =	vor.u32 v6, v32;
	v30 =	vld.idx.msk [tilespmem:v62+s12+$0x0], $0xffff;
	v51 =	vadd.f32 v51, v8;
	v56 =	vor.u32 v6, v29  }
0x6f: {  	s25 =	sand.u32 $0x300, s23;
	s9 =	sadd.s32 $0xBD00, s3;
	[tilespmem:s1+$0x20] =	vst v60;
	v29 =	vld.idx.msk [tilespmem:v49+s12+$0x0], $0xffff;
	v49 =	vor.u32 v6, v35;
	v62 =	vadd.f32 v52, v22  }
0x70: {  	s8 =	sadd.s32 s25, s9;
	v60 =	vor.u32 v6, v36;
	v41 =	vadd.f32 v41, v15;
	[tilespmem:s29+$0x30] =	vst v51;
	v51 =	vld.idx.msk [tilespmem:v50+s13+$0x0], $0xffff  }
0x71: {  	v32 =	vld.idx.msk [tilespmem:v61+s13+$0x0], $0xffff;
	[tilespmem:s8+$0x0] =	vst v62;
	v61 =	vor.u32 v3, v11;
	v63 =	vadd.f32 v40, v17  }
0x72: {  	v42 =	vor.u32 v3, v21;
	v46 =	vld.idx.msk [tilespmem:v45+s13+$0x0], $0xffff;
	[tilespmem:s10+$0x50] =	vst v41;
	v62 =	vadd.f32 v43, v18  }
0x73: {  	v39 =	vor.u32 v1, v24;
	v54 =	vadd.f32 v54, v10;
	v52 =	vld.idx.msk [tilespmem:v56+s13+$0x0], $0xffff;
	[tilespmem:s17+$0x20] =	vst v63  }
0x74: {  	v36 =	vor.u32 v5, v20;
	v45 =	vld.idx.msk [tilespmem:v49+s13+$0x0], $0xffff;
	v63 =	vadd.f32 v55, v12;
	[tilespmem:s5+$0x50] =	vst v62  }
0x75: {  	s11 =	simm.s32 $0x580;
	v35 =	vor.u32 v4, v14;
	[tilespmem:s30+$0x50] =	vst v54;
	v54 =	vor.u32 v1, v26;
	v43 =	vld.idx.msk [tilespmem:v60+s13+$0x0], $0xffff  }
0x76: {  	s31 =	sand.u32 $0x380, s11;
	v41 =	vor.u32 v2, v21;
	v48 =	vadd.f32 v48, v30;
	v50 =	vld.idx.msk [tilespmem:v61+s13+$0x0], $0xffff;
	[tilespmem:s0+$0xFFFFFFF0] =	vst v63  }
0x77: {  	s6 =	simm.s32 $0xC140;
	s25 =	simm.s32 $0xC;
	s3 =	sadd.s32 s31, s9;
	v40 =	vor.u32 v4, v11;
	v49 =	vor.u32 v2, v26;
	v55 =	vadd.f32 v53, v23;
	v53 =	vld.idx.msk [tilespmem:v57+s13+$0x0], $0xffff  }
.LBB2_3:
0x78: {  	v56 =	vmov s25;
	s22 =	sadd.s32 $0x1, s25;
	s31 =	sadd.s32 $0x2, s25;
	s23 =	sadd.s32 $0x3, s25;
	[tilespmem:s6+$0xFFFFFFC0] =	vst v48;
	v48 =	vadd.f32 v51, v29;
	v46 =	vadd.f32 v46, v22;
	v47 =	vld.idx.msk [tilespmem:v47+s13+$0x0], $0xffff  }
0x79: {  	p0 =	slt.u32 s25, $0x1C;
	s25 =	sadd.s32 $0x4, s25;
	v52 =	vadd.f32 v52, v16;
	v51 =	vmov s22;
	v57 =	vmov s23;
	s22 =	sadd.s32 $0xFFFFFF00, s11;
	[tilespmem:s3+$0x0] =	vst v55;
	v55 =	vld.idx.msk [tilespmem:v44+s13+$0x0], $0xffff  }
0x7a: {  	v44 =	vand.u32 $0x1D, v51;
	v51 =	vmov s31;
	s22 =	sand.u32 $0x280, s22;
	[tilespmem:s8+$0x10] =	vst v46;
	v39 =	vld.idx.msk [tilespmem:v39+s13+$0x0], $0xffff;
	v46 =	vadd.f32 v45, v15  }
0x7b: {  	v45 =	vand.u32 $0x1F, v57;
	v44 =	vbroadcast v44, $0x0;
	v54 =	vld.idx.msk [tilespmem:v54+s13+$0x0], $0xffff;
	s9 =	sor.u32 s22, s9;
	[tilespmem:s15+$0x20] =	vst v52;
	v52 =	vadd.f32 v43, v18  }
0x7c: {  	v56 =	vand.u32 $0x1C, v56;
	v43 =	vand.u32 $0x1E, v51;
	v45 =	vbroadcast v45, $0x0;
	[tilespmem:s9+$0x0] =	vst v48;
	v51 =	vld.idx.msk [tilespmem:v41+s13+$0x0], $0xffff  }
0x7d: {  	v43 =	vbroadcast v43, $0x0;
	v53 =	vadd.f32 v53, v12;
	v48 =	vor.u32 v19, v44;
	v57 =	vld.idx.msk [tilespmem:v31+s13+$0x0], $0xffff;
	[tilespmem:s10+$0x60] =	vst v46  }
0x7e: {  	v41 =	vbroadcast v56, $0x0;
	v46 =	vor.u32 v0, v44;
	v56 =	vld.idx.msk [tilespmem:v33+s13+$0x0], $0xffff;
	[tilespmem:s5+$0x60] =	vst v52;
	v33 =	vadd.f32 v47, v10  }
0x7f: {  	v50 =	vadd.f32 v50, v9;
	v31 =	vmov v27;
	v47 =	vadd.f32 v55, v17;
	[tilespmem:s0+$0x0] =	vst v53;
	v38 =	vld.idx.msk [tilespmem:v38+s13+$0x0], $0xffff  }
0x80: {  	v27 =	vmov v28;
	v52 =	vor.u32 v19, v43;
	v53 =	vor.u32 v2, v24;
	[tilespmem:s30+$0x60] =	vst v33;
	v33 =	vld.idx.msk [tilespmem:v37+s13+$0x0], $0xffff  }
0x81: {  	v55 =	vor.u32 v19, v45;
	v37 =	vor.u32 v0, v41;
	v28 =	vadd.f32 v54, v30;
	v36 =	vld.idx.msk [tilespmem:v36+s13+$0x0], $0xffff  }
0x82: {  	v39 =	vadd.f32 v39, v23;
	v54 =	vor.u32 v0, v45;
	[tilespmem:s1+$0x30] =	vst v50;
	v34 =	vld.idx.msk [tilespmem:v34+s13+$0x0], $0xffff  }
0x83: {  	v50 =	vadd.f32 v51, v22;
	v51 =	vadd.f32 v57, v16;
	v16 =	vmov v12;
	[tilespmem:s6+$0xFFFFFFD0] =	vst v28;
	v40 =	vld.idx.msk [tilespmem:v40+s13+$0x0], $0xffff  }
0x84: {  	v57 =	vor.u32 v0, v43;
	v12 =	vmov v30;
	v28 =	vor.u32 v7, v41;
	v49 =	vld.idx.msk [tilespmem:v49+s13+$0x0], $0xffff;
	[tilespmem:s3+$0x10] =	vst v39  }
0x85: {  	v38 =	vadd.f32 v38, v18;
	v18 =	vmov v17;
	v30 =	vld.idx.msk [tilespmem:v53+s13+$0x0], $0xffff;
	v53 =	vor.u32 v5, v11;
	[tilespmem:s15+$0x30] =	vst v51;
	s15 =	smov.u32 s0;
	s0 =	smov.u32 s6  }
0x86: {  	s11 =	sadd.s32 $0x200, s11;
	v17 =	vadd.f32 v33, v15;
	v15 =	vmov v9;
	v51 =	vld.idx.msk [tilespmem:v37+s13+$0x0], $0xffff;
	v37 =	vor.u32 v2, v25;
	[tilespmem:s17+$0x30] =	vst v47  }
0x87: {  	v32 =	vadd.f32 v32, v8;
	v33 =	vor.u32 v1, v44;
	v9 =	vmov v23;
	[tilespmem:s8+$0x20] =	vst v50;
	v35 =	vld.idx.msk [tilespmem:v35+s13+$0x0], $0xffff  }
0x88: {  	v47 =	vadd.f32 v56, v29;
	v34 =	vadd.f32 v34, v10;
	v10 =	vmov v8;
	v42 =	vld.idx.msk [tilespmem:v42+s13+$0x0], $0xffff;
	[tilespmem:s5+$0x70] =	vst v38;
	s5 =	smov.u32 s17;
	s17 =	smov.u32 s9  }
0x89: {  	v8 =	vmov v22;
	v38 =	vor.u32 v19, v41;
	v40 =	vadd.f32 v40, v15;
	v23 =	vld.idx.msk [tilespmem:v55+s12+$0x0], $0xffff;
	[tilespmem:s10+$0x70] =	vst v17;
	s10 =	smov.u32 s1;
	s1 =	smov.u32 s3  }
0x8a: {  	v50 =	vor.u32 v5, v14;
	v49 =	vadd.f32 v49, v12;
	v17 =	vmov v29;
	v22 =	vld.idx.msk [tilespmem:v52+s12+$0x0], $0xffff;
	[tilespmem:s30+$0x70] =	vst v34;
	s30 =	smov.u32 s29;
	s29 =	smov.u32 s8  }
0x8b: {  	v39 =	vor.u32 v1, v45;
	v52 =	vadd.f32 v30, v9;
	v55 =	vld.idx.msk [tilespmem:v54+s13+$0x0], $0xffff;
	[tilespmem:s10+$0x40] =	vst v40  }
0x8c: {  	v29 =	vor.u32 v5, v13;
	[tilespmem:s6+$0xFFFFFFE0] =	vst v49;
	v40 =	vld.idx.msk [tilespmem:v53+s13+$0x0], $0xffff  }
0x8d: {  	v53 =	vor.u32 v3, v26;
	v34 =	vadd.f32 v35, v18;
	v49 =	vld.idx.msk [tilespmem:v57+s13+$0x0], $0xffff;
	[tilespmem:s17+$0x10] =	vst v47  }
0x8e: {  	v36 =	vadd.f32 v36, v16;
	v35 =	vld.idx.msk [tilespmem:v37+s13+$0x0], $0xffff;
	[tilespmem:s30+$0x40] =	vst v32  }
0x8f: {  	v32 =	vor.u32 v4, v21;
	v30 =	vld.idx.msk [tilespmem:v38+s12+$0x0], $0xffff;
	[tilespmem:s5+$0x40] =	vst v34  }
0x90: {  	v37 =	vor.u32 v7, v11;
	v34 =	vor.u32 v7, v13;
	[tilespmem:s15+$0x10] =	vst v36;
	v36 =	vld.idx.msk [tilespmem:v50+s13+$0x0], $0xffff  }
0x91: {  	s3 =	sadd.s32 $0xFFFFFE80, s11;
	v42 =	vadd.f32 v42, v8;
	v38 =	vor.u32 v7, v14;
	v50 =	vor.u32 v1, v43;
	v54 =	vld.idx.msk [tilespmem:v29+s13+$0x0], $0xffff  }
0x92: {  	v20 =	vor.u32 v6, v20;
	s3 =	sand.u32 $0xC00, s3;
	s8 =	sadd.s32 $0xFFFFFF80, s11;
	v47 =	vor.u32 v6, v13;
	v13 =	vadd.f32 v40, v15;
	v53 =	vld.idx.msk [tilespmem:v53+s13+$0x0], $0xffff  }
0x93: {  	s22 =	sand.u32 $0x380, s11;
	s9 =	sadd.s32 $0xBD00, s3;
	s3 =	sand.u32 $0x300, s8;
	v40 =	vadd.f32 v49, v22;
	v29 =	vld.idx.msk [tilespmem:v48+s12+$0x0], $0xffff;
	[tilespmem:s29+$0x30] =	vst v42;
	v42 =	vor.u32 v6, v11;
	v11 =	vmov v24  }
0x94: {  	s8 =	sadd.s32 s3, s9;
	s3 =	sadd.s32 s22, s9;
	v49 =	vor.u32 v6, v14;
	v14 =	vmov v25;
	v35 =	vadd.f32 v35, v17;
	v32 =	vld.idx.msk [tilespmem:v32+s13+$0x0], $0xffff;
	[tilespmem:s1+$0x20] =	vst v52  }
0x95: {  	s6 =	sadd.s32 $0x200, s6;
	v25 =	vmov v44;
	v48 =	vadd.f32 v51, v30;
	v56 =	vor.u32 v3, v11;
	v51 =	vld.idx.msk [tilespmem:v46+s13+$0x0], $0xffff;
	[tilespmem:s8+$0x0] =	vst v40  }
0x96: {  	v57 =	vor.u32 v4, v26;
	v24 =	vmov v45;
	v36 =	vadd.f32 v36, v18;
	v46 =	vld.idx.msk [tilespmem:v50+s13+$0x0], $0xffff;
	[tilespmem:s17+$0x20] =	vst v35  }
.Ltmp2:
0x97: {  	v35 =	vor.u32 v4, v14;
	v54 =	vadd.f32 v54, v10;
	v52 =	vld.idx.msk [tilespmem:v20+s13+$0x0], $0xffff;
	[tilespmem:s10+$0x50] =	vst v13;
	v13 =	vmov v21;
	(pc) =	sbr.rel @p0 .LBB2_3-.Ltmp2, $4  }
0x98: {  	v44 =	vor.u32 v3, v14;
	v50 =	vadd.f32 v53, v12;
	v21 =	vmov v43;
	[tilespmem:s5+$0x50] =	vst v36;
	v45 =	vld.idx.msk [tilespmem:v42+s13+$0x0], $0xffff  }
0x99: {  	v40 =	vor.u32 v4, v11;
	v20 =	vmov v26;
	v36 =	vor.u32 v5, v26;
	v43 =	vld.idx.msk [tilespmem:v49+s13+$0x0], $0xffff;
	[tilespmem:s30+$0x50] =	vst v54  }
0x9a: {  	v55 =	vadd.f32 v55, v23;
	v26 =	vmov v41;
	v54 =	vor.u32 v1, v41;
	[tilespmem:s0+$0xFFFFFFF0] =	vst v50;
	v50 =	vld.idx.msk [tilespmem:v56+s13+$0x0], $0xffff  }
0x9b: {  	v42 =	vor.u32 v3, v21;
	v49 =	vor.u32 v2, v26;
	v41 =	vor.u32 v2, v21;
	v53 =	vld.idx.msk [tilespmem:v57+s13+$0x0], $0xffff  }
0x9c: {  	_ = 	snop  }
0x9d: {  	s11 =	sadd.s32 $0xFFFFFF00, s11  }
0x9e: {  	v19 =	vadd.f32 v51, v29;
	s11 =	sand.u32 $0x280, s11  }
0x9f: {  	[tilespmem:s6+$0xFFFFFFC0] =	vst v48;
	s9 =	sor.u32 s11, s9  }
0xa0: {  	v48 =	vld.idx.msk [tilespmem:v54+s13+$0x0], $0xffff;
	[tilespmem:s9+$0x0] =	vst v19  }
0xa1: {  	[tilespmem:s3+$0x0] =	vst v55;
	v19 =	vld.idx.msk [tilespmem:v33+s13+$0x0], $0xffff  }
0xa2: {  	v57 =	vld.idx.msk [tilespmem:v39+s13+$0x0], $0xffff  }
0xa3: {  	v58 =	vadd.f32 v46, v22  }
0xa4: {  	v59 =	vadd.f32 v52, v16;
	v60 =	vor.u32 v2, v25  }
0xa5: {  	v61 =	vor.u32 v2, v24;
	[tilespmem:s8+$0x10] =	vst v58;
	v48 =	vadd.f32 v48, v30  }
0xa6: {  	v47 =	vld.idx.msk [tilespmem:v47+s13+$0x0], $0xffff;
	[tilespmem:s15+$0x20] =	vst v59;
	v19 =	vadd.f32 v19, v29  }
0xa7: {  	v44 =	vld.idx.msk [tilespmem:v44+s13+$0x0], $0xffff;
	v33 =	vadd.f32 v57, v23;
	[tilespmem:s6+$0xFFFFFFD0] =	vst v48  }
0xa8: {  	v45 =	vadd.f32 v45, v15;
	v62 =	vld.idx.msk [tilespmem:v49+s13+$0x0], $0xffff;
	[tilespmem:s9+$0x10] =	vst v19  }
0xa9: {  	[tilespmem:s3+$0x10] =	vst v33;
	v19 =	vadd.f32 v43, v18;
	v63 =	vld.idx.msk [tilespmem:v60+s13+$0x0], $0xffff  }
0xaa: {  	[tilespmem:s10+$0x60] =	vst v45;
	v50 =	vadd.f32 v50, v9;
	v39 =	vld.idx.msk [tilespmem:v61+s13+$0x0], $0xffff  }
0xab: {  	v41 =	vld.idx.msk [tilespmem:v41+s13+$0x0], $0xffff;
	v49 =	vor.u32 v3, v26;
	[tilespmem:s5+$0x60] =	vst v19;
	v19 =	vadd.f32 v47, v10  }
0xac: {  	v51 =	vor.u32 v3, v25;
	v31 =	vld.idx.msk [tilespmem:v31+s13+$0x0], $0xffff;
	[tilespmem:s1+$0x30] =	vst v50;
	v54 =	vadd.f32 v44, v17  }
0xad: {  	v52 =	vor.u32 v3, v24;
	[tilespmem:s30+$0x60] =	vst v19;
	v19 =	vadd.f32 v62, v30  }
0xae: {  	[tilespmem:s17+$0x30] =	vst v54;
	v38 =	vld.idx.msk [tilespmem:v38+s13+$0x0], $0xffff;
	v33 =	vadd.f32 v63, v29  }
0xaf: {  	v37 =	vld.idx.msk [tilespmem:v37+s13+$0x0], $0xffff;
	v39 =	vadd.f32 v39, v23;
	[tilespmem:s6+$0xFFFFFFE0] =	vst v19  }
0xb0: {  	v48 =	vadd.f32 v53, v12;
	v19 =	vadd.f32 v41, v22;
	v53 =	vld.idx.msk [tilespmem:v49+s13+$0x0], $0xffff;
	[tilespmem:s9+$0x20] =	vst v33  }
0xb1: {  	v16 =	vadd.f32 v31, v16;
	[tilespmem:s3+$0x20] =	vst v39;
	v31 =	vld.idx.msk [tilespmem:v51+s13+$0x0], $0xffff  }
0xb2: {  	[tilespmem:s8+$0x20] =	vst v19;
	v19 =	vld.idx.msk [tilespmem:v52+s13+$0x0], $0xffff  }
0xb3: {  	v55 =	vor.u32 v4, v26;
	[tilespmem:s15+$0x30] =	vst v16;
	v16 =	vadd.f32 v38, v18;
	v18 =	vld.idx.msk [tilespmem:v42+s13+$0x0], $0xffff  }
0xb4: {  	v56 =	vor.u32 v4, v25;
	v15 =	vadd.f32 v37, v15;
	[tilespmem:s0+$0x0] =	vst v48;
	v34 =	vld.idx.msk [tilespmem:v34+s13+$0x0], $0xffff  }
0xb5: {  	v57 =	vor.u32 v4, v24;
	v35 =	vld.idx.msk [tilespmem:v35+s13+$0x0], $0xffff;
	[tilespmem:s5+$0x70] =	vst v16;
	v16 =	vadd.f32 v53, v30  }
0xb6: {  	v58 =	vld.idx.msk [tilespmem:v40+s13+$0x0], $0xffff;
	[tilespmem:s10+$0x70] =	vst v15;
	v15 =	vor.u32 v4, v21;
	v31 =	vadd.f32 v31, v29  }
0xb7: {  	[tilespmem:s6+$0xFFFFFFF0] =	vst v16;
	v16 =	vadd.f32 v19, v23  }
0xb8: {  	v19 =	vor.u32 v5, v14;
	v18 =	vadd.f32 v18, v22;
	v38 =	vld.idx.msk [tilespmem:v55+s13+$0x0], $0xffff;
	[tilespmem:s9+$0x30] =	vst v31  }
0xb9: {  	v10 =	vadd.f32 v34, v10;
	v31 =	vor.u32 v5, v11;
	[tilespmem:s3+$0x30] =	vst v16;
	v16 =	vld.idx.msk [tilespmem:v56+s13+$0x0], $0xffff  }
0xba: {  	v59 =	vor.u32 v5, v13;
	v60 =	vadd.f32 v35, v17;
	[tilespmem:s8+$0x30] =	vst v18;
	v18 =	vld.idx.msk [tilespmem:v57+s13+$0x0], $0xffff  }
0xbb: {  	v61 =	vadd.f32 v58, v9;
	[tilespmem:s30+$0x70] =	vst v10;
	v10 =	vld.idx.msk [tilespmem:v15+s13+$0x0], $0xffff;
	v15 =	vor.u32 v5, v26  }
0xbc: {  	v32 =	vadd.f32 v32, v8;
	v36 =	vld.idx.msk [tilespmem:v36+s13+$0x0], $0xffff;
	[tilespmem:s17+$0x40] =	vst v60;
	v62 =	vor.u32 v5, v25  }
0xbd: {  	v40 =	vor.u32 v5, v24;
	[tilespmem:s1+$0x40] =	vst v61;
	v19 =	vld.idx.msk [tilespmem:v19+s13+$0x0], $0xffff;
	v63 =	vadd.f32 v38, v30  }
0xbe: {  	[tilespmem:s29+$0x40] =	vst v32;
	v41 =	vor.u32 v5, v21;
	v31 =	vld.idx.msk [tilespmem:v31+s13+$0x0], $0xffff;
	v16 =	vadd.f32 v16, v29  }
0xbf: {  	v20 =	vor.u32 v6, v20;
	v33 =	vld.idx.msk [tilespmem:v59+s13+$0x0], $0xffff;
	[tilespmem:s6+$0x0] =	vst v63;
	v18 =	vadd.f32 v18, v23  }
0xc0: {  	v42 =	vor.u32 v6, v14;
	v10 =	vadd.f32 v10, v22;
	v15 =	vld.idx.msk [tilespmem:v15+s13+$0x0], $0xffff;
	[tilespmem:s9+$0x40] =	vst v16  }
0xc1: {  	v43 =	vor.u32 v6, v11;
	v16 =	vadd.f32 v36, v12;
	[tilespmem:s3+$0x40] =	vst v18;
	v18 =	vld.idx.msk [tilespmem:v62+s13+$0x0], $0xffff  }
0xc2: {  	v44 =	vor.u32 v6, v13;
	v19 =	vadd.f32 v19, v17;
	[tilespmem:s8+$0x40] =	vst v10;
	v37 =	vld.idx.msk [tilespmem:v40+s13+$0x0], $0xffff  }
0xc3: {  	v26 =	vor.u32 v6, v26;
	[tilespmem:s0+$0x10] =	vst v16;
	v10 =	vadd.f32 v31, v9;
	v16 =	vld.idx.msk [tilespmem:v41+s13+$0x0], $0xffff  }
0xc4: {  	v31 =	vadd.f32 v33, v8;
	[tilespmem:s17+$0x50] =	vst v19;
	v19 =	vor.u32 v6, v25;
	v20 =	vld.idx.msk [tilespmem:v20+s13+$0x0], $0xffff  }
0xc5: {  	v45 =	vor.u32 v6, v24;
	[tilespmem:s1+$0x50] =	vst v10;
	v10 =	vld.idx.msk [tilespmem:v42+s13+$0x0], $0xffff;
	v15 =	vadd.f32 v15, v30  }
0xc6: {  	[tilespmem:s29+$0x50] =	vst v31;
	v31 =	vor.u32 v6, v21;
	v46 =	vld.idx.msk [tilespmem:v43+s13+$0x0], $0xffff;
	v18 =	vadd.f32 v18, v29  }
0xc7: {  	v34 =	vld.idx.msk [tilespmem:v44+s13+$0x0], $0xffff;
	[tilespmem:s6+$0x10] =	vst v15;
	v15 =	vadd.f32 v37, v23  }
0xc8: {  	v14 =	vor.u32 v7, v14;
	v26 =	vld.idx.msk [tilespmem:v26+s13+$0x0], $0xffff;
	v16 =	vadd.f32 v16, v22;
	[tilespmem:s9+$0x50] =	vst v18  }
0xc9: {  	v11 =	vor.u32 v7, v11;
	v18 =	vadd.f32 v20, v12;
	[tilespmem:s3+$0x50] =	vst v15;
	v15 =	vld.idx.msk [tilespmem:v19+s13+$0x0], $0xffff  }
0xca: {  	v13 =	vor.u32 v7, v13;
	v10 =	vadd.f32 v10, v17;
	v19 =	vld.idx.msk [tilespmem:v45+s13+$0x0], $0xffff;
	[tilespmem:s8+$0x50] =	vst v16  }
0xcb: {  	v16 =	vadd.f32 v46, v9;
	[tilespmem:s0+$0x20] =	vst v18;
	v18 =	vld.idx.msk [tilespmem:v31+s13+$0x0], $0xffff  }
0xcc: {  	v25 =	vor.u32 v7, v25;
	v20 =	vld.idx.msk [tilespmem:v27+s13+$0x0], $0xffff;
	[tilespmem:s17+$0x60] =	vst v10;
	v10 =	vadd.f32 v34, v8  }
0xcd: {  	[tilespmem:s1+$0x60] =	vst v16;
	v14 =	vld.idx.msk [tilespmem:v14+s13+$0x0], $0xffff;
	v16 =	vor.u32 v7, v24;
	v24 =	vadd.f32 v26, v30  }
0xce: {  	[tilespmem:s29+$0x60] =	vst v10;
	v10 =	vld.idx.msk [tilespmem:v11+s13+$0x0], $0xffff;
	v11 =	vor.u32 v7, v21;
	v15 =	vadd.f32 v15, v29  }
0xcf: {  	v13 =	vld.idx.msk [tilespmem:v13+s13+$0x0], $0xffff;
	v19 =	vadd.f32 v19, v23;
	[tilespmem:s6+$0x20] =	vst v24  }
0xd0: {  	v21 =	vld.idx.msk [tilespmem:v28+s13+$0x0], $0xffff;
	[tilespmem:s9+$0x60] =	vst v15;
	v15 =	vadd.f32 v18, v22  }
0xd1: {  	v12 =	vadd.f32 v20, v12;
	[tilespmem:s3+$0x60] =	vst v19;
	v18 =	vld.idx.msk [tilespmem:v25+s13+$0x0], $0xffff  }
0xd2: {  	v14 =	vadd.f32 v14, v17;
	[tilespmem:s8+$0x60] =	vst v15;
	v15 =	vld.idx.msk [tilespmem:v16+s13+$0x0], $0xffff  }
0xd3: {  	[tilespmem:s0+$0x30] =	vst v12;
	v9 =	vadd.f32 v10, v9;
	v10 =	vld.idx.msk [tilespmem:v11+s13+$0x0], $0xffff  }
0xd4: {  	[tilespmem:s17+$0x70] =	vst v14;
	v8 =	vadd.f32 v13, v8  }
0xd5: {  	[tilespmem:s1+$0x70] =	vst v9;
	v9 =	vadd.f32 v21, v30  }
0xd6: {  	[tilespmem:s29+$0x70] =	vst v8;
	v8 =	vadd.f32 v18, v29  }
0xd7: {  	s2 =	sshll.u32 s26, $0x13;
	[tilespmem:s6+$0x30] =	vst v9;
	v9 =	vadd.f32 v15, v23  }
0xd8: {  	s0 =	sor.u32 s7, s2;
	[tilespmem:s9+$0x70] =	vst v8;
	v8 =	vadd.f32 v10, v22  }
0xd9: {  	p0 =	seq.s32 s26, $0x31;
	s0 =	sshrl.u32 s0, $0x3;
	[tilespmem:s3+$0x70] =	vst v9;
	s3 =	rddreg [dreg:$0x1]  }
0xda: {  	s5 =	simm.s32 $0x400;
	s2 =	simm.s32 $0xBD00;
	[tilespmem:s8+$0x70] =	vst v8;
	s0 =	sadd.s32 s3, s0  }
0xdb: {  	[hbm4b:s0+s5] =	stream.strided.scatter [tilespmem:s2], [sflag:$0x2], $0x1000, s21, s5, $0x38;
	[tilespmem:$0xDD00] =	vst v63  }
0xdc: {  	s6 =	simm.s32 $0x0;
	s0 =	sshll.u32 @!p0 s26, $0x9  }
0xdd: {  	s30 =	sor.u32 $0x1, s28;
	v8 =	vmov s6;
	s8 =	simm.s32 $0x2;
	s29 =	sand.u32 @!p0 $0x3FFFFE00, s0  }
0xde: {  	s3 =	simm.s32 @!p0 $0x80;
	s5 =	simm.s32 @!p0 $0x7D00;
	v9 =	vmov s8;
	v8 =	vand.u32 $0x1C, v8;
	s0 =	sadd.s32 @!p0 $0x200, s29  }
0xdf: {  	v9 =	vand.u32 $0x1E, v9;
	v29 =	vbroadcast v8, $0x0;
	[tilespmem:s5], [sflag:$0x1] =	stream.indirect.gather @!p0 [hbm4b:s4+s3], $0x20, s0, s3, $0xb8;
	[tilespmem:$0xDD00] =	vst v63  }
0xe0: {  	s9 =	sshll.u32 s30, $0x5;
	v32 =	vbroadcast v9, $0x0;
	_ =	swait.ge [sflag:s19], $0x1000  }
0xe1: {  	s10 =	simm.s32 $0x3;
	v19 =	vmov s9;
	v8 =	vor.u32 v0, v29;
	[sflag:s19] =	ssyncset.done $0x0  }
0xe2: {  	s1 =	simm.s32 @!p1 $0x2;
	v9 =	vmov s10;
	v10 =	vor.u32 v19, v32;
	[sflag:s19] =	ssyncadd.s32 $0xFFFFF000  }
0xe3: {  	v9 =	vand.u32 $0x1F, v9;
	v11 =	vor.u32 v0, v32;
	_ =	swait.ge @!p1 [sflag:s1], $0x1000  }
0xe4: {  	v35 =	vbroadcast v9, $0x0;
	v9 =	vor.u32 v19, v29;
	[sflag:s1] =	ssyncset.done @!p1 $0x0  }
0xe5: {  	[sflag:s1] =	ssyncadd.s32 @!p1 $0xFFFFF000  }
0xe6: {  	v12 =	vor.u32 v19, v35;
	v8 =	vld.idx.msk [tilespmem:v8+s14+$0x0], $0xffff  }
0xe7: {  	v13 =	vor.u32 v0, v35;
	v10 =	vld.idx.msk [tilespmem:v10+s12+$0x0], $0xffff  }
0xe8: {  	s11 =	simm.s32 $0x1;
	v11 =	vld.idx.msk [tilespmem:v11+s14+$0x0], $0xffff  }
0xe9: {  	v14 =	vmov s11;
	v16 =	vld.idx.msk [tilespmem:v9+s12+$0x0], $0xffff  }
0xea: {  	v9 =	vand.u32 $0x1D, v14  }
0xeb: {  	s15 =	simm.s32 $0x0;
	v36 =	vbroadcast v9, $0x0;
	v15 =	vld.idx.msk [tilespmem:v12+s12+$0x0], $0xffff;
	v9 =	vor.u32 v1, v32  }
0xec: {  	s17 =	simm.s32 $0x100;
	s0 =	sand.u32 $0xC00, s15;
	v12 =	vld.idx.msk [tilespmem:v13+s14+$0x0], $0xffff;
	v13 =	vor.u32 v1, v29  }
0xed: {  	s0 =	sadd.s32 $0xCD00, s0;
	s1 =	sand.u32 $0x300, s17;
	v14 =	vor.u32 v19, v36;
	v11 =	vadd.f32 v11, v10  }
0xee: {  	s1 =	sadd.s32 s1, s0;
	v17 =	vor.u32 v0, v36;
	v8 =	vadd.f32 v8, v16  }
0xef: {  	v20 =	vor.u32 v1, v35;
	s17 =	simm.s32 $0xCD40;
	[tilespmem:s1+$0x0] =	vst v11  }
0xf0: {  	s20 =	simm.s32 $0x180;
	[tilespmem:s17+$0xFFFFFFC0] =	vst v8;
	v9 =	vld.idx.msk [tilespmem:v9+s14+$0x0], $0xffff  }
0xf1: {  	s3 =	sand.u32 $0x380, s20;
	v8 =	vadd.f32 v12, v15;
	v11 =	vld.idx.msk [tilespmem:v13+s14+$0x0], $0xffff  }
0xf2: {  	s15 =	sadd.s32 s3, s0;
	v18 =	vld.idx.msk [tilespmem:v14+s12+$0x0], $0xffff  }
0xf3: {  	s22 =	simm.s32 $0x4;
	v12 =	vld.idx.msk [tilespmem:v17+s14+$0x0], $0xffff;
	v14 =	vor.u32 v2, v32;
	[tilespmem:s15+$0x0] =	vst v8  }
0xf4: {  	s23 =	simm.s32 $0x6;
	v17 =	vor.u32 v2, v29;
	v13 =	vmov s22;
	v8 =	vor.u32 v1, v36;
	v21 =	vld.idx.msk [tilespmem:v20+s14+$0x0], $0xffff  }
0xf5: {  	v13 =	vand.u32 $0x1C, v13;
	v20 =	vmov s23;
	v9 =	vadd.f32 v9, v10  }
0xf6: {  	v22 =	vand.u32 $0x1E, v20;
	v20 =	vbroadcast v13, $0x0;
	v11 =	vadd.f32 v11, v16  }
0xf7: {  	s25 =	simm.s32 $0x80;
	v13 =	vbroadcast v22, $0x0;
	[tilespmem:s1+$0x10] =	vst v9;
	v9 =	vor.u32 v2, v35  }
0xf8: {  	s2 =	simm.s32 $0x7;
	s3 =	sand.u32 $0x280, s25;
	v12 =	vadd.f32 v12, v18;
	v22 =	vor.u32 v0, v20;
	[tilespmem:s17+$0xFFFFFFD0] =	vst v11;
	v14 =	vld.idx.msk [tilespmem:v14+s14+$0x0], $0xffff  }
0xf9: {  	s6 =	sor.u32 s3, s0;
	v23 =	vor.u32 v19, v13;
	v11 =	vmov s2;
	v21 =	vadd.f32 v21, v15;
	v17 =	vld.idx.msk [tilespmem:v17+s14+$0x0], $0xffff  }
0xfa: {  	[tilespmem:s6+$0x0] =	vst v12;
	v12 =	vor.u32 v0, v13;
	v11 =	vand.u32 $0x1F, v11  }
0xfb: {  	v28 =	vor.u32 v19, v20;
	v25 =	vld.idx.msk [tilespmem:v8+s14+$0x0], $0xffff;
	v11 =	vbroadcast v11, $0x0;
	[tilespmem:s15+$0x10] =	vst v21  }
0xfc: {  	s3 =	simm.s32 $0x5;
	v21 =	vld.idx.msk [tilespmem:v9+s14+$0x0], $0xffff;
	v9 =	vor.u32 v3, v29  }
0xfd: {  	v8 =	vmov s3;
	v22 =	vld.idx.msk [tilespmem:v22+s14+$0x0], $0xffff;
	v26 =	vor.u32 v19, v11;
	v27 =	vadd.f32 v14, v10  }
0xfe: {  	v14 =	vand.u32 $0x1D, v8;
	v8 =	vld.idx.msk [tilespmem:v23+s12+$0x0], $0xffff;
	v17 =	vadd.f32 v17, v16;
	v23 =	vor.u32 v0, v11  }
0xff: {  	v24 =	vor.u32 v3, v32;
	v14 =	vbroadcast v14, $0x0;
	[tilespmem:s1+$0x20] =	vst v27;
	v27 =	vld.idx.msk [tilespmem:v12+s14+$0x0], $0xffff  }
0x100: {  	v30 =	vor.u32 v2, v36;
	[tilespmem:s17+$0xFFFFFFE0] =	vst v17;
	v12 =	vld.idx.msk [tilespmem:v28+s12+$0x0], $0xffff  }
0x101: {  	v17 =	vor.u32 v19, v14;
	v31 =	vld.idx.msk [tilespmem:v9+s14+$0x0], $0xffff  }
0x102: {  	s5 =	simm.s32 $0x200;
	v25 =	vadd.f32 v25, v18;
	v9 =	vld.idx.msk [tilespmem:v26+s12+$0x0], $0xffff;
	v26 =	vor.u32 v1, v13  }
0x103: {  	s8 =	simm.s32 $0x300;
	s0 =	sand.u32 $0xC00, s5;
	v47 =	vor.u32 v0, v14;
	v23 =	vld.idx.msk [tilespmem:v23+s14+$0x0], $0xffff  }
0x104: {  	s11 =	sand.u32 $0x300, s8;
	s9 =	sadd.s32 $0xCD00, s0;
	[tilespmem:s6+$0x10] =	vst v25;
	v24 =	vld.idx.msk [tilespmem:v24+s14+$0x0], $0xffff;
	v25 =	vadd.f32 v27, v8;
	v27 =	vor.u32 v4, v29  }
0x105: {  	v48 =	vor.u32 v3, v35;
	s31 =	sadd.s32 s11, s9;
	v30 =	vld.idx.msk [tilespmem:v30+s14+$0x0], $0xffff;
	v21 =	vadd.f32 v21, v15  }
0x106: {  	v49 =	vor.u32 v1, v11;
	v17 =	vld.idx.msk [tilespmem:v17+s12+$0x0], $0xffff;
	[tilespmem:s31+$0x0] =	vst v25;
	v25 =	vadd.f32 v31, v16  }
0x107: {  	s20 =	simm.s32 $0x380;
	[tilespmem:s15+$0x20] =	vst v21;
	v22 =	vadd.f32 v22, v12;
	v31 =	vor.u32 v1, v20;
	v26 =	vld.idx.msk [tilespmem:v26+s14+$0x0], $0xffff  }
0x108: {  	s10 =	simm.s32 $0xCF40;
	s0 =	sand.u32 $0x380, s20;
	v21 =	vor.u32 v3, v36;
	v33 =	vld.idx.msk [tilespmem:v47+s14+$0x0], $0xffff;
	v23 =	vadd.f32 v23, v9;
	[tilespmem:s17+$0xFFFFFFF0] =	vst v25  }
0x109: {  	v50 =	vor.u32 v4, v32;
	s0 =	sadd.s32 s0, s9;
	v24 =	vadd.f32 v24, v10;
	[tilespmem:s10+$0xFFFFFFC0] =	vst v22;
	v25 =	vld.idx.msk [tilespmem:v27+s14+$0x0], $0xffff  }
0x10a: {  	s25 =	simm.s32 $0xB;
	v51 =	vor.u32 v2, v13;
	v27 =	vadd.f32 v30, v18;
	v30 =	vld.idx.msk [tilespmem:v48+s14+$0x0], $0xffff;
	[tilespmem:s0+$0x0] =	vst v23  }
0x10b: {  	v52 =	vor.u32 v5, v29;
	v53 =	vmov s25;
	s22 =	simm.s32 $0x8;
	v28 =	vor.u32 v1, v14;
	[tilespmem:s1+$0x30] =	vst v24;
	v37 =	vld.idx.msk [tilespmem:v49+s14+$0x0], $0xffff  }
0x10c: {  	s23 =	simm.s32 $0x280;
	v55 =	vor.u32 v2, v11;
	v24 =	vmov s22;
	v23 =	vld.idx.msk [tilespmem:v31+s14+$0x0], $0xffff;
	[tilespmem:s6+$0x20] =	vst v27;
	v26 =	vadd.f32 v26, v8  }
0x10d: {  	s3 =	sand.u32 $0x280, s23;
	v24 =	vand.u32 $0x1C, v24;
	v33 =	vadd.f32 v33, v17;
	v31 =	vor.u32 v4, v35;
	v54 =	vld.idx.msk [tilespmem:v21+s14+$0x0], $0xffff  }
0x10e: {  	s5 =	sor.u32 s3, s9;
	v22 =	vor.u32 v4, v36;
	v38 =	vld.idx.msk [tilespmem:v50+s14+$0x0], $0xffff;
	[tilespmem:s31+$0x10] =	vst v26;
	v21 =	vadd.f32 v25, v16;
	v26 =	vbroadcast v24, $0x0  }
0x10f: {  	v56 =	vand.u32 $0x1F, v53;
	s2 =	simm.s32 $0xA;
	v27 =	vor.u32 v2, v20;
	[tilespmem:s5+$0x0] =	vst v33;
	v30 =	vadd.f32 v30, v15;
	v25 =	vld.idx.msk [tilespmem:v51+s14+$0x0], $0xffff  }
0x110: {  	v40 =	vld.idx.msk [tilespmem:v28+s14+$0x0], $0xffff;
	v24 =	vmov s2;
	v37 =	vadd.f32 v37, v9;
	[tilespmem:s17+$0x0] =	vst v21;
	v28 =	vor.u32 v0, v26  }
0x111: {  	v23 =	vadd.f32 v23, v12;
	v21 =	vand.u32 $0x1E, v24;
	v24 =	vbroadcast v56, $0x0;
	[tilespmem:s15+$0x30] =	vst v30;
	v34 =	vld.idx.msk [tilespmem:v52+s14+$0x0], $0xffff  }
0x112: {  	v30 =	vor.u32 v3, v13;
	v57 =	vld.idx.msk [tilespmem:v31+s14+$0x0], $0xffff;
	v41 =	vadd.f32 v54, v18;
	[tilespmem:s0+$0x10] =	vst v37  }
0x113: {  	s8 =	simm.s32 $0x9;
	v21 =	vbroadcast v21, $0x0;
	[tilespmem:s10+$0xFFFFFFD0] =	vst v23;
	v61 =	vor.u32 v19, v24;
	v45 =	vld.idx.msk [tilespmem:v55+s14+$0x0], $0xffff  }
0x114: {  	v23 =	vmov s8;
	v55 =	vor.u32 v0, v24;
	v62 =	vld.idx.msk [tilespmem:v27+s14+$0x0], $0xffff;
	[tilespmem:s6+$0x30] =	vst v41;
	v54 =	vadd.f32 v25, v8  }
0x115: {  	v38 =	vadd.f32 v38, v10;
	v23 =	vand.u32 $0x1D, v23;
	v63 =	vor.u32 v19, v21;
	v59 =	vld.idx.msk [tilespmem:v22+s14+$0x0], $0xffff  }
0x116: {  	v58 =	vor.u32 v5, v35;
	v60 =	vor.u32 v0, v21;
	v25 =	vbroadcast v23, $0x0;
	v48 =	vld.idx.msk [tilespmem:v28+s14+$0x0], $0xffff;
	[tilespmem:s31+$0x20] =	vst v54  }
0x117: {  	v44 =	vor.u32 v3, v14;
	v47 =	vor.u32 v6, v32;
	[tilespmem:s1+$0x40] =	vst v38;
	v51 =	vld.idx.msk [tilespmem:v30+s14+$0x0], $0xffff  }
0x118: {  	v38 =	vor.u32 v7, v36;
	v31 =	vor.u32 v7, v29;
	v49 =	vor.u32 v19, v25;
	v23 =	vld.idx.msk [tilespmem:v61+s12+$0x0], $0xffff  }
0x119: {  	v37 =	vor.u32 v7, v35;
	v39 =	vadd.f32 v57, v15;
	v30 =	vor.u32 v2, v14;
	v53 =	vld.idx.msk [tilespmem:v55+s14+$0x0], $0xffff  }
0x11a: {  	v40 =	vadd.f32 v40, v17;
	v27 =	vor.u32 v7, v20;
	v61 =	vor.u32 v19, v26;
	v22 =	vld.idx.msk [tilespmem:v63+s12+$0x0], $0xffff  }
0x11b: {  	v57 =	vor.u32 v5, v36;
	v56 =	vadd.f32 v62, v12;
	[tilespmem:s15+$0x40] =	vst v39;
	v63 =	vld.idx.msk [tilespmem:v60+s14+$0x0], $0xffff  }
0x11c: {  	[tilespmem:s5+$0x10] =	vst v40;
	v62 =	vor.u32 v5, v32;
	v41 =	vld.idx.msk [tilespmem:v58+s14+$0x0], $0xffff;
	v58 =	vor.u32 v3, v20  }
0x11d: {  	v59 =	vadd.f32 v59, v18;
	[tilespmem:s10+$0xFFFFFFE0] =	vst v56;
	v56 =	vor.u32 v6, v29;
	v29 =	vld.idx.msk [tilespmem:v49+s12+$0x0], $0xffff  }
0x11e: {  	v42 =	vor.u32 v3, v21;
	v50 =	vor.u32 v0, v25;
	v34 =	vadd.f32 v34, v16;
	v40 =	vld.idx.msk [tilespmem:v30+s14+$0x0], $0xffff  }
0x11f: {  	v28 =	vor.u32 v7, v26;
	[tilespmem:s6+$0x40] =	vst v59;
	v30 =	vld.idx.msk [tilespmem:v61+s12+$0x0], $0xffff;
	v61 =	vor.u32 v4, v13  }
0x120: {  	s9 =	simm.s32 $0x400;
	v33 =	vor.u32 v1, v25;
	v60 =	vadd.f32 v45, v9;
	[tilespmem:s17+$0x10] =	vst v34;
	v43 =	vld.idx.msk [tilespmem:v57+s14+$0x0], $0xffff  }
0x121: {  	s11 =	simm.s32 $0x500;
	s3 =	sand.u32 $0xC00, s9;
	v34 =	vor.u32 v7, v32;
	v45 =	vor.u32 v1, v21;
	v51 =	vadd.f32 v51, v8;
	v54 =	vld.idx.msk [tilespmem:v62+s14+$0x0], $0xffff  }
0x122: {  	s20 =	sand.u32 $0x300, s11;
	s22 =	sadd.s32 $0xCD00, s3;
	[tilespmem:s0+$0x20] =	vst v60;
	v49 =	vor.u32 v6, v35;
	v62 =	vadd.f32 v63, v22;
	v55 =	vld.idx.msk [tilespmem:v58+s14+$0x0], $0xffff  }
0x123: {  	s3 =	sadd.s32 s20, s22;
	v60 =	vor.u32 v6, v36;
	v41 =	vadd.f32 v41, v15;
	[tilespmem:s31+$0x30] =	vst v51;
	v51 =	vld.idx.msk [tilespmem:v50+s14+$0x0], $0xffff  }
0x124: {  	[tilespmem:s3+$0x0] =	vst v62;
	v63 =	vadd.f32 v40, v17;
	v32 =	vld.idx.msk [tilespmem:v61+s14+$0x0], $0xffff;
	v61 =	vor.u32 v3, v11  }
0x125: {  	v57 =	vor.u32 v4, v20;
	v52 =	vld.idx.msk [tilespmem:v56+s14+$0x0], $0xffff;
	[tilespmem:s15+$0x50] =	vst v41;
	v62 =	vadd.f32 v43, v18  }
0x126: {  	v39 =	vor.u32 v1, v24;
	v46 =	vld.idx.msk [tilespmem:v45+s14+$0x0], $0xffff;
	v54 =	vadd.f32 v54, v10;
	[tilespmem:s5+$0x20] =	vst v63  }
0x127: {  	v36 =	vor.u32 v5, v20;
	v45 =	vld.idx.msk [tilespmem:v49+s14+$0x0], $0xffff;
	v63 =	vadd.f32 v55, v12;
	[tilespmem:s6+$0x50] =	vst v62  }
0x128: {  	s25 =	simm.s32 $0x580;
	v35 =	vor.u32 v4, v14;
	v41 =	vor.u32 v2, v21;
	v43 =	vld.idx.msk [tilespmem:v60+s14+$0x0], $0xffff;
	[tilespmem:s1+$0x50] =	vst v54  }
0x129: {  	s23 =	sand.u32 $0x380, s25;
	v48 =	vadd.f32 v48, v30;
	v54 =	vor.u32 v1, v26;
	[tilespmem:s10+$0xFFFFFFF0] =	vst v63;
	v50 =	vld.idx.msk [tilespmem:v61+s14+$0x0], $0xffff  }
0x12a: {  	s9 =	simm.s32 $0xC;
	s11 =	sadd.s32 s23, s22;
	s8 =	simm.s32 $0xD140;
	v40 =	vor.u32 v4, v11;
	v49 =	vor.u32 v2, v26;
	v55 =	vadd.f32 v53, v23;
	v53 =	vld.idx.msk [tilespmem:v57+s14+$0x0], $0xffff  }
.LBB2_5:
0x12b: {  	v56 =	vmov s9;
	s23 =	sadd.s32 $0x1, s9;
	s2 =	sadd.s32 $0x2, s9;
	s20 =	sadd.s32 $0x3, s9;
	[tilespmem:s8+$0xFFFFFFC0] =	vst v48;
	v48 =	vadd.f32 v51, v29;
	v46 =	vadd.f32 v46, v22;
	v47 =	vld.idx.msk [tilespmem:v47+s14+$0x0], $0xffff  }
0x12c: {  	p1 =	slt.u32 s9, $0x1C;
	s9 =	sadd.s32 $0x4, s9;
	v52 =	vadd.f32 v52, v16;
	v51 =	vmov s23;
	v57 =	vmov s20;
	s20 =	sadd.s32 $0xFFFFFF00, s25;
	[tilespmem:s11+$0x0] =	vst v55;
	v55 =	vld.idx.msk [tilespmem:v44+s14+$0x0], $0xffff  }
0x12d: {  	v44 =	vand.u32 $0x1D, v51;
	v51 =	vmov s2;
	s2 =	sand.u32 $0x280, s20;
	[tilespmem:s3+$0x10] =	vst v46;
	v39 =	vld.idx.msk [tilespmem:v39+s14+$0x0], $0xffff;
	v46 =	vadd.f32 v45, v15  }
0x12e: {  	v45 =	vand.u32 $0x1F, v57;
	v44 =	vbroadcast v44, $0x0;
	v54 =	vld.idx.msk [tilespmem:v54+s14+$0x0], $0xffff;
	s22 =	sor.u32 s2, s22;
	[tilespmem:s17+$0x20] =	vst v52;
	v52 =	vadd.f32 v43, v18  }
0x12f: {  	v56 =	vand.u32 $0x1C, v56;
	v43 =	vand.u32 $0x1E, v51;
	v45 =	vbroadcast v45, $0x0;
	[tilespmem:s22+$0x0] =	vst v48;
	v51 =	vld.idx.msk [tilespmem:v41+s14+$0x0], $0xffff  }
0x130: {  	v43 =	vbroadcast v43, $0x0;
	v53 =	vadd.f32 v53, v12;
	v48 =	vor.u32 v19, v44;
	v57 =	vld.idx.msk [tilespmem:v31+s14+$0x0], $0xffff;
	[tilespmem:s15+$0x60] =	vst v46  }
0x131: {  	v41 =	vbroadcast v56, $0x0;
	v46 =	vor.u32 v0, v44;
	v56 =	vld.idx.msk [tilespmem:v33+s14+$0x0], $0xffff;
	[tilespmem:s6+$0x60] =	vst v52;
	v33 =	vadd.f32 v47, v10  }
0x132: {  	v50 =	vadd.f32 v50, v9;
	v31 =	vmov v27;
	v47 =	vadd.f32 v55, v17;
	[tilespmem:s10+$0x0] =	vst v53;
	v38 =	vld.idx.msk [tilespmem:v38+s14+$0x0], $0xffff  }
0x133: {  	v27 =	vmov v28;
	v52 =	vor.u32 v19, v43;
	v53 =	vor.u32 v2, v24;
	[tilespmem:s1+$0x60] =	vst v33;
	v33 =	vld.idx.msk [tilespmem:v37+s14+$0x0], $0xffff  }
0x134: {  	v55 =	vor.u32 v19, v45;
	v37 =	vor.u32 v0, v41;
	v28 =	vadd.f32 v54, v30;
	v36 =	vld.idx.msk [tilespmem:v36+s14+$0x0], $0xffff  }
0x135: {  	v39 =	vadd.f32 v39, v23;
	v54 =	vor.u32 v0, v45;
	[tilespmem:s0+$0x30] =	vst v50;
	v34 =	vld.idx.msk [tilespmem:v34+s14+$0x0], $0xffff  }
0x136: {  	v50 =	vadd.f32 v51, v22;
	v51 =	vadd.f32 v57, v16;
	v16 =	vmov v12;
	[tilespmem:s8+$0xFFFFFFD0] =	vst v28;
	v40 =	vld.idx.msk [tilespmem:v40+s14+$0x0], $0xffff  }
0x137: {  	v57 =	vor.u32 v0, v43;
	v12 =	vmov v30;
	v28 =	vor.u32 v7, v41;
	v49 =	vld.idx.msk [tilespmem:v49+s14+$0x0], $0xffff;
	[tilespmem:s11+$0x10] =	vst v39  }
0x138: {  	v38 =	vadd.f32 v38, v18;
	v18 =	vmov v17;
	v30 =	vld.idx.msk [tilespmem:v53+s14+$0x0], $0xffff;
	v53 =	vor.u32 v5, v11;
	[tilespmem:s17+$0x30] =	vst v51;
	s17 =	smov.u32 s10;
	s10 =	smov.u32 s8  }
0x139: {  	s25 =	sadd.s32 $0x200, s25;
	v17 =	vadd.f32 v33, v15;
	v15 =	vmov v9;
	v51 =	vld.idx.msk [tilespmem:v37+s14+$0x0], $0xffff;
	v37 =	vor.u32 v2, v25;
	[tilespmem:s5+$0x30] =	vst v47  }
0x13a: {  	v32 =	vadd.f32 v32, v8;
	v33 =	vor.u32 v1, v44;
	v9 =	vmov v23;
	[tilespmem:s3+$0x20] =	vst v50;
	v35 =	vld.idx.msk [tilespmem:v35+s14+$0x0], $0xffff  }
0x13b: {  	v47 =	vadd.f32 v56, v29;
	v34 =	vadd.f32 v34, v10;
	v10 =	vmov v8;
	v42 =	vld.idx.msk [tilespmem:v42+s14+$0x0], $0xffff;
	[tilespmem:s6+$0x70] =	vst v38;
	s6 =	smov.u32 s5;
	s5 =	smov.u32 s22  }
0x13c: {  	v8 =	vmov v22;
	v38 =	vor.u32 v19, v41;
	v40 =	vadd.f32 v40, v15;
	v23 =	vld.idx.msk [tilespmem:v55+s12+$0x0], $0xffff;
	[tilespmem:s15+$0x70] =	vst v17;
	s15 =	smov.u32 s0;
	s0 =	smov.u32 s11  }
0x13d: {  	v50 =	vor.u32 v5, v14;
	v49 =	vadd.f32 v49, v12;
	v17 =	vmov v29;
	v22 =	vld.idx.msk [tilespmem:v52+s12+$0x0], $0xffff;
	[tilespmem:s1+$0x70] =	vst v34;
	s1 =	smov.u32 s31;
	s31 =	smov.u32 s3  }
0x13e: {  	v39 =	vor.u32 v1, v45;
	v52 =	vadd.f32 v30, v9;
	v55 =	vld.idx.msk [tilespmem:v54+s14+$0x0], $0xffff;
	[tilespmem:s15+$0x40] =	vst v40  }
0x13f: {  	v29 =	vor.u32 v5, v13;
	[tilespmem:s8+$0xFFFFFFE0] =	vst v49;
	v40 =	vld.idx.msk [tilespmem:v53+s14+$0x0], $0xffff  }
0x140: {  	v53 =	vor.u32 v3, v26;
	v34 =	vadd.f32 v35, v18;
	v49 =	vld.idx.msk [tilespmem:v57+s14+$0x0], $0xffff;
	[tilespmem:s5+$0x10] =	vst v47  }
0x141: {  	v36 =	vadd.f32 v36, v16;
	v35 =	vld.idx.msk [tilespmem:v37+s14+$0x0], $0xffff;
	[tilespmem:s1+$0x40] =	vst v32  }
0x142: {  	v32 =	vor.u32 v4, v21;
	v30 =	vld.idx.msk [tilespmem:v38+s12+$0x0], $0xffff;
	[tilespmem:s6+$0x40] =	vst v34  }
0x143: {  	v37 =	vor.u32 v7, v11;
	v34 =	vor.u32 v7, v13;
	[tilespmem:s17+$0x10] =	vst v36;
	v36 =	vld.idx.msk [tilespmem:v50+s14+$0x0], $0xffff  }
0x144: {  	s2 =	sadd.s32 $0xFFFFFE80, s25;
	v42 =	vadd.f32 v42, v8;
	v38 =	vor.u32 v7, v14;
	v50 =	vor.u32 v1, v43;
	v54 =	vld.idx.msk [tilespmem:v29+s14+$0x0], $0xffff  }
0x145: {  	v20 =	vor.u32 v6, v20;
	s2 =	sand.u32 $0xC00, s2;
	s3 =	sadd.s32 $0xFFFFFF80, s25;
	v47 =	vor.u32 v6, v13;
	v13 =	vadd.f32 v40, v15;
	v53 =	vld.idx.msk [tilespmem:v53+s14+$0x0], $0xffff  }
0x146: {  	s22 =	sadd.s32 $0xCD00, s2;
	s11 =	sand.u32 $0x380, s25;
	s2 =	sand.u32 $0x300, s3;
	v40 =	vadd.f32 v49, v22;
	v29 =	vld.idx.msk [tilespmem:v48+s12+$0x0], $0xffff;
	[tilespmem:s31+$0x30] =	vst v42;
	v42 =	vor.u32 v6, v11;
	v11 =	vmov v24  }
0x147: {  	s11 =	sadd.s32 s11, s22;
	s3 =	sadd.s32 s2, s22;
	v49 =	vor.u32 v6, v14;
	v14 =	vmov v25;
	v35 =	vadd.f32 v35, v17;
	v32 =	vld.idx.msk [tilespmem:v32+s14+$0x0], $0xffff;
	[tilespmem:s0+$0x20] =	vst v52  }
0x148: {  	s8 =	sadd.s32 $0x200, s8;
	v25 =	vmov v44;
	v48 =	vadd.f32 v51, v30;
	v56 =	vor.u32 v3, v11;
	v51 =	vld.idx.msk [tilespmem:v46+s14+$0x0], $0xffff;
	[tilespmem:s3+$0x0] =	vst v40  }
0x149: {  	v57 =	vor.u32 v4, v26;
	v24 =	vmov v45;
	v36 =	vadd.f32 v36, v18;
	v46 =	vld.idx.msk [tilespmem:v50+s14+$0x0], $0xffff;
	[tilespmem:s5+$0x20] =	vst v35  }
.Ltmp3:
0x14a: {  	v35 =	vor.u32 v4, v14;
	v54 =	vadd.f32 v54, v10;
	v52 =	vld.idx.msk [tilespmem:v20+s14+$0x0], $0xffff;
	[tilespmem:s15+$0x50] =	vst v13;
	v13 =	vmov v21;
	(pc) =	sbr.rel @p1 .LBB2_5-.Ltmp3, $4  }
0x14b: {  	v44 =	vor.u32 v3, v14;
	v50 =	vadd.f32 v53, v12;
	v21 =	vmov v43;
	[tilespmem:s6+$0x50] =	vst v36;
	v45 =	vld.idx.msk [tilespmem:v42+s14+$0x0], $0xffff  }
0x14c: {  	v40 =	vor.u32 v4, v11;
	v20 =	vmov v26;
	v36 =	vor.u32 v5, v26;
	v43 =	vld.idx.msk [tilespmem:v49+s14+$0x0], $0xffff;
	[tilespmem:s1+$0x50] =	vst v54  }
0x14d: {  	v55 =	vadd.f32 v55, v23;
	v26 =	vmov v41;
	v54 =	vor.u32 v1, v41;
	[tilespmem:s10+$0xFFFFFFF0] =	vst v50;
	v50 =	vld.idx.msk [tilespmem:v56+s14+$0x0], $0xffff  }
0x14e: {  	v42 =	vor.u32 v3, v21;
	v49 =	vor.u32 v2, v26;
	v41 =	vor.u32 v2, v21;
	v53 =	vld.idx.msk [tilespmem:v57+s14+$0x0], $0xffff  }
0x14f: {  	_ = 	snop  }
0x150: {  	s2 =	sadd.s32 $0xFFFFFF00, s25  }
0x151: {  	v19 =	vadd.f32 v51, v29;
	s2 =	sand.u32 $0x280, s2  }
0x152: {  	[tilespmem:s8+$0xFFFFFFC0] =	vst v48;
	s9 =	sor.u32 s2, s22  }
0x153: {  	v48 =	vld.idx.msk [tilespmem:v54+s14+$0x0], $0xffff;
	[tilespmem:s9+$0x0] =	vst v19  }
0x154: {  	[tilespmem:s11+$0x0] =	vst v55;
	v19 =	vld.idx.msk [tilespmem:v33+s14+$0x0], $0xffff  }
0x155: {  	v57 =	vld.idx.msk [tilespmem:v39+s14+$0x0], $0xffff  }
0x156: {  	v58 =	vadd.f32 v46, v22  }
0x157: {  	v59 =	vadd.f32 v52, v16;
	v60 =	vor.u32 v2, v25  }
0x158: {  	v61 =	vor.u32 v2, v24;
	[tilespmem:s3+$0x10] =	vst v58;
	v48 =	vadd.f32 v48, v30  }
0x159: {  	v47 =	vld.idx.msk [tilespmem:v47+s14+$0x0], $0xffff;
	[tilespmem:s17+$0x20] =	vst v59;
	v19 =	vadd.f32 v19, v29  }
0x15a: {  	v44 =	vld.idx.msk [tilespmem:v44+s14+$0x0], $0xffff;
	v33 =	vadd.f32 v57, v23;
	[tilespmem:s8+$0xFFFFFFD0] =	vst v48  }
0x15b: {  	v45 =	vadd.f32 v45, v15;
	v62 =	vld.idx.msk [tilespmem:v49+s14+$0x0], $0xffff;
	[tilespmem:s9+$0x10] =	vst v19  }
0x15c: {  	[tilespmem:s11+$0x10] =	vst v33;
	v19 =	vadd.f32 v43, v18;
	v63 =	vld.idx.msk [tilespmem:v60+s14+$0x0], $0xffff  }
0x15d: {  	[tilespmem:s15+$0x60] =	vst v45;
	v50 =	vadd.f32 v50, v9;
	v39 =	vld.idx.msk [tilespmem:v61+s14+$0x0], $0xffff  }
0x15e: {  	v41 =	vld.idx.msk [tilespmem:v41+s14+$0x0], $0xffff;
	v49 =	vor.u32 v3, v26;
	[tilespmem:s6+$0x60] =	vst v19;
	v19 =	vadd.f32 v47, v10  }
0x15f: {  	v51 =	vor.u32 v3, v25;
	v31 =	vld.idx.msk [tilespmem:v31+s14+$0x0], $0xffff;
	[tilespmem:s0+$0x30] =	vst v50;
	v54 =	vadd.f32 v44, v17  }
0x160: {  	v52 =	vor.u32 v3, v24;
	[tilespmem:s1+$0x60] =	vst v19;
	v19 =	vadd.f32 v62, v30  }
0x161: {  	[tilespmem:s5+$0x30] =	vst v54;
	v38 =	vld.idx.msk [tilespmem:v38+s14+$0x0], $0xffff;
	v33 =	vadd.f32 v63, v29  }
0x162: {  	v37 =	vld.idx.msk [tilespmem:v37+s14+$0x0], $0xffff;
	v39 =	vadd.f32 v39, v23;
	[tilespmem:s8+$0xFFFFFFE0] =	vst v19  }
0x163: {  	v48 =	vadd.f32 v53, v12;
	v19 =	vadd.f32 v41, v22;
	v53 =	vld.idx.msk [tilespmem:v49+s14+$0x0], $0xffff;
	[tilespmem:s9+$0x20] =	vst v33  }
0x164: {  	v16 =	vadd.f32 v31, v16;
	[tilespmem:s11+$0x20] =	vst v39;
	v31 =	vld.idx.msk [tilespmem:v51+s14+$0x0], $0xffff  }
0x165: {  	[tilespmem:s3+$0x20] =	vst v19;
	v19 =	vld.idx.msk [tilespmem:v52+s14+$0x0], $0xffff  }
0x166: {  	v55 =	vor.u32 v4, v26;
	[tilespmem:s17+$0x30] =	vst v16;
	v16 =	vadd.f32 v38, v18;
	v18 =	vld.idx.msk [tilespmem:v42+s14+$0x0], $0xffff  }
0x167: {  	v56 =	vor.u32 v4, v25;
	v15 =	vadd.f32 v37, v15;
	[tilespmem:s10+$0x0] =	vst v48;
	v34 =	vld.idx.msk [tilespmem:v34+s14+$0x0], $0xffff  }
0x168: {  	v57 =	vor.u32 v4, v24;
	v35 =	vld.idx.msk [tilespmem:v35+s14+$0x0], $0xffff;
	[tilespmem:s6+$0x70] =	vst v16;
	v16 =	vadd.f32 v53, v30  }
0x169: {  	v58 =	vld.idx.msk [tilespmem:v40+s14+$0x0], $0xffff;
	[tilespmem:s15+$0x70] =	vst v15;
	v15 =	vor.u32 v4, v21;
	v31 =	vadd.f32 v31, v29  }
0x16a: {  	[tilespmem:s8+$0xFFFFFFF0] =	vst v16;
	v16 =	vadd.f32 v19, v23  }
0x16b: {  	v19 =	vor.u32 v5, v14;
	v18 =	vadd.f32 v18, v22;
	v38 =	vld.idx.msk [tilespmem:v55+s14+$0x0], $0xffff;
	[tilespmem:s9+$0x30] =	vst v31  }
0x16c: {  	v10 =	vadd.f32 v34, v10;
	v31 =	vor.u32 v5, v11;
	[tilespmem:s11+$0x30] =	vst v16;
	v16 =	vld.idx.msk [tilespmem:v56+s14+$0x0], $0xffff  }
0x16d: {  	v59 =	vor.u32 v5, v13;
	v60 =	vadd.f32 v35, v17;
	[tilespmem:s3+$0x30] =	vst v18;
	v18 =	vld.idx.msk [tilespmem:v57+s14+$0x0], $0xffff  }
0x16e: {  	v61 =	vadd.f32 v58, v9;
	[tilespmem:s1+$0x70] =	vst v10;
	v10 =	vld.idx.msk [tilespmem:v15+s14+$0x0], $0xffff;
	v15 =	vor.u32 v5, v26  }
0x16f: {  	v32 =	vadd.f32 v32, v8;
	v36 =	vld.idx.msk [tilespmem:v36+s14+$0x0], $0xffff;
	[tilespmem:s5+$0x40] =	vst v60;
	v62 =	vor.u32 v5, v25  }
0x170: {  	v40 =	vor.u32 v5, v24;
	[tilespmem:s0+$0x40] =	vst v61;
	v19 =	vld.idx.msk [tilespmem:v19+s14+$0x0], $0xffff;
	v63 =	vadd.f32 v38, v30  }
0x171: {  	[tilespmem:s31+$0x40] =	vst v32;
	v41 =	vor.u32 v5, v21;
	v31 =	vld.idx.msk [tilespmem:v31+s14+$0x0], $0xffff;
	v16 =	vadd.f32 v16, v29  }
0x172: {  	v20 =	vor.u32 v6, v20;
	v33 =	vld.idx.msk [tilespmem:v59+s14+$0x0], $0xffff;
	[tilespmem:s8+$0x0] =	vst v63;
	v18 =	vadd.f32 v18, v23  }
0x173: {  	v42 =	vor.u32 v6, v14;
	v10 =	vadd.f32 v10, v22;
	v15 =	vld.idx.msk [tilespmem:v15+s14+$0x0], $0xffff;
	[tilespmem:s9+$0x40] =	vst v16  }
0x174: {  	v43 =	vor.u32 v6, v11;
	v16 =	vadd.f32 v36, v12;
	[tilespmem:s11+$0x40] =	vst v18;
	v18 =	vld.idx.msk [tilespmem:v62+s14+$0x0], $0xffff  }
0x175: {  	v44 =	vor.u32 v6, v13;
	v19 =	vadd.f32 v19, v17;
	[tilespmem:s3+$0x40] =	vst v10;
	v37 =	vld.idx.msk [tilespmem:v40+s14+$0x0], $0xffff  }
0x176: {  	v26 =	vor.u32 v6, v26;
	[tilespmem:s10+$0x10] =	vst v16;
	v10 =	vadd.f32 v31, v9;
	v16 =	vld.idx.msk [tilespmem:v41+s14+$0x0], $0xffff  }
0x177: {  	v31 =	vadd.f32 v33, v8;
	[tilespmem:s5+$0x50] =	vst v19;
	v19 =	vor.u32 v6, v25;
	v20 =	vld.idx.msk [tilespmem:v20+s14+$0x0], $0xffff  }
0x178: {  	v45 =	vor.u32 v6, v24;
	[tilespmem:s0+$0x50] =	vst v10;
	v10 =	vld.idx.msk [tilespmem:v42+s14+$0x0], $0xffff;
	v15 =	vadd.f32 v15, v30  }
0x179: {  	[tilespmem:s31+$0x50] =	vst v31;
	v31 =	vor.u32 v6, v21;
	v46 =	vld.idx.msk [tilespmem:v43+s14+$0x0], $0xffff;
	v18 =	vadd.f32 v18, v29  }
0x17a: {  	v34 =	vld.idx.msk [tilespmem:v44+s14+$0x0], $0xffff;
	[tilespmem:s8+$0x10] =	vst v15;
	v15 =	vadd.f32 v37, v23  }
0x17b: {  	v14 =	vor.u32 v7, v14;
	v26 =	vld.idx.msk [tilespmem:v26+s14+$0x0], $0xffff;
	v16 =	vadd.f32 v16, v22;
	[tilespmem:s9+$0x50] =	vst v18  }
0x17c: {  	v11 =	vor.u32 v7, v11;
	v18 =	vadd.f32 v20, v12;
	[tilespmem:s11+$0x50] =	vst v15;
	v15 =	vld.idx.msk [tilespmem:v19+s14+$0x0], $0xffff  }
0x17d: {  	v13 =	vor.u32 v7, v13;
	v10 =	vadd.f32 v10, v17;
	v19 =	vld.idx.msk [tilespmem:v45+s14+$0x0], $0xffff;
	[tilespmem:s3+$0x50] =	vst v16  }
0x17e: {  	v16 =	vadd.f32 v46, v9;
	[tilespmem:s10+$0x20] =	vst v18;
	v18 =	vld.idx.msk [tilespmem:v31+s14+$0x0], $0xffff  }
0x17f: {  	v25 =	vor.u32 v7, v25;
	v20 =	vld.idx.msk [tilespmem:v27+s14+$0x0], $0xffff;
	[tilespmem:s5+$0x60] =	vst v10;
	v10 =	vadd.f32 v34, v8  }
0x180: {  	[tilespmem:s0+$0x60] =	vst v16;
	v14 =	vld.idx.msk [tilespmem:v14+s14+$0x0], $0xffff;
	v16 =	vor.u32 v7, v24;
	v24 =	vadd.f32 v26, v30  }
0x181: {  	[tilespmem:s31+$0x60] =	vst v10;
	v10 =	vld.idx.msk [tilespmem:v11+s14+$0x0], $0xffff;
	v11 =	vor.u32 v7, v21;
	v15 =	vadd.f32 v15, v29  }
0x182: {  	v13 =	vld.idx.msk [tilespmem:v13+s14+$0x0], $0xffff;
	v19 =	vadd.f32 v19, v23;
	[tilespmem:s8+$0x20] =	vst v24  }
0x183: {  	v21 =	vld.idx.msk [tilespmem:v28+s14+$0x0], $0xffff;
	[tilespmem:s9+$0x60] =	vst v15;
	v15 =	vadd.f32 v18, v22  }
0x184: {  	v12 =	vadd.f32 v20, v12;
	[tilespmem:s11+$0x60] =	vst v19;
	v18 =	vld.idx.msk [tilespmem:v25+s14+$0x0], $0xffff  }
0x185: {  	v14 =	vadd.f32 v14, v17;
	[tilespmem:s3+$0x60] =	vst v15;
	v15 =	vld.idx.msk [tilespmem:v16+s14+$0x0], $0xffff  }
0x186: {  	[tilespmem:s10+$0x30] =	vst v12;
	v9 =	vadd.f32 v10, v9;
	v10 =	vld.idx.msk [tilespmem:v11+s14+$0x0], $0xffff  }
0x187: {  	[tilespmem:s5+$0x70] =	vst v14;
	v8 =	vadd.f32 v13, v8  }
0x188: {  	[tilespmem:s0+$0x70] =	vst v9;
	v9 =	vadd.f32 v21, v30  }
0x189: {  	[tilespmem:s31+$0x70] =	vst v8;
	v8 =	vadd.f32 v18, v29  }
0x18a: {  	s17 =	sshll.u32 s30, $0x11;
	[tilespmem:s8+$0x30] =	vst v9;
	v9 =	vadd.f32 v15, v23  }
0x18b: {  	s20 =	rddreg [dreg:$0x1];
	s23 =	simm.s32 $0xCD00;
	s0 =	sor.u32 s7, s17;
	[tilespmem:s9+$0x70] =	vst v8;
	v8 =	vadd.f32 v10, v22  }
0x18c: {  	s25 =	simm.s32 $0x0;
	s22 =	simm.s32 $0x400;
	s0 =	sshrl.u32 s0, $0x3;
	[tilespmem:s11+$0x70] =	vst v9  }
0x18d: {  	s2 =	simm.s32 @!p0 $0x80;
	s5 =	simm.s32 $0x2;
	s0 =	sadd.s32 s20, s0;
	[tilespmem:s3+$0x70] =	vst v8  }
0x18e: {  	v8 =	vmov s25;
	[hbm4b:s0+s22] =	stream.strided.scatter [tilespmem:s23], [sflag:$0x2], $0x1000, s21, s22, $0x38;
	[tilespmem:$0xDD00] =	vst v63  }
0x18f: {  	s30 =	sor.u32 $0x2, s28;
	v9 =	vmov s5;
	s3 =	simm.s32 @!p0 $0x8D00;
	s0 =	sadd.s32 @!p0 $0x280, s29;
	v8 =	vand.u32 $0x1C, v8  }
0x190: {  	v9 =	vand.u32 $0x1E, v9;
	v29 =	vbroadcast v8, $0x0;
	[tilespmem:s3], [sflag:$0x1] =	stream.indirect.gather @!p0 [hbm4b:s4+s2], $0x20, s0, s2, $0xb8;
	[tilespmem:$0xDD00] =	vst v63  }
0x191: {  	s6 =	sshll.u32 s30, $0x5;
	v32 =	vbroadcast v9, $0x0;
	_ =	swait.ge [sflag:s19], $0x1000  }
0x192: {  	v19 =	vmov s6;
	s8 =	simm.s32 $0x3;
	v8 =	vor.u32 v0, v29;
	[sflag:s19] =	ssyncset.done $0x0  }
0x193: {  	v9 =	vmov s8;
	v10 =	vor.u32 v19, v32;
	[sflag:s19] =	ssyncadd.s32 $0xFFFFF000  }
0x194: {  	v9 =	vand.u32 $0x1F, v9;
	v11 =	vor.u32 v0, v32;
	_ =	swait.ge [sflag:s24], $0x1000  }
0x195: {  	v35 =	vbroadcast v9, $0x0;
	v9 =	vor.u32 v19, v29;
	[sflag:s24] =	ssyncset.done $0x0  }
0x196: {  	[sflag:s24] =	ssyncadd.s32 $0xFFFFF000  }
0x197: {  	v12 =	vor.u32 v19, v35;
	v8 =	vld.idx.msk [tilespmem:v8+s16+$0x0], $0xffff  }
0x198: {  	v13 =	vor.u32 v0, v35;
	v10 =	vld.idx.msk [tilespmem:v10+s12+$0x0], $0xffff  }
0x199: {  	s9 =	simm.s32 $0x1;
	v11 =	vld.idx.msk [tilespmem:v11+s16+$0x0], $0xffff  }
0x19a: {  	v14 =	vmov s9;
	v16 =	vld.idx.msk [tilespmem:v9+s12+$0x0], $0xffff  }
0x19b: {  	v9 =	vand.u32 $0x1D, v14  }
0x19c: {  	s10 =	simm.s32 $0x0;
	v15 =	vld.idx.msk [tilespmem:v12+s12+$0x0], $0xffff;
	v36 =	vbroadcast v9, $0x0;
	v9 =	vor.u32 v1, v32  }
0x19d: {  	s11 =	simm.s32 $0x100;
	s0 =	sand.u32 $0xC00, s10;
	v12 =	vld.idx.msk [tilespmem:v13+s16+$0x0], $0xffff;
	v13 =	vor.u32 v1, v29  }
0x19e: {  	s1 =	sand.u32 $0x300, s11;
	s0 =	sadd.s32 $0xBD00, s0;
	v14 =	vor.u32 v19, v36;
	v11 =	vadd.f32 v11, v10  }
0x19f: {  	s1 =	sadd.s32 s1, s0;
	v17 =	vor.u32 v0, v36;
	v8 =	vadd.f32 v8, v16  }
0x1a0: {  	s17 =	simm.s32 $0xBD40;
	v20 =	vor.u32 v1, v35;
	[tilespmem:s1+$0x0] =	vst v11  }
0x1a1: {  	s15 =	simm.s32 $0x180;
	[tilespmem:s17+$0xFFFFFFC0] =	vst v8;
	v9 =	vld.idx.msk [tilespmem:v9+s16+$0x0], $0xffff  }
0x1a2: {  	s2 =	sand.u32 $0x380, s15;
	v8 =	vadd.f32 v12, v15;
	v11 =	vld.idx.msk [tilespmem:v13+s16+$0x0], $0xffff  }
0x1a3: {  	s15 =	sadd.s32 s2, s0;
	v18 =	vld.idx.msk [tilespmem:v14+s12+$0x0], $0xffff  }
0x1a4: {  	s20 =	simm.s32 $0x4;
	v12 =	vld.idx.msk [tilespmem:v17+s16+$0x0], $0xffff;
	v14 =	vor.u32 v2, v32;
	[tilespmem:s15+$0x0] =	vst v8  }
0x1a5: {  	s22 =	simm.s32 $0x6;
	v17 =	vor.u32 v2, v29;
	v13 =	vmov s20;
	v8 =	vor.u32 v1, v36;
	v21 =	vld.idx.msk [tilespmem:v20+s16+$0x0], $0xffff  }
0x1a6: {  	v13 =	vand.u32 $0x1C, v13;
	v20 =	vmov s22;
	v9 =	vadd.f32 v9, v10  }
0x1a7: {  	v22 =	vand.u32 $0x1E, v20;
	v20 =	vbroadcast v13, $0x0;
	v11 =	vadd.f32 v11, v16  }
0x1a8: {  	s23 =	simm.s32 $0x80;
	v13 =	vbroadcast v22, $0x0;
	[tilespmem:s1+$0x10] =	vst v9;
	v9 =	vor.u32 v2, v35  }
0x1a9: {  	s25 =	simm.s32 $0x7;
	s2 =	sand.u32 $0x280, s23;
	v12 =	vadd.f32 v12, v18;
	v22 =	vor.u32 v0, v20;
	[tilespmem:s17+$0xFFFFFFD0] =	vst v11;
	v14 =	vld.idx.msk [tilespmem:v14+s16+$0x0], $0xffff  }
0x1aa: {  	s6 =	sor.u32 s2, s0;
	v23 =	vor.u32 v19, v13;
	v11 =	vmov s25;
	v21 =	vadd.f32 v21, v15;
	v17 =	vld.idx.msk [tilespmem:v17+s16+$0x0], $0xffff  }
0x1ab: {  	[tilespmem:s6+$0x0] =	vst v12;
	v12 =	vor.u32 v0, v13;
	v11 =	vand.u32 $0x1F, v11  }
0x1ac: {  	v28 =	vor.u32 v19, v20;
	v25 =	vld.idx.msk [tilespmem:v8+s16+$0x0], $0xffff;
	v11 =	vbroadcast v11, $0x0;
	[tilespmem:s15+$0x10] =	vst v21  }
0x1ad: {  	s3 =	simm.s32 $0x5;
	v21 =	vld.idx.msk [tilespmem:v9+s16+$0x0], $0xffff;
	v9 =	vor.u32 v3, v29  }
0x1ae: {  	v8 =	vmov s3;
	v22 =	vld.idx.msk [tilespmem:v22+s16+$0x0], $0xffff;
	v26 =	vor.u32 v19, v11;
	v27 =	vadd.f32 v14, v10  }
0x1af: {  	v14 =	vand.u32 $0x1D, v8;
	v8 =	vld.idx.msk [tilespmem:v23+s12+$0x0], $0xffff;
	v17 =	vadd.f32 v17, v16;
	v23 =	vor.u32 v0, v11  }
0x1b0: {  	v24 =	vor.u32 v3, v32;
	v14 =	vbroadcast v14, $0x0;
	[tilespmem:s1+$0x20] =	vst v27;
	v27 =	vld.idx.msk [tilespmem:v12+s16+$0x0], $0xffff  }
0x1b1: {  	v30 =	vor.u32 v2, v36;
	[tilespmem:s17+$0xFFFFFFE0] =	vst v17;
	v12 =	vld.idx.msk [tilespmem:v28+s12+$0x0], $0xffff  }
0x1b2: {  	v17 =	vor.u32 v19, v14;
	v31 =	vld.idx.msk [tilespmem:v9+s16+$0x0], $0xffff  }
0x1b3: {  	s5 =	simm.s32 $0x200;
	v25 =	vadd.f32 v25, v18;
	v9 =	vld.idx.msk [tilespmem:v26+s12+$0x0], $0xffff;
	v26 =	vor.u32 v1, v13  }
0x1b4: {  	s8 =	simm.s32 $0x300;
	s0 =	sand.u32 $0xC00, s5;
	v47 =	vor.u32 v0, v14;
	v23 =	vld.idx.msk [tilespmem:v23+s16+$0x0], $0xffff  }
0x1b5: {  	s10 =	sand.u32 $0x300, s8;
	s9 =	sadd.s32 $0xBD00, s0;
	[tilespmem:s6+$0x10] =	vst v25;
	v24 =	vld.idx.msk [tilespmem:v24+s16+$0x0], $0xffff;
	v25 =	vadd.f32 v27, v8;
	v27 =	vor.u32 v4, v29  }
0x1b6: {  	v48 =	vor.u32 v3, v35;
	s31 =	sadd.s32 s10, s9;
	v30 =	vld.idx.msk [tilespmem:v30+s16+$0x0], $0xffff;
	v21 =	vadd.f32 v21, v15  }
0x1b7: {  	v49 =	vor.u32 v1, v11;
	v17 =	vld.idx.msk [tilespmem:v17+s12+$0x0], $0xffff;
	[tilespmem:s31+$0x0] =	vst v25;
	v25 =	vadd.f32 v31, v16  }
0x1b8: {  	s11 =	simm.s32 $0x380;
	[tilespmem:s15+$0x20] =	vst v21;
	v22 =	vadd.f32 v22, v12;
	v31 =	vor.u32 v1, v20;
	v26 =	vld.idx.msk [tilespmem:v26+s16+$0x0], $0xffff  }
0x1b9: {  	s0 =	sand.u32 $0x380, s11;
	s10 =	simm.s32 $0xBF40;
	v21 =	vor.u32 v3, v36;
	v33 =	vld.idx.msk [tilespmem:v47+s16+$0x0], $0xffff;
	v23 =	vadd.f32 v23, v9;
	[tilespmem:s17+$0xFFFFFFF0] =	vst v25  }
0x1ba: {  	v50 =	vor.u32 v4, v32;
	s0 =	sadd.s32 s0, s9;
	v24 =	vadd.f32 v24, v10;
	[tilespmem:s10+$0xFFFFFFC0] =	vst v22;
	v25 =	vld.idx.msk [tilespmem:v27+s16+$0x0], $0xffff  }
0x1bb: {  	s23 =	simm.s32 $0xB;
	v51 =	vor.u32 v2, v13;
	v27 =	vadd.f32 v30, v18;
	v30 =	vld.idx.msk [tilespmem:v48+s16+$0x0], $0xffff;
	[tilespmem:s0+$0x0] =	vst v23  }
0x1bc: {  	v52 =	vor.u32 v5, v29;
	v53 =	vmov s23;
	s20 =	simm.s32 $0x8;
	v28 =	vor.u32 v1, v14;
	[tilespmem:s1+$0x30] =	vst v24;
	v37 =	vld.idx.msk [tilespmem:v49+s16+$0x0], $0xffff  }
0x1bd: {  	s22 =	simm.s32 $0x280;
	v55 =	vor.u32 v2, v11;
	v24 =	vmov s20;
	v23 =	vld.idx.msk [tilespmem:v31+s16+$0x0], $0xffff;
	[tilespmem:s6+$0x20] =	vst v27;
	v26 =	vadd.f32 v26, v8  }
0x1be: {  	s2 =	sand.u32 $0x280, s22;
	v24 =	vand.u32 $0x1C, v24;
	v33 =	vadd.f32 v33, v17;
	v31 =	vor.u32 v4, v35;
	v54 =	vld.idx.msk [tilespmem:v21+s16+$0x0], $0xffff  }
0x1bf: {  	s5 =	sor.u32 s2, s9;
	v22 =	vor.u32 v4, v36;
	v38 =	vld.idx.msk [tilespmem:v50+s16+$0x0], $0xffff;
	[tilespmem:s31+$0x10] =	vst v26;
	v21 =	vadd.f32 v25, v16;
	v26 =	vbroadcast v24, $0x0  }
0x1c0: {  	v56 =	vand.u32 $0x1F, v53;
	s25 =	simm.s32 $0xA;
	v27 =	vor.u32 v2, v20;
	[tilespmem:s5+$0x0] =	vst v33;
	v30 =	vadd.f32 v30, v15;
	v25 =	vld.idx.msk [tilespmem:v51+s16+$0x0], $0xffff  }
0x1c1: {  	v40 =	vld.idx.msk [tilespmem:v28+s16+$0x0], $0xffff;
	v24 =	vmov s25;
	v37 =	vadd.f32 v37, v9;
	[tilespmem:s17+$0x0] =	vst v21;
	v28 =	vor.u32 v0, v26  }
0x1c2: {  	v23 =	vadd.f32 v23, v12;
	v21 =	vand.u32 $0x1E, v24;
	v24 =	vbroadcast v56, $0x0;
	[tilespmem:s15+$0x30] =	vst v30;
	v34 =	vld.idx.msk [tilespmem:v52+s16+$0x0], $0xffff  }
0x1c3: {  	v30 =	vor.u32 v3, v13;
	v57 =	vld.idx.msk [tilespmem:v31+s16+$0x0], $0xffff;
	v41 =	vadd.f32 v54, v18;
	[tilespmem:s0+$0x10] =	vst v37  }
0x1c4: {  	s8 =	simm.s32 $0x9;
	v21 =	vbroadcast v21, $0x0;
	[tilespmem:s10+$0xFFFFFFD0] =	vst v23;
	v61 =	vor.u32 v19, v24;
	v45 =	vld.idx.msk [tilespmem:v55+s16+$0x0], $0xffff  }
0x1c5: {  	v23 =	vmov s8;
	v55 =	vor.u32 v0, v24;
	v62 =	vld.idx.msk [tilespmem:v27+s16+$0x0], $0xffff;
	[tilespmem:s6+$0x30] =	vst v41;
	v54 =	vadd.f32 v25, v8  }
0x1c6: {  	v38 =	vadd.f32 v38, v10;
	v23 =	vand.u32 $0x1D, v23;
	v63 =	vor.u32 v19, v21;
	v59 =	vld.idx.msk [tilespmem:v22+s16+$0x0], $0xffff  }
0x1c7: {  	v58 =	vor.u32 v5, v35;
	v60 =	vor.u32 v0, v21;
	v25 =	vbroadcast v23, $0x0;
	v48 =	vld.idx.msk [tilespmem:v28+s16+$0x0], $0xffff;
	[tilespmem:s31+$0x20] =	vst v54  }
0x1c8: {  	v44 =	vor.u32 v3, v14;
	v47 =	vor.u32 v6, v32;
	[tilespmem:s1+$0x40] =	vst v38;
	v51 =	vld.idx.msk [tilespmem:v30+s16+$0x0], $0xffff  }
0x1c9: {  	v38 =	vor.u32 v7, v36;
	v31 =	vor.u32 v7, v29;
	v49 =	vor.u32 v19, v25;
	v23 =	vld.idx.msk [tilespmem:v61+s12+$0x0], $0xffff  }
0x1ca: {  	v37 =	vor.u32 v7, v35;
	v39 =	vadd.f32 v57, v15;
	v30 =	vor.u32 v2, v14;
	v53 =	vld.idx.msk [tilespmem:v55+s16+$0x0], $0xffff  }
0x1cb: {  	v40 =	vadd.f32 v40, v17;
	v27 =	vor.u32 v7, v20;
	v61 =	vor.u32 v19, v26;
	v22 =	vld.idx.msk [tilespmem:v63+s12+$0x0], $0xffff  }
0x1cc: {  	v57 =	vor.u32 v5, v36;
	v56 =	vadd.f32 v62, v12;
	[tilespmem:s15+$0x40] =	vst v39;
	v63 =	vld.idx.msk [tilespmem:v60+s16+$0x0], $0xffff  }
0x1cd: {  	[tilespmem:s5+$0x10] =	vst v40;
	v62 =	vor.u32 v5, v32;
	v41 =	vld.idx.msk [tilespmem:v58+s16+$0x0], $0xffff;
	v58 =	vor.u32 v3, v20  }
0x1ce: {  	v59 =	vadd.f32 v59, v18;
	[tilespmem:s10+$0xFFFFFFE0] =	vst v56;
	v56 =	vor.u32 v6, v29;
	v29 =	vld.idx.msk [tilespmem:v49+s12+$0x0], $0xffff  }
0x1cf: {  	v42 =	vor.u32 v3, v21;
	v50 =	vor.u32 v0, v25;
	v34 =	vadd.f32 v34, v16;
	v40 =	vld.idx.msk [tilespmem:v30+s16+$0x0], $0xffff  }
0x1d0: {  	v28 =	vor.u32 v7, v26;
	[tilespmem:s6+$0x40] =	vst v59;
	v30 =	vld.idx.msk [tilespmem:v61+s12+$0x0], $0xffff;
	v61 =	vor.u32 v4, v13  }
0x1d1: {  	s9 =	simm.s32 $0x400;
	v33 =	vor.u32 v1, v25;
	v60 =	vadd.f32 v45, v9;
	[tilespmem:s17+$0x10] =	vst v34;
	v43 =	vld.idx.msk [tilespmem:v57+s16+$0x0], $0xffff  }
0x1d2: {  	s11 =	simm.s32 $0x500;
	s2 =	sand.u32 $0xC00, s9;
	v34 =	vor.u32 v7, v32;
	v45 =	vor.u32 v1, v21;
	v51 =	vadd.f32 v51, v8;
	v54 =	vld.idx.msk [tilespmem:v62+s16+$0x0], $0xffff  }
0x1d3: {  	s22 =	sadd.s32 $0xBD00, s2;
	s20 =	sand.u32 $0x300, s11;
	[tilespmem:s0+$0x20] =	vst v60;
	v49 =	vor.u32 v6, v35;
	v62 =	vadd.f32 v63, v22;
	v55 =	vld.idx.msk [tilespmem:v58+s16+$0x0], $0xffff  }
0x1d4: {  	s3 =	sadd.s32 s20, s22;
	v60 =	vor.u32 v6, v36;
	v41 =	vadd.f32 v41, v15;
	[tilespmem:s31+$0x30] =	vst v51;
	v51 =	vld.idx.msk [tilespmem:v50+s16+$0x0], $0xffff  }
0x1d5: {  	[tilespmem:s3+$0x0] =	vst v62;
	v63 =	vadd.f32 v40, v17;
	v32 =	vld.idx.msk [tilespmem:v61+s16+$0x0], $0xffff;
	v61 =	vor.u32 v3, v11  }
0x1d6: {  	v57 =	vor.u32 v4, v20;
	v52 =	vld.idx.msk [tilespmem:v56+s16+$0x0], $0xffff;
	[tilespmem:s15+$0x50] =	vst v41;
	v62 =	vadd.f32 v43, v18  }
0x1d7: {  	v39 =	vor.u32 v1, v24;
	v46 =	vld.idx.msk [tilespmem:v45+s16+$0x0], $0xffff;
	v54 =	vadd.f32 v54, v10;
	[tilespmem:s5+$0x20] =	vst v63  }
0x1d8: {  	v36 =	vor.u32 v5, v20;
	v45 =	vld.idx.msk [tilespmem:v49+s16+$0x0], $0xffff;
	v63 =	vadd.f32 v55, v12;
	[tilespmem:s6+$0x50] =	vst v62  }
0x1d9: {  	s25 =	simm.s32 $0x580;
	v35 =	vor.u32 v4, v14;
	v41 =	vor.u32 v2, v21;
	v43 =	vld.idx.msk [tilespmem:v60+s16+$0x0], $0xffff;
	[tilespmem:s1+$0x50] =	vst v54  }
0x1da: {  	s23 =	sand.u32 $0x380, s25;
	v48 =	vadd.f32 v48, v30;
	v54 =	vor.u32 v1, v26;
	[tilespmem:s10+$0xFFFFFFF0] =	vst v63;
	v50 =	vld.idx.msk [tilespmem:v61+s16+$0x0], $0xffff  }
0x1db: {  	s9 =	simm.s32 $0xC;
	s11 =	sadd.s32 s23, s22;
	s8 =	simm.s32 $0xC140;
	v40 =	vor.u32 v4, v11;
	v49 =	vor.u32 v2, v26;
	v55 =	vadd.f32 v53, v23;
	v53 =	vld.idx.msk [tilespmem:v57+s16+$0x0], $0xffff  }
.LBB2_7:
0x1dc: {  	v56 =	vmov s9;
	s2 =	sadd.s32 $0x1, s9;
	s20 =	sadd.s32 $0x2, s9;
	s23 =	sadd.s32 $0x3, s9;
	[tilespmem:s8+$0xFFFFFFC0] =	vst v48;
	v48 =	vadd.f32 v51, v29;
	v46 =	vadd.f32 v46, v22;
	v47 =	vld.idx.msk [tilespmem:v47+s16+$0x0], $0xffff  }
0x1dd: {  	p1 =	slt.u32 s9, $0x1C;
	s9 =	sadd.s32 $0x4, s9;
	v52 =	vadd.f32 v52, v16;
	v51 =	vmov s2;
	v57 =	vmov s23;
	s2 =	sadd.s32 $0xFFFFFF00, s25;
	[tilespmem:s11+$0x0] =	vst v55;
	v55 =	vld.idx.msk [tilespmem:v44+s16+$0x0], $0xffff  }
0x1de: {  	v44 =	vand.u32 $0x1D, v51;
	v51 =	vmov s20;
	s2 =	sand.u32 $0x280, s2;
	[tilespmem:s3+$0x10] =	vst v46;
	v39 =	vld.idx.msk [tilespmem:v39+s16+$0x0], $0xffff;
	v46 =	vadd.f32 v45, v15  }
0x1df: {  	v45 =	vand.u32 $0x1F, v57;
	v44 =	vbroadcast v44, $0x0;
	v54 =	vld.idx.msk [tilespmem:v54+s16+$0x0], $0xffff;
	s22 =	sor.u32 s2, s22;
	[tilespmem:s17+$0x20] =	vst v52;
	v52 =	vadd.f32 v43, v18  }
0x1e0: {  	v56 =	vand.u32 $0x1C, v56;
	v43 =	vand.u32 $0x1E, v51;
	v45 =	vbroadcast v45, $0x0;
	[tilespmem:s22+$0x0] =	vst v48;
	v51 =	vld.idx.msk [tilespmem:v41+s16+$0x0], $0xffff  }
0x1e1: {  	v43 =	vbroadcast v43, $0x0;
	v53 =	vadd.f32 v53, v12;
	v48 =	vor.u32 v19, v44;
	v57 =	vld.idx.msk [tilespmem:v31+s16+$0x0], $0xffff;
	[tilespmem:s15+$0x60] =	vst v46  }
0x1e2: {  	v41 =	vbroadcast v56, $0x0;
	v46 =	vor.u32 v0, v44;
	v56 =	vld.idx.msk [tilespmem:v33+s16+$0x0], $0xffff;
	[tilespmem:s6+$0x60] =	vst v52;
	v33 =	vadd.f32 v47, v10  }
0x1e3: {  	v50 =	vadd.f32 v50, v9;
	v31 =	vmov v27;
	v47 =	vadd.f32 v55, v17;
	[tilespmem:s10+$0x0] =	vst v53;
	v38 =	vld.idx.msk [tilespmem:v38+s16+$0x0], $0xffff  }
0x1e4: {  	v27 =	vmov v28;
	v52 =	vor.u32 v19, v43;
	v53 =	vor.u32 v2, v24;
	[tilespmem:s1+$0x60] =	vst v33;
	v33 =	vld.idx.msk [tilespmem:v37+s16+$0x0], $0xffff  }
0x1e5: {  	v55 =	vor.u32 v19, v45;
	v37 =	vor.u32 v0, v41;
	v28 =	vadd.f32 v54, v30;
	v36 =	vld.idx.msk [tilespmem:v36+s16+$0x0], $0xffff  }
0x1e6: {  	v39 =	vadd.f32 v39, v23;
	v54 =	vor.u32 v0, v45;
	[tilespmem:s0+$0x30] =	vst v50;
	v34 =	vld.idx.msk [tilespmem:v34+s16+$0x0], $0xffff  }
0x1e7: {  	v50 =	vadd.f32 v51, v22;
	v51 =	vadd.f32 v57, v16;
	v16 =	vmov v12;
	[tilespmem:s8+$0xFFFFFFD0] =	vst v28;
	v40 =	vld.idx.msk [tilespmem:v40+s16+$0x0], $0xffff  }
0x1e8: {  	v57 =	vor.u32 v0, v43;
	v12 =	vmov v30;
	v28 =	vor.u32 v7, v41;
	v49 =	vld.idx.msk [tilespmem:v49+s16+$0x0], $0xffff;
	[tilespmem:s11+$0x10] =	vst v39  }
0x1e9: {  	v38 =	vadd.f32 v38, v18;
	v18 =	vmov v17;
	v30 =	vld.idx.msk [tilespmem:v53+s16+$0x0], $0xffff;
	v53 =	vor.u32 v5, v11;
	[tilespmem:s17+$0x30] =	vst v51;
	s17 =	smov.u32 s10;
	s10 =	smov.u32 s8  }
0x1ea: {  	s25 =	sadd.s32 $0x200, s25;
	v17 =	vadd.f32 v33, v15;
	v15 =	vmov v9;
	v51 =	vld.idx.msk [tilespmem:v37+s16+$0x0], $0xffff;
	v37 =	vor.u32 v2, v25;
	[tilespmem:s5+$0x30] =	vst v47  }
0x1eb: {  	v32 =	vadd.f32 v32, v8;
	v33 =	vor.u32 v1, v44;
	v9 =	vmov v23;
	[tilespmem:s3+$0x20] =	vst v50;
	v35 =	vld.idx.msk [tilespmem:v35+s16+$0x0], $0xffff  }
0x1ec: {  	v47 =	vadd.f32 v56, v29;
	v34 =	vadd.f32 v34, v10;
	v10 =	vmov v8;
	v42 =	vld.idx.msk [tilespmem:v42+s16+$0x0], $0xffff;
	[tilespmem:s6+$0x70] =	vst v38;
	s6 =	smov.u32 s5;
	s5 =	smov.u32 s22  }
0x1ed: {  	v8 =	vmov v22;
	v38 =	vor.u32 v19, v41;
	v40 =	vadd.f32 v40, v15;
	v23 =	vld.idx.msk [tilespmem:v55+s12+$0x0], $0xffff;
	[tilespmem:s15+$0x70] =	vst v17;
	s15 =	smov.u32 s0;
	s0 =	smov.u32 s11  }
0x1ee: {  	v50 =	vor.u32 v5, v14;
	v49 =	vadd.f32 v49, v12;
	v17 =	vmov v29;
	v22 =	vld.idx.msk [tilespmem:v52+s12+$0x0], $0xffff;
	[tilespmem:s1+$0x70] =	vst v34;
	s1 =	smov.u32 s31;
	s31 =	smov.u32 s3  }
0x1ef: {  	v39 =	vor.u32 v1, v45;
	v52 =	vadd.f32 v30, v9;
	v55 =	vld.idx.msk [tilespmem:v54+s16+$0x0], $0xffff;
	[tilespmem:s15+$0x40] =	vst v40  }
0x1f0: {  	v29 =	vor.u32 v5, v13;
	[tilespmem:s8+$0xFFFFFFE0] =	vst v49;
	v40 =	vld.idx.msk [tilespmem:v53+s16+$0x0], $0xffff  }
0x1f1: {  	v53 =	vor.u32 v3, v26;
	v34 =	vadd.f32 v35, v18;
	v49 =	vld.idx.msk [tilespmem:v57+s16+$0x0], $0xffff;
	[tilespmem:s5+$0x10] =	vst v47  }
0x1f2: {  	v36 =	vadd.f32 v36, v16;
	v35 =	vld.idx.msk [tilespmem:v37+s16+$0x0], $0xffff;
	[tilespmem:s1+$0x40] =	vst v32  }
0x1f3: {  	v32 =	vor.u32 v4, v21;
	v30 =	vld.idx.msk [tilespmem:v38+s12+$0x0], $0xffff;
	[tilespmem:s6+$0x40] =	vst v34  }
0x1f4: {  	v37 =	vor.u32 v7, v11;
	v34 =	vor.u32 v7, v13;
	[tilespmem:s17+$0x10] =	vst v36;
	v36 =	vld.idx.msk [tilespmem:v50+s16+$0x0], $0xffff  }
0x1f5: {  	s2 =	sadd.s32 $0xFFFFFE80, s25;
	v42 =	vadd.f32 v42, v8;
	v38 =	vor.u32 v7, v14;
	v50 =	vor.u32 v1, v43;
	v54 =	vld.idx.msk [tilespmem:v29+s16+$0x0], $0xffff  }
0x1f6: {  	v20 =	vor.u32 v6, v20;
	s2 =	sand.u32 $0xC00, s2;
	s3 =	sadd.s32 $0xFFFFFF80, s25;
	v47 =	vor.u32 v6, v13;
	v13 =	vadd.f32 v40, v15;
	v53 =	vld.idx.msk [tilespmem:v53+s16+$0x0], $0xffff  }
0x1f7: {  	s22 =	sadd.s32 $0xBD00, s2;
	s11 =	sand.u32 $0x380, s25;
	s2 =	sand.u32 $0x300, s3;
	v40 =	vadd.f32 v49, v22;
	v29 =	vld.idx.msk [tilespmem:v48+s12+$0x0], $0xffff;
	[tilespmem:s31+$0x30] =	vst v42;
	v42 =	vor.u32 v6, v11;
	v11 =	vmov v24  }
0x1f8: {  	s11 =	sadd.s32 s11, s22;
	s3 =	sadd.s32 s2, s22;
	v49 =	vor.u32 v6, v14;
	v14 =	vmov v25;
	v35 =	vadd.f32 v35, v17;
	v32 =	vld.idx.msk [tilespmem:v32+s16+$0x0], $0xffff;
	[tilespmem:s0+$0x20] =	vst v52  }
0x1f9: {  	s8 =	sadd.s32 $0x200, s8;
	v25 =	vmov v44;
	v48 =	vadd.f32 v51, v30;
	v56 =	vor.u32 v3, v11;
	v51 =	vld.idx.msk [tilespmem:v46+s16+$0x0], $0xffff;
	[tilespmem:s3+$0x0] =	vst v40  }
0x1fa: {  	v57 =	vor.u32 v4, v26;
	v24 =	vmov v45;
	v36 =	vadd.f32 v36, v18;
	v46 =	vld.idx.msk [tilespmem:v50+s16+$0x0], $0xffff;
	[tilespmem:s5+$0x20] =	vst v35  }
.Ltmp4:
0x1fb: {  	v35 =	vor.u32 v4, v14;
	v54 =	vadd.f32 v54, v10;
	v52 =	vld.idx.msk [tilespmem:v20+s16+$0x0], $0xffff;
	[tilespmem:s15+$0x50] =	vst v13;
	v13 =	vmov v21;
	(pc) =	sbr.rel @p1 .LBB2_7-.Ltmp4, $4  }
0x1fc: {  	v44 =	vor.u32 v3, v14;
	v50 =	vadd.f32 v53, v12;
	v21 =	vmov v43;
	[tilespmem:s6+$0x50] =	vst v36;
	v45 =	vld.idx.msk [tilespmem:v42+s16+$0x0], $0xffff  }
0x1fd: {  	v40 =	vor.u32 v4, v11;
	v20 =	vmov v26;
	v36 =	vor.u32 v5, v26;
	v43 =	vld.idx.msk [tilespmem:v49+s16+$0x0], $0xffff;
	[tilespmem:s1+$0x50] =	vst v54  }
0x1fe: {  	v55 =	vadd.f32 v55, v23;
	v26 =	vmov v41;
	v54 =	vor.u32 v1, v41;
	[tilespmem:s10+$0xFFFFFFF0] =	vst v50;
	v50 =	vld.idx.msk [tilespmem:v56+s16+$0x0], $0xffff  }
0x1ff: {  	v42 =	vor.u32 v3, v21;
	v49 =	vor.u32 v2, v26;
	v41 =	vor.u32 v2, v21;
	v53 =	vld.idx.msk [tilespmem:v57+s16+$0x0], $0xffff  }
0x200: {  	_ = 	snop  }
0x201: {  	s2 =	sadd.s32 $0xFFFFFF00, s25  }
0x202: {  	v19 =	vadd.f32 v51, v29;
	s2 =	sand.u32 $0x280, s2  }
0x203: {  	[tilespmem:s8+$0xFFFFFFC0] =	vst v48;
	s9 =	sor.u32 s2, s22  }
0x204: {  	v48 =	vld.idx.msk [tilespmem:v54+s16+$0x0], $0xffff;
	[tilespmem:s9+$0x0] =	vst v19  }
0x205: {  	[tilespmem:s11+$0x0] =	vst v55;
	v19 =	vld.idx.msk [tilespmem:v33+s16+$0x0], $0xffff  }
0x206: {  	v57 =	vld.idx.msk [tilespmem:v39+s16+$0x0], $0xffff  }
0x207: {  	v58 =	vadd.f32 v46, v22  }
0x208: {  	v59 =	vadd.f32 v52, v16;
	v60 =	vor.u32 v2, v25  }
0x209: {  	v61 =	vor.u32 v2, v24;
	[tilespmem:s3+$0x10] =	vst v58;
	v48 =	vadd.f32 v48, v30  }
0x20a: {  	v47 =	vld.idx.msk [tilespmem:v47+s16+$0x0], $0xffff;
	[tilespmem:s17+$0x20] =	vst v59;
	v19 =	vadd.f32 v19, v29  }
0x20b: {  	v44 =	vld.idx.msk [tilespmem:v44+s16+$0x0], $0xffff;
	v33 =	vadd.f32 v57, v23;
	[tilespmem:s8+$0xFFFFFFD0] =	vst v48  }
0x20c: {  	v45 =	vadd.f32 v45, v15;
	v62 =	vld.idx.msk [tilespmem:v49+s16+$0x0], $0xffff;
	[tilespmem:s9+$0x10] =	vst v19  }
0x20d: {  	[tilespmem:s11+$0x10] =	vst v33;
	v19 =	vadd.f32 v43, v18;
	v63 =	vld.idx.msk [tilespmem:v60+s16+$0x0], $0xffff  }
0x20e: {  	[tilespmem:s15+$0x60] =	vst v45;
	v50 =	vadd.f32 v50, v9;
	v39 =	vld.idx.msk [tilespmem:v61+s16+$0x0], $0xffff  }
0x20f: {  	v41 =	vld.idx.msk [tilespmem:v41+s16+$0x0], $0xffff;
	v49 =	vor.u32 v3, v26;
	[tilespmem:s6+$0x60] =	vst v19;
	v19 =	vadd.f32 v47, v10  }
0x210: {  	v51 =	vor.u32 v3, v25;
	v31 =	vld.idx.msk [tilespmem:v31+s16+$0x0], $0xffff;
	[tilespmem:s0+$0x30] =	vst v50;
	v54 =	vadd.f32 v44, v17  }
0x211: {  	v52 =	vor.u32 v3, v24;
	[tilespmem:s1+$0x60] =	vst v19;
	v19 =	vadd.f32 v62, v30  }
0x212: {  	[tilespmem:s5+$0x30] =	vst v54;
	v38 =	vld.idx.msk [tilespmem:v38+s16+$0x0], $0xffff;
	v33 =	vadd.f32 v63, v29  }
0x213: {  	v37 =	vld.idx.msk [tilespmem:v37+s16+$0x0], $0xffff;
	v39 =	vadd.f32 v39, v23;
	[tilespmem:s8+$0xFFFFFFE0] =	vst v19  }
0x214: {  	v48 =	vadd.f32 v53, v12;
	v19 =	vadd.f32 v41, v22;
	v53 =	vld.idx.msk [tilespmem:v49+s16+$0x0], $0xffff;
	[tilespmem:s9+$0x20] =	vst v33  }
0x215: {  	v16 =	vadd.f32 v31, v16;
	[tilespmem:s11+$0x20] =	vst v39;
	v31 =	vld.idx.msk [tilespmem:v51+s16+$0x0], $0xffff  }
0x216: {  	[tilespmem:s3+$0x20] =	vst v19;
	v19 =	vld.idx.msk [tilespmem:v52+s16+$0x0], $0xffff  }
0x217: {  	v55 =	vor.u32 v4, v26;
	[tilespmem:s17+$0x30] =	vst v16;
	v16 =	vadd.f32 v38, v18;
	v18 =	vld.idx.msk [tilespmem:v42+s16+$0x0], $0xffff  }
0x218: {  	v56 =	vor.u32 v4, v25;
	v15 =	vadd.f32 v37, v15;
	[tilespmem:s10+$0x0] =	vst v48;
	v34 =	vld.idx.msk [tilespmem:v34+s16+$0x0], $0xffff  }
0x219: {  	v57 =	vor.u32 v4, v24;
	v35 =	vld.idx.msk [tilespmem:v35+s16+$0x0], $0xffff;
	[tilespmem:s6+$0x70] =	vst v16;
	v16 =	vadd.f32 v53, v30  }
0x21a: {  	v58 =	vld.idx.msk [tilespmem:v40+s16+$0x0], $0xffff;
	[tilespmem:s15+$0x70] =	vst v15;
	v15 =	vor.u32 v4, v21;
	v31 =	vadd.f32 v31, v29  }
0x21b: {  	[tilespmem:s8+$0xFFFFFFF0] =	vst v16;
	v16 =	vadd.f32 v19, v23  }
0x21c: {  	v19 =	vor.u32 v5, v14;
	v18 =	vadd.f32 v18, v22;
	v38 =	vld.idx.msk [tilespmem:v55+s16+$0x0], $0xffff;
	[tilespmem:s9+$0x30] =	vst v31  }
0x21d: {  	v10 =	vadd.f32 v34, v10;
	v31 =	vor.u32 v5, v11;
	[tilespmem:s11+$0x30] =	vst v16;
	v16 =	vld.idx.msk [tilespmem:v56+s16+$0x0], $0xffff  }
0x21e: {  	v59 =	vor.u32 v5, v13;
	v60 =	vadd.f32 v35, v17;
	[tilespmem:s3+$0x30] =	vst v18;
	v18 =	vld.idx.msk [tilespmem:v57+s16+$0x0], $0xffff  }
0x21f: {  	v61 =	vadd.f32 v58, v9;
	[tilespmem:s1+$0x70] =	vst v10;
	v10 =	vld.idx.msk [tilespmem:v15+s16+$0x0], $0xffff;
	v15 =	vor.u32 v5, v26  }
0x220: {  	v32 =	vadd.f32 v32, v8;
	v36 =	vld.idx.msk [tilespmem:v36+s16+$0x0], $0xffff;
	[tilespmem:s5+$0x40] =	vst v60;
	v62 =	vor.u32 v5, v25  }
0x221: {  	v40 =	vor.u32 v5, v24;
	[tilespmem:s0+$0x40] =	vst v61;
	v19 =	vld.idx.msk [tilespmem:v19+s16+$0x0], $0xffff;
	v63 =	vadd.f32 v38, v30  }
0x222: {  	[tilespmem:s31+$0x40] =	vst v32;
	v41 =	vor.u32 v5, v21;
	v31 =	vld.idx.msk [tilespmem:v31+s16+$0x0], $0xffff;
	v16 =	vadd.f32 v16, v29  }
0x223: {  	v20 =	vor.u32 v6, v20;
	v33 =	vld.idx.msk [tilespmem:v59+s16+$0x0], $0xffff;
	[tilespmem:s8+$0x0] =	vst v63;
	v18 =	vadd.f32 v18, v23  }
0x224: {  	v42 =	vor.u32 v6, v14;
	v10 =	vadd.f32 v10, v22;
	v15 =	vld.idx.msk [tilespmem:v15+s16+$0x0], $0xffff;
	[tilespmem:s9+$0x40] =	vst v16  }
0x225: {  	v43 =	vor.u32 v6, v11;
	v16 =	vadd.f32 v36, v12;
	[tilespmem:s11+$0x40] =	vst v18;
	v18 =	vld.idx.msk [tilespmem:v62+s16+$0x0], $0xffff  }
0x226: {  	v44 =	vor.u32 v6, v13;
	v19 =	vadd.f32 v19, v17;
	[tilespmem:s3+$0x40] =	vst v10;
	v37 =	vld.idx.msk [tilespmem:v40+s16+$0x0], $0xffff  }
0x227: {  	v26 =	vor.u32 v6, v26;
	[tilespmem:s10+$0x10] =	vst v16;
	v10 =	vadd.f32 v31, v9;
	v16 =	vld.idx.msk [tilespmem:v41+s16+$0x0], $0xffff  }
0x228: {  	v31 =	vadd.f32 v33, v8;
	[tilespmem:s5+$0x50] =	vst v19;
	v19 =	vor.u32 v6, v25;
	v20 =	vld.idx.msk [tilespmem:v20+s16+$0x0], $0xffff  }
0x229: {  	v45 =	vor.u32 v6, v24;
	[tilespmem:s0+$0x50] =	vst v10;
	v10 =	vld.idx.msk [tilespmem:v42+s16+$0x0], $0xffff;
	v15 =	vadd.f32 v15, v30  }
0x22a: {  	[tilespmem:s31+$0x50] =	vst v31;
	v31 =	vor.u32 v6, v21;
	v46 =	vld.idx.msk [tilespmem:v43+s16+$0x0], $0xffff;
	v18 =	vadd.f32 v18, v29  }
0x22b: {  	v34 =	vld.idx.msk [tilespmem:v44+s16+$0x0], $0xffff;
	[tilespmem:s8+$0x10] =	vst v15;
	v15 =	vadd.f32 v37, v23  }
0x22c: {  	v14 =	vor.u32 v7, v14;
	v26 =	vld.idx.msk [tilespmem:v26+s16+$0x0], $0xffff;
	v16 =	vadd.f32 v16, v22;
	[tilespmem:s9+$0x50] =	vst v18  }
0x22d: {  	v11 =	vor.u32 v7, v11;
	v18 =	vadd.f32 v20, v12;
	[tilespmem:s11+$0x50] =	vst v15;
	v15 =	vld.idx.msk [tilespmem:v19+s16+$0x0], $0xffff  }
0x22e: {  	v13 =	vor.u32 v7, v13;
	v10 =	vadd.f32 v10, v17;
	v19 =	vld.idx.msk [tilespmem:v45+s16+$0x0], $0xffff;
	[tilespmem:s3+$0x50] =	vst v16  }
0x22f: {  	v16 =	vadd.f32 v46, v9;
	[tilespmem:s10+$0x20] =	vst v18;
	v18 =	vld.idx.msk [tilespmem:v31+s16+$0x0], $0xffff  }
0x230: {  	v25 =	vor.u32 v7, v25;
	v20 =	vld.idx.msk [tilespmem:v27+s16+$0x0], $0xffff;
	[tilespmem:s5+$0x60] =	vst v10;
	v10 =	vadd.f32 v34, v8  }
0x231: {  	[tilespmem:s0+$0x60] =	vst v16;
	v14 =	vld.idx.msk [tilespmem:v14+s16+$0x0], $0xffff;
	v16 =	vor.u32 v7, v24;
	v24 =	vadd.f32 v26, v30  }
0x232: {  	[tilespmem:s31+$0x60] =	vst v10;
	v10 =	vld.idx.msk [tilespmem:v11+s16+$0x0], $0xffff;
	v11 =	vor.u32 v7, v21;
	v15 =	vadd.f32 v15, v29  }
0x233: {  	v13 =	vld.idx.msk [tilespmem:v13+s16+$0x0], $0xffff;
	v19 =	vadd.f32 v19, v23;
	[tilespmem:s8+$0x20] =	vst v24  }
0x234: {  	v21 =	vld.idx.msk [tilespmem:v28+s16+$0x0], $0xffff;
	[tilespmem:s9+$0x60] =	vst v15;
	v15 =	vadd.f32 v18, v22  }
0x235: {  	v12 =	vadd.f32 v20, v12;
	[tilespmem:s11+$0x60] =	vst v19;
	v18 =	vld.idx.msk [tilespmem:v25+s16+$0x0], $0xffff  }
0x236: {  	v14 =	vadd.f32 v14, v17;
	[tilespmem:s3+$0x60] =	vst v15;
	v15 =	vld.idx.msk [tilespmem:v16+s16+$0x0], $0xffff  }
0x237: {  	[tilespmem:s10+$0x30] =	vst v12;
	v9 =	vadd.f32 v10, v9;
	v10 =	vld.idx.msk [tilespmem:v11+s16+$0x0], $0xffff  }
0x238: {  	[tilespmem:s5+$0x70] =	vst v14;
	v8 =	vadd.f32 v13, v8  }
0x239: {  	[tilespmem:s0+$0x70] =	vst v9;
	v9 =	vadd.f32 v21, v30  }
0x23a: {  	[tilespmem:s31+$0x70] =	vst v8;
	v8 =	vadd.f32 v18, v29  }
0x23b: {  	s20 =	sshll.u32 s30, $0x11;
	[tilespmem:s8+$0x30] =	vst v9;
	v9 =	vadd.f32 v15, v23  }
0x23c: {  	s23 =	simm.s32 $0x400;
	s25 =	simm.s32 $0xBD00;
	s0 =	sor.u32 s7, s20;
	[tilespmem:s9+$0x70] =	vst v8;
	v8 =	vadd.f32 v10, v22  }
0x23d: {  	s30 =	simm.s32 $0x0;
	s22 =	rddreg [dreg:$0x1];
	s0 =	sshrl.u32 s0, $0x3;
	[tilespmem:s11+$0x70] =	vst v9  }
0x23e: {  	s28 =	sor.u32 $0x3, s28;
	s31 =	simm.s32 $0x2;
	s0 =	sadd.s32 s22, s0;
	[tilespmem:s3+$0x70] =	vst v8  }
0x23f: {  	v8 =	vmov s30;
	[hbm4b:s0+s23] =	stream.strided.scatter [tilespmem:s25], [sflag:$0x2], $0x1000, s21, s23, $0x38;
	[tilespmem:$0xDD00] =	vst v63  }
0x240: {  	s2 =	simm.s32 @!p0 $0x80;
	v9 =	vmov s31;
	s3 =	simm.s32 @!p0 $0x9D00;
	s0 =	sadd.s32 @!p0 $0x300, s29;
	v8 =	vand.u32 $0x1C, v8  }
0x241: {  	v9 =	vand.u32 $0x1E, v9;
	v29 =	vbroadcast v8, $0x0;
	[tilespmem:s3], [sflag:$0x1] =	stream.indirect.gather @!p0 [hbm4b:s4+s2], $0x20, s0, s2, $0xb8;
	[tilespmem:$0xDD00] =	vst v63  }
0x242: {  	v32 =	vbroadcast v9, $0x0;
	s2 =	sshll.u32 s28, $0x5;
	_ =	swait.ge [sflag:s19], $0x1000  }
0x243: {  	s3 =	simm.s32 $0x3;
	v19 =	vmov s2;
	v8 =	vor.u32 v0, v29;
	[sflag:s19] =	ssyncset.done $0x0  }
0x244: {  	v9 =	vmov s3;
	v10 =	vor.u32 v19, v32;
	[sflag:s19] =	ssyncadd.s32 $0xFFFFF000  }
0x245: {  	v11 =	vor.u32 v0, v32;
	v9 =	vand.u32 $0x1F, v9;
	_ =	swait.ge [sflag:s24], $0x1000  }
0x246: {  	v35 =	vbroadcast v9, $0x0;
	v9 =	vor.u32 v19, v29;
	[sflag:s24] =	ssyncset.done $0x0  }
0x247: {  	[sflag:s24] =	ssyncadd.s32 $0xFFFFF000  }
0x248: {  	v12 =	vor.u32 v19, v35;
	v8 =	vld.idx.msk [tilespmem:v8+s18+$0x0], $0xffff  }
0x249: {  	v13 =	vor.u32 v0, v35;
	v10 =	vld.idx.msk [tilespmem:v10+s12+$0x0], $0xffff  }
0x24a: {  	s5 =	simm.s32 $0x1;
	v11 =	vld.idx.msk [tilespmem:v11+s18+$0x0], $0xffff  }
0x24b: {  	v14 =	vmov s5;
	v16 =	vld.idx.msk [tilespmem:v9+s12+$0x0], $0xffff  }
0x24c: {  	v9 =	vand.u32 $0x1D, v14  }
0x24d: {  	s6 =	simm.s32 $0x0;
	v36 =	vbroadcast v9, $0x0;
	v9 =	vor.u32 v1, v32;
	v15 =	vld.idx.msk [tilespmem:v12+s12+$0x0], $0xffff  }
0x24e: {  	s8 =	simm.s32 $0x100;
	s0 =	sand.u32 $0xC00, s6;
	v12 =	vld.idx.msk [tilespmem:v13+s18+$0x0], $0xffff;
	v13 =	vor.u32 v1, v29  }
0x24f: {  	s1 =	sand.u32 $0x300, s8;
	s0 =	sadd.s32 $0xCD00, s0;
	v14 =	vor.u32 v19, v36;
	v11 =	vadd.f32 v11, v10  }
0x250: {  	s1 =	sadd.s32 s1, s0;
	v17 =	vor.u32 v0, v36;
	v8 =	vadd.f32 v8, v16  }
0x251: {  	s17 =	simm.s32 $0xCD40;
	v20 =	vor.u32 v1, v35;
	[tilespmem:s1+$0x0] =	vst v11  }
0x252: {  	s9 =	simm.s32 $0x180;
	v9 =	vld.idx.msk [tilespmem:v9+s18+$0x0], $0xffff;
	[tilespmem:s17+$0xFFFFFFC0] =	vst v8  }
0x253: {  	s2 =	sand.u32 $0x380, s9;
	v8 =	vadd.f32 v12, v15;
	v11 =	vld.idx.msk [tilespmem:v13+s18+$0x0], $0xffff  }
0x254: {  	s15 =	sadd.s32 s2, s0;
	v18 =	vld.idx.msk [tilespmem:v14+s12+$0x0], $0xffff  }
0x255: {  	s10 =	simm.s32 $0x4;
	v12 =	vld.idx.msk [tilespmem:v17+s18+$0x0], $0xffff;
	v14 =	vor.u32 v2, v32;
	[tilespmem:s15+$0x0] =	vst v8  }
0x256: {  	s11 =	simm.s32 $0x6;
	v17 =	vor.u32 v2, v29;
	v13 =	vmov s10;
	v8 =	vor.u32 v1, v36;
	v21 =	vld.idx.msk [tilespmem:v20+s18+$0x0], $0xffff  }
0x257: {  	v13 =	vand.u32 $0x1C, v13;
	v20 =	vmov s11;
	v9 =	vadd.f32 v9, v10  }
0x258: {  	v22 =	vand.u32 $0x1E, v20;
	v20 =	vbroadcast v13, $0x0;
	v11 =	vadd.f32 v11, v16  }
0x259: {  	s20 =	simm.s32 $0x80;
	v13 =	vbroadcast v22, $0x0;
	[tilespmem:s1+$0x10] =	vst v9;
	v9 =	vor.u32 v2, v35  }
0x25a: {  	s22 =	simm.s32 $0x7;
	s2 =	sand.u32 $0x280, s20;
	v12 =	vadd.f32 v12, v18;
	v22 =	vor.u32 v0, v20;
	v14 =	vld.idx.msk [tilespmem:v14+s18+$0x0], $0xffff;
	[tilespmem:s17+$0xFFFFFFD0] =	vst v11  }
0x25b: {  	s6 =	sor.u32 s2, s0;
	v23 =	vor.u32 v19, v13;
	v11 =	vmov s22;
	v21 =	vadd.f32 v21, v15;
	v17 =	vld.idx.msk [tilespmem:v17+s18+$0x0], $0xffff  }
0x25c: {  	[tilespmem:s6+$0x0] =	vst v12;
	v12 =	vor.u32 v0, v13;
	v11 =	vand.u32 $0x1F, v11  }
0x25d: {  	v28 =	vor.u32 v19, v20;
	v25 =	vld.idx.msk [tilespmem:v8+s18+$0x0], $0xffff;
	v11 =	vbroadcast v11, $0x0;
	[tilespmem:s15+$0x10] =	vst v21  }
0x25e: {  	s23 =	simm.s32 $0x5;
	v21 =	vld.idx.msk [tilespmem:v9+s18+$0x0], $0xffff;
	v9 =	vor.u32 v3, v29  }
0x25f: {  	v8 =	vmov s23;
	v22 =	vld.idx.msk [tilespmem:v22+s18+$0x0], $0xffff;
	v26 =	vor.u32 v19, v11;
	v27 =	vadd.f32 v14, v10  }
0x260: {  	v14 =	vand.u32 $0x1D, v8;
	v8 =	vld.idx.msk [tilespmem:v23+s12+$0x0], $0xffff;
	v23 =	vor.u32 v0, v11;
	v17 =	vadd.f32 v17, v16  }
0x261: {  	v24 =	vor.u32 v3, v32;
	v14 =	vbroadcast v14, $0x0;
	[tilespmem:s1+$0x20] =	vst v27;
	v27 =	vld.idx.msk [tilespmem:v12+s18+$0x0], $0xffff  }
0x262: {  	v30 =	vor.u32 v2, v36;
	v12 =	vld.idx.msk [tilespmem:v28+s12+$0x0], $0xffff;
	[tilespmem:s17+$0xFFFFFFE0] =	vst v17  }
0x263: {  	v17 =	vor.u32 v19, v14;
	v31 =	vld.idx.msk [tilespmem:v9+s18+$0x0], $0xffff  }
0x264: {  	s25 =	simm.s32 $0x200;
	v25 =	vadd.f32 v25, v18;
	v9 =	vld.idx.msk [tilespmem:v26+s12+$0x0], $0xffff;
	v26 =	vor.u32 v1, v13  }
0x265: {  	s30 =	simm.s32 $0x300;
	s0 =	sand.u32 $0xC00, s25;
	v47 =	vor.u32 v0, v14;
	v23 =	vld.idx.msk [tilespmem:v23+s18+$0x0], $0xffff  }
0x266: {  	s2 =	sand.u32 $0x300, s30;
	s31 =	sadd.s32 $0xCD00, s0;
	v24 =	vld.idx.msk [tilespmem:v24+s18+$0x0], $0xffff;
	[tilespmem:s6+$0x10] =	vst v25;
	v25 =	vadd.f32 v27, v8;
	v27 =	vor.u32 v4, v29  }
0x267: {  	s29 =	sadd.s32 s2, s31;
	v48 =	vor.u32 v3, v35;
	v30 =	vld.idx.msk [tilespmem:v30+s18+$0x0], $0xffff;
	v21 =	vadd.f32 v21, v15  }
0x268: {  	v49 =	vor.u32 v1, v11;
	v17 =	vld.idx.msk [tilespmem:v17+s12+$0x0], $0xffff;
	[tilespmem:s29+$0x0] =	vst v25;
	v25 =	vadd.f32 v31, v16  }
0x269: {  	s5 =	simm.s32 $0x380;
	[tilespmem:s15+$0x20] =	vst v21;
	v22 =	vadd.f32 v22, v12;
	v31 =	vor.u32 v1, v20;
	v26 =	vld.idx.msk [tilespmem:v26+s18+$0x0], $0xffff  }
0x26a: {  	s0 =	sand.u32 $0x380, s5;
	s10 =	simm.s32 $0xCF40;
	v21 =	vor.u32 v3, v36;
	v33 =	vld.idx.msk [tilespmem:v47+s18+$0x0], $0xffff;
	v23 =	vadd.f32 v23, v9;
	[tilespmem:s17+$0xFFFFFFF0] =	vst v25  }
0x26b: {  	v50 =	vor.u32 v4, v32;
	s0 =	sadd.s32 s0, s31;
	v24 =	vadd.f32 v24, v10;
	[tilespmem:s10+$0xFFFFFFC0] =	vst v22;
	v25 =	vld.idx.msk [tilespmem:v27+s18+$0x0], $0xffff  }
0x26c: {  	s11 =	simm.s32 $0xB;
	v51 =	vor.u32 v2, v13;
	v27 =	vadd.f32 v30, v18;
	v30 =	vld.idx.msk [tilespmem:v48+s18+$0x0], $0xffff;
	[tilespmem:s0+$0x0] =	vst v23  }
0x26d: {  	s8 =	simm.s32 $0x8;
	v52 =	vor.u32 v5, v29;
	v53 =	vmov s11;
	v28 =	vor.u32 v1, v14;
	[tilespmem:s1+$0x30] =	vst v24;
	v37 =	vld.idx.msk [tilespmem:v49+s18+$0x0], $0xffff  }
0x26e: {  	s9 =	simm.s32 $0x280;
	v55 =	vor.u32 v2, v11;
	v24 =	vmov s8;
	v23 =	vld.idx.msk [tilespmem:v31+s18+$0x0], $0xffff;
	[tilespmem:s6+$0x20] =	vst v27;
	v26 =	vadd.f32 v26, v8  }
0x26f: {  	s2 =	sand.u32 $0x280, s9;
	v24 =	vand.u32 $0x1C, v24;
	v33 =	vadd.f32 v33, v17;
	v31 =	vor.u32 v4, v35;
	v54 =	vld.idx.msk [tilespmem:v21+s18+$0x0], $0xffff  }
0x270: {  	s5 =	sor.u32 s2, s31;
	v22 =	vor.u32 v4, v36;
	v38 =	vld.idx.msk [tilespmem:v50+s18+$0x0], $0xffff;
	[tilespmem:s29+$0x10] =	vst v26;
	v21 =	vadd.f32 v25, v16;
	v26 =	vbroadcast v24, $0x0  }
0x271: {  	s20 =	simm.s32 $0xA;
	v56 =	vand.u32 $0x1F, v53;
	v27 =	vor.u32 v2, v20;
	[tilespmem:s5+$0x0] =	vst v33;
	v30 =	vadd.f32 v30, v15;
	v25 =	vld.idx.msk [tilespmem:v51+s18+$0x0], $0xffff  }
0x272: {  	v40 =	vld.idx.msk [tilespmem:v28+s18+$0x0], $0xffff;
	v24 =	vmov s20;
	v37 =	vadd.f32 v37, v9;
	[tilespmem:s17+$0x0] =	vst v21;
	v28 =	vor.u32 v0, v26  }
0x273: {  	v23 =	vadd.f32 v23, v12;
	v21 =	vand.u32 $0x1E, v24;
	v24 =	vbroadcast v56, $0x0;
	[tilespmem:s15+$0x30] =	vst v30;
	v34 =	vld.idx.msk [tilespmem:v52+s18+$0x0], $0xffff  }
0x274: {  	v30 =	vor.u32 v3, v13;
	v57 =	vld.idx.msk [tilespmem:v31+s18+$0x0], $0xffff;
	v41 =	vadd.f32 v54, v18;
	[tilespmem:s0+$0x10] =	vst v37  }
0x275: {  	s22 =	simm.s32 $0x9;
	v21 =	vbroadcast v21, $0x0;
	[tilespmem:s10+$0xFFFFFFD0] =	vst v23;
	v61 =	vor.u32 v19, v24;
	v45 =	vld.idx.msk [tilespmem:v55+s18+$0x0], $0xffff  }
0x276: {  	v23 =	vmov s22;
	v55 =	vor.u32 v0, v24;
	v62 =	vld.idx.msk [tilespmem:v27+s18+$0x0], $0xffff;
	[tilespmem:s6+$0x30] =	vst v41;
	v54 =	vadd.f32 v25, v8  }
0x277: {  	v38 =	vadd.f32 v38, v10;
	v23 =	vand.u32 $0x1D, v23;
	v63 =	vor.u32 v19, v21;
	v59 =	vld.idx.msk [tilespmem:v22+s18+$0x0], $0xffff  }
0x278: {  	v58 =	vor.u32 v5, v35;
	v60 =	vor.u32 v0, v21;
	v25 =	vbroadcast v23, $0x0;
	v48 =	vld.idx.msk [tilespmem:v28+s18+$0x0], $0xffff;
	[tilespmem:s29+$0x20] =	vst v54  }
0x279: {  	v44 =	vor.u32 v3, v14;
	v47 =	vor.u32 v6, v32;
	[tilespmem:s1+$0x40] =	vst v38;
	v51 =	vld.idx.msk [tilespmem:v30+s18+$0x0], $0xffff  }
0x27a: {  	v38 =	vor.u32 v7, v36;
	v31 =	vor.u32 v7, v29;
	v49 =	vor.u32 v19, v25;
	v23 =	vld.idx.msk [tilespmem:v61+s12+$0x0], $0xffff  }
0x27b: {  	v37 =	vor.u32 v7, v35;
	v39 =	vadd.f32 v57, v15;
	v30 =	vor.u32 v2, v14;
	v53 =	vld.idx.msk [tilespmem:v55+s18+$0x0], $0xffff  }
0x27c: {  	v40 =	vadd.f32 v40, v17;
	v27 =	vor.u32 v7, v20;
	v61 =	vor.u32 v19, v26;
	v22 =	vld.idx.msk [tilespmem:v63+s12+$0x0], $0xffff  }
0x27d: {  	v57 =	vor.u32 v5, v36;
	v56 =	vadd.f32 v62, v12;
	[tilespmem:s15+$0x40] =	vst v39;
	v63 =	vld.idx.msk [tilespmem:v60+s18+$0x0], $0xffff  }
0x27e: {  	[tilespmem:s5+$0x10] =	vst v40;
	v62 =	vor.u32 v5, v32;
	v41 =	vld.idx.msk [tilespmem:v58+s18+$0x0], $0xffff;
	v58 =	vor.u32 v3, v20  }
0x27f: {  	v59 =	vadd.f32 v59, v18;
	[tilespmem:s10+$0xFFFFFFE0] =	vst v56;
	v56 =	vor.u32 v6, v29;
	v29 =	vld.idx.msk [tilespmem:v49+s12+$0x0], $0xffff  }
0x280: {  	v42 =	vor.u32 v3, v21;
	v50 =	vor.u32 v0, v25;
	v34 =	vadd.f32 v34, v16;
	v40 =	vld.idx.msk [tilespmem:v30+s18+$0x0], $0xffff  }
0x281: {  	v28 =	vor.u32 v7, v26;
	[tilespmem:s6+$0x40] =	vst v59;
	v30 =	vld.idx.msk [tilespmem:v61+s12+$0x0], $0xffff;
	v61 =	vor.u32 v4, v13  }
0x282: {  	s23 =	simm.s32 $0x400;
	v33 =	vor.u32 v1, v25;
	v60 =	vadd.f32 v45, v9;
	[tilespmem:s17+$0x10] =	vst v34;
	v43 =	vld.idx.msk [tilespmem:v57+s18+$0x0], $0xffff  }
0x283: {  	s25 =	simm.s32 $0x500;
	s2 =	sand.u32 $0xC00, s23;
	v34 =	vor.u32 v7, v32;
	v45 =	vor.u32 v1, v21;
	v51 =	vadd.f32 v51, v8;
	v54 =	vld.idx.msk [tilespmem:v62+s18+$0x0], $0xffff  }
0x284: {  	s30 =	sand.u32 $0x300, s25;
	s22 =	sadd.s32 $0xCD00, s2;
	[tilespmem:s0+$0x20] =	vst v60;
	v49 =	vor.u32 v6, v35;
	v62 =	vadd.f32 v63, v22;
	v55 =	vld.idx.msk [tilespmem:v58+s18+$0x0], $0xffff  }
0x285: {  	s3 =	sadd.s32 s30, s22;
	v60 =	vor.u32 v6, v36;
	v41 =	vadd.f32 v41, v15;
	[tilespmem:s29+$0x30] =	vst v51;
	v51 =	vld.idx.msk [tilespmem:v50+s18+$0x0], $0xffff  }
0x286: {  	[tilespmem:s3+$0x0] =	vst v62;
	v63 =	vadd.f32 v40, v17;
	v32 =	vld.idx.msk [tilespmem:v61+s18+$0x0], $0xffff;
	v61 =	vor.u32 v3, v11  }
0x287: {  	v57 =	vor.u32 v4, v20;
	v52 =	vld.idx.msk [tilespmem:v56+s18+$0x0], $0xffff;
	[tilespmem:s15+$0x50] =	vst v41;
	v62 =	vadd.f32 v43, v18  }
0x288: {  	v39 =	vor.u32 v1, v24;
	v46 =	vld.idx.msk [tilespmem:v45+s18+$0x0], $0xffff;
	v54 =	vadd.f32 v54, v10;
	[tilespmem:s5+$0x20] =	vst v63  }
0x289: {  	v36 =	vor.u32 v5, v20;
	v45 =	vld.idx.msk [tilespmem:v49+s18+$0x0], $0xffff;
	v63 =	vadd.f32 v55, v12;
	[tilespmem:s6+$0x50] =	vst v62  }
0x28a: {  	s25 =	simm.s32 $0x580;
	v35 =	vor.u32 v4, v14;
	v41 =	vor.u32 v2, v21;
	v43 =	vld.idx.msk [tilespmem:v60+s18+$0x0], $0xffff;
	[tilespmem:s1+$0x50] =	vst v54  }
0x28b: {  	s31 =	sand.u32 $0x380, s25;
	v48 =	vadd.f32 v48, v30;
	v54 =	vor.u32 v1, v26;
	[tilespmem:s10+$0xFFFFFFF0] =	vst v63;
	v50 =	vld.idx.msk [tilespmem:v61+s18+$0x0], $0xffff  }
0x28c: {  	s9 =	simm.s32 $0xC;
	s8 =	simm.s32 $0xD140;
	s11 =	sadd.s32 s31, s22;
	v40 =	vor.u32 v4, v11;
	v49 =	vor.u32 v2, v26;
	v55 =	vadd.f32 v53, v23;
	v53 =	vld.idx.msk [tilespmem:v57+s18+$0x0], $0xffff  }
.LBB2_9:
0x28d: {  	v56 =	vmov s9;
	s2 =	sadd.s32 $0x1, s9;
	s20 =	sadd.s32 $0x2, s9;
	s23 =	sadd.s32 $0x3, s9;
	[tilespmem:s8+$0xFFFFFFC0] =	vst v48;
	v48 =	vadd.f32 v51, v29;
	v46 =	vadd.f32 v46, v22;
	v47 =	vld.idx.msk [tilespmem:v47+s18+$0x0], $0xffff  }
0x28e: {  	p1 =	slt.u32 s9, $0x1C;
	s9 =	sadd.s32 $0x4, s9;
	v52 =	vadd.f32 v52, v16;
	v51 =	vmov s2;
	v57 =	vmov s23;
	s2 =	sadd.s32 $0xFFFFFF00, s25;
	[tilespmem:s11+$0x0] =	vst v55;
	v55 =	vld.idx.msk [tilespmem:v44+s18+$0x0], $0xffff  }
0x28f: {  	v44 =	vand.u32 $0x1D, v51;
	v51 =	vmov s20;
	s2 =	sand.u32 $0x280, s2;
	[tilespmem:s3+$0x10] =	vst v46;
	v39 =	vld.idx.msk [tilespmem:v39+s18+$0x0], $0xffff;
	v46 =	vadd.f32 v45, v15  }
0x290: {  	v45 =	vand.u32 $0x1F, v57;
	v44 =	vbroadcast v44, $0x0;
	v54 =	vld.idx.msk [tilespmem:v54+s18+$0x0], $0xffff;
	s22 =	sor.u32 s2, s22;
	[tilespmem:s17+$0x20] =	vst v52;
	v52 =	vadd.f32 v43, v18  }
0x291: {  	v56 =	vand.u32 $0x1C, v56;
	v43 =	vand.u32 $0x1E, v51;
	v45 =	vbroadcast v45, $0x0;
	[tilespmem:s22+$0x0] =	vst v48;
	v51 =	vld.idx.msk [tilespmem:v41+s18+$0x0], $0xffff  }
0x292: {  	v43 =	vbroadcast v43, $0x0;
	v53 =	vadd.f32 v53, v12;
	v48 =	vor.u32 v19, v44;
	v57 =	vld.idx.msk [tilespmem:v31+s18+$0x0], $0xffff;
	[tilespmem:s15+$0x60] =	vst v46  }
0x293: {  	v41 =	vbroadcast v56, $0x0;
	v46 =	vor.u32 v0, v44;
	v56 =	vld.idx.msk [tilespmem:v33+s18+$0x0], $0xffff;
	[tilespmem:s6+$0x60] =	vst v52;
	v33 =	vadd.f32 v47, v10  }
0x294: {  	v50 =	vadd.f32 v50, v9;
	v31 =	vmov v27;
	v47 =	vadd.f32 v55, v17;
	[tilespmem:s10+$0x0] =	vst v53;
	v38 =	vld.idx.msk [tilespmem:v38+s18+$0x0], $0xffff  }
0x295: {  	v27 =	vmov v28;
	v52 =	vor.u32 v19, v43;
	v53 =	vor.u32 v2, v24;
	[tilespmem:s1+$0x60] =	vst v33;
	v33 =	vld.idx.msk [tilespmem:v37+s18+$0x0], $0xffff  }
0x296: {  	v55 =	vor.u32 v19, v45;
	v37 =	vor.u32 v0, v41;
	v28 =	vadd.f32 v54, v30;
	v36 =	vld.idx.msk [tilespmem:v36+s18+$0x0], $0xffff  }
0x297: {  	v39 =	vadd.f32 v39, v23;
	v54 =	vor.u32 v0, v45;
	[tilespmem:s0+$0x30] =	vst v50;
	v34 =	vld.idx.msk [tilespmem:v34+s18+$0x0], $0xffff  }
0x298: {  	v50 =	vadd.f32 v51, v22;
	v51 =	vadd.f32 v57, v16;
	v16 =	vmov v12;
	[tilespmem:s8+$0xFFFFFFD0] =	vst v28;
	v40 =	vld.idx.msk [tilespmem:v40+s18+$0x0], $0xffff  }
0x299: {  	v57 =	vor.u32 v0, v43;
	v12 =	vmov v30;
	v28 =	vor.u32 v7, v41;
	v49 =	vld.idx.msk [tilespmem:v49+s18+$0x0], $0xffff;
	[tilespmem:s11+$0x10] =	vst v39  }
0x29a: {  	v38 =	vadd.f32 v38, v18;
	v18 =	vmov v17;
	v30 =	vld.idx.msk [tilespmem:v53+s18+$0x0], $0xffff;
	v53 =	vor.u32 v5, v11;
	[tilespmem:s17+$0x30] =	vst v51;
	s17 =	smov.u32 s10;
	s10 =	smov.u32 s8  }
0x29b: {  	s25 =	sadd.s32 $0x200, s25;
	v17 =	vadd.f32 v33, v15;
	v15 =	vmov v9;
	v51 =	vld.idx.msk [tilespmem:v37+s18+$0x0], $0xffff;
	v37 =	vor.u32 v2, v25;
	[tilespmem:s5+$0x30] =	vst v47  }
0x29c: {  	v32 =	vadd.f32 v32, v8;
	v33 =	vor.u32 v1, v44;
	v9 =	vmov v23;
	[tilespmem:s3+$0x20] =	vst v50;
	v35 =	vld.idx.msk [tilespmem:v35+s18+$0x0], $0xffff  }
0x29d: {  	v47 =	vadd.f32 v56, v29;
	v34 =	vadd.f32 v34, v10;
	v10 =	vmov v8;
	v42 =	vld.idx.msk [tilespmem:v42+s18+$0x0], $0xffff;
	[tilespmem:s6+$0x70] =	vst v38;
	s6 =	smov.u32 s5;
	s5 =	smov.u32 s22  }
0x29e: {  	v8 =	vmov v22;
	v38 =	vor.u32 v19, v41;
	v40 =	vadd.f32 v40, v15;
	v23 =	vld.idx.msk [tilespmem:v55+s12+$0x0], $0xffff;
	[tilespmem:s15+$0x70] =	vst v17;
	s15 =	smov.u32 s0;
	s0 =	smov.u32 s11  }
0x29f: {  	v50 =	vor.u32 v5, v14;
	v49 =	vadd.f32 v49, v12;
	v17 =	vmov v29;
	v22 =	vld.idx.msk [tilespmem:v52+s12+$0x0], $0xffff;
	[tilespmem:s1+$0x70] =	vst v34;
	s1 =	smov.u32 s29;
	s29 =	smov.u32 s3  }
0x2a0: {  	v39 =	vor.u32 v1, v45;
	v52 =	vadd.f32 v30, v9;
	v55 =	vld.idx.msk [tilespmem:v54+s18+$0x0], $0xffff;
	[tilespmem:s15+$0x40] =	vst v40  }
0x2a1: {  	v29 =	vor.u32 v5, v13;
	[tilespmem:s8+$0xFFFFFFE0] =	vst v49;
	v40 =	vld.idx.msk [tilespmem:v53+s18+$0x0], $0xffff  }
0x2a2: {  	v53 =	vor.u32 v3, v26;
	v34 =	vadd.f32 v35, v18;
	v49 =	vld.idx.msk [tilespmem:v57+s18+$0x0], $0xffff;
	[tilespmem:s5+$0x10] =	vst v47  }
0x2a3: {  	v36 =	vadd.f32 v36, v16;
	v35 =	vld.idx.msk [tilespmem:v37+s18+$0x0], $0xffff;
	[tilespmem:s1+$0x40] =	vst v32  }
0x2a4: {  	v32 =	vor.u32 v4, v21;
	v30 =	vld.idx.msk [tilespmem:v38+s12+$0x0], $0xffff;
	[tilespmem:s6+$0x40] =	vst v34  }
0x2a5: {  	v37 =	vor.u32 v7, v11;
	v34 =	vor.u32 v7, v13;
	[tilespmem:s17+$0x10] =	vst v36;
	v36 =	vld.idx.msk [tilespmem:v50+s18+$0x0], $0xffff  }
0x2a6: {  	s2 =	sadd.s32 $0xFFFFFE80, s25;
	v42 =	vadd.f32 v42, v8;
	v38 =	vor.u32 v7, v14;
	v50 =	vor.u32 v1, v43;
	v54 =	vld.idx.msk [tilespmem:v29+s18+$0x0], $0xffff  }
0x2a7: {  	v20 =	vor.u32 v6, v20;
	s2 =	sand.u32 $0xC00, s2;
	s3 =	sadd.s32 $0xFFFFFF80, s25;
	v47 =	vor.u32 v6, v13;
	v13 =	vadd.f32 v40, v15;
	v53 =	vld.idx.msk [tilespmem:v53+s18+$0x0], $0xffff  }
0x2a8: {  	s22 =	sadd.s32 $0xCD00, s2;
	s11 =	sand.u32 $0x380, s25;
	s2 =	sand.u32 $0x300, s3;
	v40 =	vadd.f32 v49, v22;
	v29 =	vld.idx.msk [tilespmem:v48+s12+$0x0], $0xffff;
	[tilespmem:s29+$0x30] =	vst v42;
	v42 =	vor.u32 v6, v11;
	v11 =	vmov v24  }
0x2a9: {  	s11 =	sadd.s32 s11, s22;
	s3 =	sadd.s32 s2, s22;
	v49 =	vor.u32 v6, v14;
	v14 =	vmov v25;
	v35 =	vadd.f32 v35, v17;
	v32 =	vld.idx.msk [tilespmem:v32+s18+$0x0], $0xffff;
	[tilespmem:s0+$0x20] =	vst v52  }
0x2aa: {  	s8 =	sadd.s32 $0x200, s8;
	v25 =	vmov v44;
	v48 =	vadd.f32 v51, v30;
	v56 =	vor.u32 v3, v11;
	v51 =	vld.idx.msk [tilespmem:v46+s18+$0x0], $0xffff;
	[tilespmem:s3+$0x0] =	vst v40  }
0x2ab: {  	v57 =	vor.u32 v4, v26;
	v24 =	vmov v45;
	v36 =	vadd.f32 v36, v18;
	v46 =	vld.idx.msk [tilespmem:v50+s18+$0x0], $0xffff;
	[tilespmem:s5+$0x20] =	vst v35  }
.Ltmp5:
0x2ac: {  	v35 =	vor.u32 v4, v14;
	v54 =	vadd.f32 v54, v10;
	v52 =	vld.idx.msk [tilespmem:v20+s18+$0x0], $0xffff;
	[tilespmem:s15+$0x50] =	vst v13;
	v13 =	vmov v21;
	(pc) =	sbr.rel @p1 .LBB2_9-.Ltmp5, $4  }
0x2ad: {  	v44 =	vor.u32 v3, v14;
	v50 =	vadd.f32 v53, v12;
	v21 =	vmov v43;
	[tilespmem:s6+$0x50] =	vst v36;
	v45 =	vld.idx.msk [tilespmem:v42+s18+$0x0], $0xffff  }
0x2ae: {  	v40 =	vor.u32 v4, v11;
	v20 =	vmov v26;
	v36 =	vor.u32 v5, v26;
	v43 =	vld.idx.msk [tilespmem:v49+s18+$0x0], $0xffff;
	[tilespmem:s1+$0x50] =	vst v54  }
0x2af: {  	v55 =	vadd.f32 v55, v23;
	v26 =	vmov v41;
	v54 =	vor.u32 v1, v41;
	[tilespmem:s10+$0xFFFFFFF0] =	vst v50;
	v50 =	vld.idx.msk [tilespmem:v56+s18+$0x0], $0xffff  }
0x2b0: {  	v42 =	vor.u32 v3, v21;
	v49 =	vor.u32 v2, v26;
	v41 =	vor.u32 v2, v21;
	v53 =	vld.idx.msk [tilespmem:v57+s18+$0x0], $0xffff  }
0x2b1: {  	_ = 	snop  }
0x2b2: {  	s2 =	sadd.s32 $0xFFFFFF00, s25  }
0x2b3: {  	v19 =	vadd.f32 v51, v29;
	s2 =	sand.u32 $0x280, s2  }
0x2b4: {  	[tilespmem:s8+$0xFFFFFFC0] =	vst v48;
	s9 =	sor.u32 s2, s22  }
0x2b5: {  	v48 =	vld.idx.msk [tilespmem:v54+s18+$0x0], $0xffff;
	[tilespmem:s9+$0x0] =	vst v19  }
0x2b6: {  	[tilespmem:s11+$0x0] =	vst v55;
	v19 =	vld.idx.msk [tilespmem:v33+s18+$0x0], $0xffff  }
0x2b7: {  	v59 =	vld.idx.msk [tilespmem:v39+s18+$0x0], $0xffff  }
0x2b8: {  	v60 =	vadd.f32 v46, v22  }
0x2b9: {  	v61 =	vadd.f32 v52, v16;
	v62 =	vor.u32 v2, v25  }
0x2ba: {  	v63 =	vor.u32 v2, v24;
	[tilespmem:s3+$0x10] =	vst v60;
	v48 =	vadd.f32 v48, v30  }
0x2bb: {  	[tilespmem:s17+$0x20] =	vst v61;
	v19 =	vadd.f32 v19, v29  }
0x2bc: {  	v47 =	vld.idx.msk [tilespmem:v47+s18+$0x0], $0xffff;
	v33 =	vadd.f32 v59, v23;
	[tilespmem:s8+$0xFFFFFFD0] =	vst v48  }
0x2bd: {  	v32 =	vadd.f32 v32, v8;
	v52 =	vld.idx.msk [tilespmem:v49+s18+$0x0], $0xffff;
	[tilespmem:s9+$0x10] =	vst v19  }
0x2be: {  	v45 =	vadd.f32 v45, v15;
	[tilespmem:s11+$0x10] =	vst v33;
	v55 =	vld.idx.msk [tilespmem:v62+s18+$0x0], $0xffff  }
0x2bf: {  	v54 =	vadd.f32 v43, v18;
	[tilespmem:s29+$0x40] =	vst v32;
	v39 =	vld.idx.msk [tilespmem:v63+s18+$0x0], $0xffff  }
0x2c0: {  	v58 =	vor.u32 v3, v26;
	[tilespmem:s15+$0x60] =	vst v45;
	v41 =	vld.idx.msk [tilespmem:v41+s18+$0x0], $0xffff;
	v56 =	vadd.f32 v53, v12  }
0x2c1: {  	v44 =	vld.idx.msk [tilespmem:v44+s18+$0x0], $0xffff;
	v60 =	vor.u32 v3, v25;
	[tilespmem:s6+$0x60] =	vst v54;
	v57 =	vadd.f32 v47, v10  }
0x2c2: {  	v31 =	vld.idx.msk [tilespmem:v31+s18+$0x0], $0xffff;
	[tilespmem:s10+$0x0] =	vst v56;
	v62 =	vor.u32 v3, v24;
	v61 =	vadd.f32 v52, v30  }
0x2c3: {  	v38 =	vld.idx.msk [tilespmem:v38+s18+$0x0], $0xffff;
	[tilespmem:s1+$0x60] =	vst v57;
	v33 =	vadd.f32 v55, v29  }
0x2c4: {  	v34 =	vld.idx.msk [tilespmem:v34+s18+$0x0], $0xffff;
	v39 =	vadd.f32 v39, v23;
	[tilespmem:s8+$0xFFFFFFE0] =	vst v61  }
0x2c5: {  	v63 =	vadd.f32 v41, v22;
	v45 =	vld.idx.msk [tilespmem:v58+s18+$0x0], $0xffff;
	[tilespmem:s9+$0x20] =	vst v33  }
0x2c6: {  	v59 =	vadd.f32 v50, v9;
	[tilespmem:s11+$0x20] =	vst v39;
	v49 =	vld.idx.msk [tilespmem:v60+s18+$0x0], $0xffff  }
0x2c7: {  	v50 =	vadd.f32 v44, v17;
	[tilespmem:s3+$0x20] =	vst v63;
	v51 =	vld.idx.msk [tilespmem:v62+s18+$0x0], $0xffff  }
0x2c8: {  	v54 =	vor.u32 v4, v26;
	[tilespmem:s0+$0x30] =	vst v59;
	v48 =	vadd.f32 v31, v16;
	v53 =	vld.idx.msk [tilespmem:v42+s18+$0x0], $0xffff  }
0x2c9: {  	v56 =	vor.u32 v4, v25;
	[tilespmem:s5+$0x30] =	vst v50;
	v59 =	vld.idx.msk [tilespmem:v40+s18+$0x0], $0xffff;
	v40 =	vadd.f32 v34, v10  }
0x2ca: {  	v35 =	vld.idx.msk [tilespmem:v35+s18+$0x0], $0xffff;
	[tilespmem:s17+$0x30] =	vst v48;
	v58 =	vor.u32 v4, v24;
	v57 =	vadd.f32 v45, v30  }
0x2cb: {  	v37 =	vld.idx.msk [tilespmem:v37+s18+$0x0], $0xffff;
	[tilespmem:s1+$0x70] =	vst v40;
	v60 =	vor.u32 v4, v21;
	v31 =	vadd.f32 v49, v29  }
0x2cc: {  	v52 =	vadd.f32 v38, v18;
	v61 =	vadd.f32 v51, v23;
	[tilespmem:s8+$0xFFFFFFF0] =	vst v57  }
0x2cd: {  	v62 =	vor.u32 v5, v14;
	v18 =	vadd.f32 v53, v22;
	v38 =	vld.idx.msk [tilespmem:v54+s18+$0x0], $0xffff;
	[tilespmem:s9+$0x30] =	vst v31  }
0x2ce: {  	v42 =	vor.u32 v5, v13;
	[tilespmem:s11+$0x30] =	vst v61;
	v41 =	vld.idx.msk [tilespmem:v56+s18+$0x0], $0xffff  }
0x2cf: {  	v63 =	vor.u32 v5, v11;
	v43 =	vadd.f32 v35, v17;
	[tilespmem:s3+$0x30] =	vst v18;
	v44 =	vld.idx.msk [tilespmem:v58+s18+$0x0], $0xffff  }
0x2d0: {  	v47 =	vor.u32 v5, v26;
	[tilespmem:s6+$0x70] =	vst v52;
	v55 =	vadd.f32 v37, v15;
	v46 =	vld.idx.msk [tilespmem:v60+s18+$0x0], $0xffff  }
0x2d1: {  	v36 =	vld.idx.msk [tilespmem:v36+s18+$0x0], $0xffff;
	v48 =	vor.u32 v5, v25;
	[tilespmem:s5+$0x40] =	vst v43;
	v45 =	vadd.f32 v59, v9  }
0x2d2: {  	v50 =	vor.u32 v5, v24;
	[tilespmem:s15+$0x70] =	vst v55;
	v19 =	vld.idx.msk [tilespmem:v62+s18+$0x0], $0xffff;
	v49 =	vadd.f32 v38, v30  }
0x2d3: {  	v33 =	vld.idx.msk [tilespmem:v42+s18+$0x0], $0xffff;
	v51 =	vor.u32 v5, v21;
	[tilespmem:s0+$0x40] =	vst v45;
	v16 =	vadd.f32 v41, v29  }
0x2d4: {  	v20 =	vor.u32 v6, v20;
	v31 =	vld.idx.msk [tilespmem:v63+s18+$0x0], $0xffff;
	v18 =	vadd.f32 v44, v23;
	[tilespmem:s8+$0x0] =	vst v49  }
0x2d5: {  	v52 =	vor.u32 v6, v14;
	v10 =	vadd.f32 v46, v22;
	v15 =	vld.idx.msk [tilespmem:v47+s18+$0x0], $0xffff;
	[tilespmem:s9+$0x40] =	vst v16  }
0x2d6: {  	v53 =	vadd.f32 v36, v12;
	v56 =	vor.u32 v6, v13;
	[tilespmem:s11+$0x40] =	vst v18;
	v55 =	vld.idx.msk [tilespmem:v48+s18+$0x0], $0xffff  }
0x2d7: {  	v54 =	vor.u32 v6, v11;
	v19 =	vadd.f32 v19, v17;
	[tilespmem:s3+$0x40] =	vst v10;
	v37 =	vld.idx.msk [tilespmem:v50+s18+$0x0], $0xffff  }
0x2d8: {  	[tilespmem:s10+$0x10] =	vst v53;
	v59 =	vor.u32 v6, v26;
	v60 =	vadd.f32 v33, v8;
	v58 =	vld.idx.msk [tilespmem:v51+s18+$0x0], $0xffff  }
0x2d9: {  	v20 =	vld.idx.msk [tilespmem:v20+s18+$0x0], $0xffff;
	v61 =	vor.u32 v6, v25;
	[tilespmem:s5+$0x50] =	vst v19;
	v57 =	vadd.f32 v31, v9  }
0x2da: {  	v63 =	vor.u32 v6, v24;
	[tilespmem:s29+$0x50] =	vst v60;
	v62 =	vld.idx.msk [tilespmem:v52+s18+$0x0], $0xffff;
	v15 =	vadd.f32 v15, v30  }
0x2db: {  	v38 =	vor.u32 v6, v21;
	v34 =	vld.idx.msk [tilespmem:v56+s18+$0x0], $0xffff;
	[tilespmem:s0+$0x50] =	vst v57;
	v18 =	vadd.f32 v55, v29  }
0x2dc: {  	v36 =	vld.idx.msk [tilespmem:v54+s18+$0x0], $0xffff;
	v39 =	vadd.f32 v37, v23;
	[tilespmem:s8+$0x10] =	vst v15  }
0x2dd: {  	v40 =	vor.u32 v7, v14;
	v16 =	vadd.f32 v58, v22;
	v26 =	vld.idx.msk [tilespmem:v59+s18+$0x0], $0xffff;
	[tilespmem:s9+$0x50] =	vst v18  }
0x2de: {  	v42 =	vadd.f32 v20, v12;
	v44 =	vor.u32 v7, v13;
	[tilespmem:s11+$0x50] =	vst v39;
	v43 =	vld.idx.msk [tilespmem:v61+s18+$0x0], $0xffff  }
0x2df: {  	v41 =	vor.u32 v7, v11;
	v10 =	vadd.f32 v62, v17;
	[tilespmem:s3+$0x50] =	vst v16;
	v45 =	vld.idx.msk [tilespmem:v63+s18+$0x0], $0xffff  }
0x2e0: {  	[tilespmem:s10+$0x20] =	vst v42;
	v49 =	vadd.f32 v34, v8;
	v47 =	vld.idx.msk [tilespmem:v38+s18+$0x0], $0xffff  }
0x2e1: {  	v50 =	vor.u32 v7, v25;
	v48 =	vld.idx.msk [tilespmem:v27+s18+$0x0], $0xffff;
	[tilespmem:s5+$0x60] =	vst v10;
	v46 =	vadd.f32 v36, v9  }
0x2e2: {  	v51 =	vor.u32 v7, v24;
	v14 =	vld.idx.msk [tilespmem:v40+s18+$0x0], $0xffff;
	[tilespmem:s29+$0x60] =	vst v49;
	v52 =	vadd.f32 v26, v30  }
0x2e3: {  	v54 =	vor.u32 v7, v21;
	v13 =	vld.idx.msk [tilespmem:v44+s18+$0x0], $0xffff;
	[tilespmem:s0+$0x60] =	vst v46;
	v15 =	vadd.f32 v43, v29  }
0x2e4: {  	v53 =	vld.idx.msk [tilespmem:v41+s18+$0x0], $0xffff;
	v19 =	vadd.f32 v45, v23;
	[tilespmem:s8+$0x20] =	vst v52  }
0x2e5: {  	v56 =	vadd.f32 v47, v22;
	v55 =	vld.idx.msk [tilespmem:v28+s18+$0x0], $0xffff;
	[tilespmem:s9+$0x60] =	vst v15  }
0x2e6: {  	v57 =	vadd.f32 v48, v12;
	[tilespmem:s11+$0x60] =	vst v19;
	v58 =	vld.idx.msk [tilespmem:v50+s18+$0x0], $0xffff  }
0x2e7: {  	v14 =	vadd.f32 v14, v17;
	[tilespmem:s3+$0x60] =	vst v56;
	v59 =	vld.idx.msk [tilespmem:v51+s18+$0x0], $0xffff  }
0x2e8: {  	[tilespmem:s10+$0x30] =	vst v57;
	v8 =	vadd.f32 v13, v8;
	v61 =	vld.idx.msk [tilespmem:v54+s18+$0x0], $0xffff  }
0x2e9: {  	[tilespmem:s5+$0x70] =	vst v14;
	v60 =	vadd.f32 v53, v9  }
0x2ea: {  	[tilespmem:s29+$0x70] =	vst v8;
	v62 =	vadd.f32 v55, v30  }
0x2eb: {  	[tilespmem:s0+$0x70] =	vst v60;
	v8 =	vadd.f32 v58, v29  }
.Ltmp6:
0x2ec: {  	s28 =	sshll.u32 s28, $0x11;
	v63 =	vadd.f32 v59, v23;
	[tilespmem:s8+$0x30] =	vst v62;
	(pc) =	sbr.rel @p0 .LBB2_12-.Ltmp6, $4  }
0x2ed: {  	s0 =	sor.u32 s7, s28;
	[tilespmem:s9+$0x70] =	vst v8;
	v8 =	vadd.f32 v61, v22  }
0x2ee: {  	s29 =	rddreg [dreg:$0x1];
	s0 =	sshrl.u32 s0, $0x3;
	[tilespmem:s11+$0x70] =	vst v63  }
0x2ef: {  	s30 =	simm.s32 $0x400;
	s31 =	simm.s32 $0xCD00;
	s0 =	sadd.s32 s29, s0;
	[tilespmem:s3+$0x70] =	vst v8  }
0x2f0: {  	[hbm4b:s0+s30] =	stream.strided.scatter [tilespmem:s31], [sflag:$0x2], $0x1000, s21, s30, $0x38;
	[tilespmem:$0xDD00] =	vst v63  }
.Ltmp7:
0x2f1: {  	(pc) =	sbr.rel .LBB2_2-.Ltmp7, $4  }
0x2f2: {  	s0 =	sshll.u32 s26, $0x9  }
0x2f3: {  	s0 =	sand.u32 $0x3FFFFE00, s0  }
0x2f4: {  	s1 =	simm.s32 $0x80;
	s26 =	sadd.s32 $0x1, s26;
	s0 =	sadd.s32 $0x380, s0  }
0x2f5: {  	[tilespmem:s18], [sflag:$0x1] =	stream.indirect.gather [hbm4b:s4+s1], $0x20, s0, s1, $0xb8;
	[tilespmem:$0xDD00] =	vst v63  }
.LBB2_13:
0x2f6: {  	_ =	sfence.sel $0x180000  }
0x2f7: {  	[bflag:$0x0] =	sbarrier.arrive $0xFFFF  }
0x2f8: {  	_ =	strace $0x90000047  }
0x2f9: {  	s0 =	stileid.u32;
	[bflag:$0x2] =	sbarrier.arrive $0xFFFF  }
0x2fa: {  	p0 =	sne.s32 s0, $0x0;
	s0 =	rddreg [dreg:$0x2]  }
0x2fb: {  	s0 =	sadd.s32 @!p0 $0x100000, s0  }
0x2fc: {  	[sflag:s0] =	ssyncadd.tile.s32 @!p0 $0x1;
	_ =	shalt  }
.Lfunc_end2:
_tile_overlayer_lowered:
.L_overlay_start_2:
0x2fd: {  	(tag) =	ssettag $0x2  }
0x2fe: {  	s0 =	rddreg [dreg:$0x0];
	s2 =	stileid.u32  }
0x2ff: {  	s1 =	rddreg [dreg:$0x1];
	p0 =	sne.s32 s2, $0x0  }
0x300: {  	s3 =	rddreg [dreg:$0x2];
	[bflag:$0x3] =	sbarrier.arrive $0xFFFF;
	s2 =	simm.s32 @!p0 $0x1C03  }
0x301: {  	[timem:s3], [sflag:s2] =	dma.local @!p0 [hbm:s0], s1  }
0x302: {  	s0 =	simm.s32 @!p0 $0x3  }
0x303: {  	_ =	swait.ge @!p0 [sflag:s0], s1  }
0x304: {  	s1 =	ssub.s32 @!p0 $0x0, s1;
	[sflag:s0] =	ssyncset.done @!p0 $0x0  }
0x305: {  	[sflag:s0] =	ssyncadd.s32 @!p0 s1  }
0x306: {  	[bflag:$0x3] =	sbarrier.arrive $0xFFFF  }
0x307: {  	_ =	shalt  }

</sc_bundles>
